<compile_context>
chip_gen: v7x
topology: tpu7x:2x2x1
jax: 0.10.2.dev20260603
libtpu: 0.0.44.dev20260713+nightly
codegen_flags: <defaults>
</compile_context>

<pallas_src>
import functools

import jax
import jax.numpy as jnp
from jax import lax
from jax.experimental import pallas as pl
from jax.experimental.pallas import tpu as pltpu
from jax.experimental.pallas import tpu_sc as plsc

EMBED_DIM = 32
NUM_CORES = 2
NUM_SUBCORES = 16
NUM_WORKERS = NUM_CORES * NUM_SUBCORES

NBUF = 16


@functools.lru_cache(maxsize=None)
def _make_kernel(batch, hist):
    b_per_w = batch // NUM_WORKERS
    ngroup = b_per_w // NBUF
    mesh = plsc.VectorSubcoreMesh(core_axis_name="c", subcore_axis_name="s")

    @functools.partial(
        pl.kernel,
        mesh=mesh,
        out_type=jax.ShapeDtypeStruct((batch, hist, EMBED_DIM), jnp.float32),
        compiler_params=pltpu.CompilerParams(use_tc_tiling_on_sc=False),
        scratch_types=[
            pltpu.VMEM((b_per_w, hist), jnp.int32),
            pltpu.VMEM((NBUF, hist, EMBED_DIM), jnp.float32),
            pltpu.SemaphoreType.DMA((NBUF,)),
        ],
    )
    def gather_kernel(idx_hbm, table_hbm, out_hbm, idx_v, rows_v, gsem):
        wid = lax.axis_index("s") * NUM_CORES + lax.axis_index("c")
        base = wid * b_per_w
        pltpu.sync_copy(idx_hbm.at[pl.ds(base, b_per_w)], idx_v)

        def gather_cp(i, b):
            return pltpu.make_async_copy(
                table_hbm.at[idx_v.at[i]], rows_v.at[b], gsem.at[b]
            )

        for b in range(NBUF):
            gather_cp(b, b).start()

        def body(j, carry):
            for b in range(NBUF):
                i = j * NBUF + b
                gather_cp(i, b).wait()
                pltpu.sync_copy(rows_v.at[b], out_hbm.at[base + i])
                nxt = i + NBUF

                @pl.when(nxt < b_per_w)
                def _start_next():
                    gather_cp(nxt, b).start()

            return carry

        lax.fori_loop(0, ngroup, body, None)

    return gather_kernel


def kernel(vocab_id_list, table):
    batch, hist = vocab_id_list.shape
    idx = vocab_id_list.astype(jnp.int32)
    return _make_kernel(batch, hist)(idx, table)

# --- scband reference (transcript-rebuilt; emitter-appended) ---
"""Pipeline reference for scband-embedding-layer-32238024524215 (READ-ONLY COPY).

The authoritative reference and input builder live on the scoring server;
editing this copy changes nothing except your own understanding.
"""

import jax, jax.numpy as jnp
import numpy as np

VOCAB = 1000000
EMBED_DIM = 32
BATCH = 16384
HIST_LEN = 50


def setup_inputs(seed: int = 0) -> dict:
    key = jax.random.key(seed)
    k_tab, k_idx = jax.random.split(key)
    # Embedding table initialized uniform_(-0.25, 0.25) as in the torch module
    table = jax.random.uniform(k_tab, (VOCAB, EMBED_DIM), dtype=jnp.float32,
                               minval=-0.25, maxval=0.25)
    vocab_id_list = jax.random.randint(k_idx, (BATCH, HIST_LEN), 0, VOCAB, dtype=jnp.int64)
    return {"vocab_id_list": vocab_id_list, "table": table}


def reference(vocab_id_list, table):
    # nn.Embedding lookup: gather rows of the table by id
    vocab_embedding = jnp.take(table, vocab_id_list, axis=0)
    # Dropout with p=0.0 (eval / configured dropout 0.0) is the identity
    return vocab_embedding

if __name__ == "__main__":
    import jax
    _d = setup_inputs()
    print(jax.jit(kernel)(*tuple(_d.values())))

</pallas_src>

<mosaic_0001>
#map = affine_map<(d0, d1) -> (0, 0)>
#map1 = affine_map<(d0, d1) -> (0, 0, 0)>
module attributes {stable_mosaic.version = 14 : i64} {
  func.func @gather_kernel(%arg0: i32, %arg1: i32, %arg2: memref<16384x50xi32, #tpu.memory_space<hbm>>, %arg3: memref<1000000x32xf32, #tpu.memory_space<hbm>>, %arg4: memref<16384x50x32xf32, #tpu.memory_space<hbm>>, %arg5: memref<512x50xi32, #tpu.memory_space<vmem>>, %arg6: memref<16x50x32xf32, #tpu.memory_space<vmem>>, %arg7: memref<16x!tpu.dma_semaphore, #tpu.memory_space<semaphore_mem>>) attributes {dimension_semantics = [#tpu.dimension_semantics<core_parallel>, #tpu.dimension_semantics<subcore_parallel>], iteration_bounds = array<i64: 2, 16>, scalar_prefetch = 0 : i64, scratch_operands = 3 : i64, tpu.core_type = #tpu.core_type<sc_vector_subcore>, window_params = [{transform_indices = #map}, {transform_indices = #map}, {transform_indices = #map1}]} {
    %mul3A = arith.constant 2 : i32
    %mul3A_0 = arith.muli %arg1, %mul3A : i32
    %add3A = arith.addi %mul3A_0, %arg0 : i32
    %mul3A_1 = arith.constant 512 : i32
    %mul3A_2 = arith.muli %add3A, %mul3A_1 : i32
    "tpu.region"() ({
      %run_scoped3A = tpu.sem_alloc : memref<!tpu.dma_semaphore, #tpu.memory_space<semaphore_mem>>
      %dma_start3A_246 = arith.constant 0 : i32
      %dma_start3A_247 = tpu.memref_slice %arg2[%mul3A_2, %dma_start3A_246] : memref<16384x50xi32, #tpu.memory_space<hbm>> -> memref<512x50xi32, #tpu.memory_space<hbm>>
      %dma_start3A_248 = arith.constant 0 : i32
      %dma_start3A_249 = tpu.memref_slice %arg2[%mul3A_2, %dma_start3A_248] : memref<16384x50xi32, #tpu.memory_space<hbm>> -> memref<512x50xi32, #tpu.memory_space<hbm>>
      tpu.enqueue_dma source(%dma_start3A_249 : memref<512x50xi32, #tpu.memory_space<hbm>>) target(%arg5 : memref<512x50xi32, #tpu.memory_space<vmem>>) target_semaphore(%run_scoped3A : memref<!tpu.dma_semaphore, #tpu.memory_space<semaphore_mem>>)
      %dma_wait3A = arith.constant 0 : i32
      %dma_wait3A_250 = tpu.memref_slice %arg2[%mul3A_2, %dma_wait3A] : memref<16384x50xi32, #tpu.memory_space<hbm>> -> memref<512x50xi32, #tpu.memory_space<hbm>>
      %dma_wait3A_251 = arith.constant 0 : i32
      %dma_wait3A_252 = tpu.memref_slice %arg2[%mul3A_2, %dma_wait3A_251] : memref<16384x50xi32, #tpu.memory_space<hbm>> -> memref<512x50xi32, #tpu.memory_space<hbm>>
      tpu.wait_dma2 semaphore(%run_scoped3A : memref<!tpu.dma_semaphore, #tpu.memory_space<semaphore_mem>>) src(%dma_wait3A_252 : memref<512x50xi32, #tpu.memory_space<hbm>>) dst(%arg5 : memref<512x50xi32, #tpu.memory_space<vmem>>)
      tpu.yield
    }) : () -> ()
    %dma_start3A = arith.constant 0 : i32
    %dma_start3A_3 = arith.constant 0 : i32
    %dma_start3A_4 = arith.constant 0 : i32
    %dma_start3A_5 = arith.constant 0 : i32
    %dma_start3A_6 = arith.constant 0 : i32
    %dma_start3A_7 = tpu.memref_slice %arg6[%dma_start3A_3, %dma_start3A_5, %dma_start3A_6] : memref<16x50x32xf32, #tpu.memory_space<vmem>> -> memref<1x50x32xf32, #tpu.memory_space<vmem>>
    %dma_start3A_8 = tpu.memref_squeeze %dma_start3A_7 : memref<1x50x32xf32, #tpu.memory_space<vmem>> -> memref<50x32xf32, #tpu.memory_space<vmem>>
    %dma_start3A_9 = arith.constant 0 : i32
    %dma_start3A_10 = tpu.memref_slice %arg5[%dma_start3A, %dma_start3A_9] : memref<512x50xi32, #tpu.memory_space<vmem>> -> memref<1x50xi32, #tpu.memory_space<vmem>>
    %dma_start3A_11 = tpu.memref_squeeze %dma_start3A_10 : memref<1x50xi32, #tpu.memory_space<vmem>> -> memref<50xi32, #tpu.memory_space<vmem>>
    %dma_start3A_12 = arith.constant 0 : i32
    %dma_start3A_13 = arith.constant 0 : i32
    %dma_start3A_14 = tpu.memref_slice %arg3[%dma_start3A_12, %dma_start3A_13] : memref<1000000x32xf32, #tpu.memory_space<hbm>> -> memref<1000000x32xf32, #tpu.memory_space<hbm>>
    %dma_start3A_15 = tpu.memref_slice %arg7[%dma_start3A_4] : memref<16x!tpu.dma_semaphore, #tpu.memory_space<semaphore_mem>> -> memref<1x!tpu.dma_semaphore, #tpu.memory_space<semaphore_mem>>
    %dma_start3A_16 = tpu.memref_squeeze %dma_start3A_15 : memref<1x!tpu.dma_semaphore, #tpu.memory_space<semaphore_mem>> -> memref<!tpu.dma_semaphore, #tpu.memory_space<semaphore_mem>>
    tpu.enqueue_indirect_dma source(%dma_start3A_14 : memref<1000000x32xf32, #tpu.memory_space<hbm>>) target(%dma_start3A_8 : memref<50x32xf32, #tpu.memory_space<vmem>>) offsets(%dma_start3A_11 : memref<50xi32, #tpu.memory_space<vmem>>) semaphore(%dma_start3A_16 : memref<!tpu.dma_semaphore, #tpu.memory_space<semaphore_mem>>)
    %dma_start3A_17 = arith.constant 1 : i32
    %dma_start3A_18 = arith.constant 1 : i32
    %dma_start3A_19 = arith.constant 1 : i32
    %dma_start3A_20 = arith.constant 0 : i32
    %dma_start3A_21 = arith.constant 0 : i32
    %dma_start3A_22 = tpu.memref_slice %arg6[%dma_start3A_18, %dma_start3A_20, %dma_start3A_21] : memref<16x50x32xf32, #tpu.memory_space<vmem>> -> memref<1x50x32xf32, #tpu.memory_space<vmem>>
    %dma_start3A_23 = tpu.memref_squeeze %dma_start3A_22 : memref<1x50x32xf32, #tpu.memory_space<vmem>> -> memref<50x32xf32, #tpu.memory_space<vmem>>
    %dma_start3A_24 = arith.constant 0 : i32
    %dma_start3A_25 = tpu.memref_slice %arg5[%dma_start3A_17, %dma_start3A_24] : memref<512x50xi32, #tpu.memory_space<vmem>> -> memref<1x50xi32, #tpu.memory_space<vmem>>
    %dma_start3A_26 = tpu.memref_squeeze %dma_start3A_25 : memref<1x50xi32, #tpu.memory_space<vmem>> -> memref<50xi32, #tpu.memory_space<vmem>>
    %dma_start3A_27 = arith.constant 0 : i32
    %dma_start3A_28 = arith.constant 0 : i32
    %dma_start3A_29 = tpu.memref_slice %arg3[%dma_start3A_27, %dma_start3A_28] : memref<1000000x32xf32, #tpu.memory_space<hbm>> -> memref<1000000x32xf32, #tpu.memory_space<hbm>>
    %dma_start3A_30 = tpu.memref_slice %arg7[%dma_start3A_19] : memref<16x!tpu.dma_semaphore, #tpu.memory_space<semaphore_mem>> -> memref<1x!tpu.dma_semaphore, #tpu.memory_space<semaphore_mem>>
    %dma_start3A_31 = tpu.memref_squeeze %dma_start3A_30 : memref<1x!tpu.dma_semaphore, #tpu.memory_space<semaphore_mem>> -> memref<!tpu.dma_semaphore, #tpu.memory_space<semaphore_mem>>
    tpu.enqueue_indirect_dma source(%dma_start3A_29 : memref<1000000x32xf32, #tpu.memory_space<hbm>>) target(%dma_start3A_23 : memref<50x32xf32, #tpu.memory_space<vmem>>) offsets(%dma_start3A_26 : memref<50xi32, #tpu.memory_space<vmem>>) semaphore(%dma_start3A_31 : memref<!tpu.dma_semaphore, #tpu.memory_space<semaphore_mem>>)
    %dma_start3A_32 = arith.constant 2 : i32
    %dma_start3A_33 = arith.constant 2 : i32
    %dma_start3A_34 = arith.constant 2 : i32
    %dma_start3A_35 = arith.constant 0 : i32
    %dma_start3A_36 = arith.constant 0 : i32
    %dma_start3A_37 = tpu.memref_slice %arg6[%dma_start3A_33, %dma_start3A_35, %dma_start3A_36] : memref<16x50x32xf32, #tpu.memory_space<vmem>> -> memref<1x50x32xf32, #tpu.memory_space<vmem>>
    %dma_start3A_38 = tpu.memref_squeeze %dma_start3A_37 : memref<1x50x32xf32, #tpu.memory_space<vmem>> -> memref<50x32xf32, #tpu.memory_space<vmem>>
    %dma_start3A_39 = arith.constant 0 : i32
    %dma_start3A_40 = tpu.memref_slice %arg5[%dma_start3A_32, %dma_start3A_39] : memref<512x50xi32, #tpu.memory_space<vmem>> -> memref<1x50xi32, #tpu.memory_space<vmem>>
    %dma_start3A_41 = tpu.memref_squeeze %dma_start3A_40 : memref<1x50xi32, #tpu.memory_space<vmem>> -> memref<50xi32, #tpu.memory_space<vmem>>
    %dma_start3A_42 = arith.constant 0 : i32
    %dma_start3A_43 = arith.constant 0 : i32
    %dma_start3A_44 = tpu.memref_slice %arg3[%dma_start3A_42, %dma_start3A_43] : memref<1000000x32xf32, #tpu.memory_space<hbm>> -> memref<1000000x32xf32, #tpu.memory_space<hbm>>
    %dma_start3A_45 = tpu.memref_slice %arg7[%dma_start3A_34] : memref<16x!tpu.dma_semaphore, #tpu.memory_space<semaphore_mem>> -> memref<1x!tpu.dma_semaphore, #tpu.memory_space<semaphore_mem>>
    %dma_start3A_46 = tpu.memref_squeeze %dma_start3A_45 : memref<1x!tpu.dma_semaphore, #tpu.memory_space<semaphore_mem>> -> memref<!tpu.dma_semaphore, #tpu.memory_space<semaphore_mem>>
    tpu.enqueue_indirect_dma source(%dma_start3A_44 : memref<1000000x32xf32, #tpu.memory_space<hbm>>) target(%dma_start3A_38 : memref<50x32xf32, #tpu.memory_space<vmem>>) offsets(%dma_start3A_41 : memref<50xi32, #tpu.memory_space<vmem>>) semaphore(%dma_start3A_46 : memref<!tpu.dma_semaphore, #tpu.memory_space<semaphore_mem>>)
    %dma_start3A_47 = arith.constant 3 : i32
    %dma_start3A_48 = arith.constant 3 : i32
    %dma_start3A_49 = arith.constant 3 : i32
    %dma_start3A_50 = arith.constant 0 : i32
    %dma_start3A_51 = arith.constant 0 : i32
    %dma_start3A_52 = tpu.memref_slice %arg6[%dma_start3A_48, %dma_start3A_50, %dma_start3A_51] : memref<16x50x32xf32, #tpu.memory_space<vmem>> -> memref<1x50x32xf32, #tpu.memory_space<vmem>>
    %dma_start3A_53 = tpu.memref_squeeze %dma_start3A_52 : memref<1x50x32xf32, #tpu.memory_space<vmem>> -> memref<50x32xf32, #tpu.memory_space<vmem>>
    %dma_start3A_54 = arith.constant 0 : i32
    %dma_start3A_55 = tpu.memref_slice %arg5[%dma_start3A_47, %dma_start3A_54] : memref<512x50xi32, #tpu.memory_space<vmem>> -> memref<1x50xi32, #tpu.memory_space<vmem>>
    %dma_start3A_56 = tpu.memref_squeeze %dma_start3A_55 : memref<1x50xi32, #tpu.memory_space<vmem>> -> memref<50xi32, #tpu.memory_space<vmem>>
    %dma_start3A_57 = arith.constant 0 : i32
    %dma_start3A_58 = arith.constant 0 : i32
    %dma_start3A_59 = tpu.memref_slice %arg3[%dma_start3A_57, %dma_start3A_58] : memref<1000000x32xf32, #tpu.memory_space<hbm>> -> memref<1000000x32xf32, #tpu.memory_space<hbm>>
    %dma_start3A_60 = tpu.memref_slice %arg7[%dma_start3A_49] : memref<16x!tpu.dma_semaphore, #tpu.memory_space<semaphore_mem>> -> memref<1x!tpu.dma_semaphore, #tpu.memory_space<semaphore_mem>>
    %dma_start3A_61 = tpu.memref_squeeze %dma_start3A_60 : memref<1x!tpu.dma_semaphore, #tpu.memory_space<semaphore_mem>> -> memref<!tpu.dma_semaphore, #tpu.memory_space<semaphore_mem>>
    tpu.enqueue_indirect_dma source(%dma_start3A_59 : memref<1000000x32xf32, #tpu.memory_space<hbm>>) target(%dma_start3A_53 : memref<50x32xf32, #tpu.memory_space<vmem>>) offsets(%dma_start3A_56 : memref<50xi32, #tpu.memory_space<vmem>>) semaphore(%dma_start3A_61 : memref<!tpu.dma_semaphore, #tpu.memory_space<semaphore_mem>>)
    %dma_start3A_62 = arith.constant 4 : i32
    %dma_start3A_63 = arith.constant 4 : i32
    %dma_start3A_64 = arith.constant 4 : i32
    %dma_start3A_65 = arith.constant 0 : i32
    %dma_start3A_66 = arith.constant 0 : i32
    %dma_start3A_67 = tpu.memref_slice %arg6[%dma_start3A_63, %dma_start3A_65, %dma_start3A_66] : memref<16x50x32xf32, #tpu.memory_space<vmem>> -> memref<1x50x32xf32, #tpu.memory_space<vmem>>
    %dma_start3A_68 = tpu.memref_squeeze %dma_start3A_67 : memref<1x50x32xf32, #tpu.memory_space<vmem>> -> memref<50x32xf32, #tpu.memory_space<vmem>>
    %dma_start3A_69 = arith.constant 0 : i32
    %dma_start3A_70 = tpu.memref_slice %arg5[%dma_start3A_62, %dma_start3A_69] : memref<512x50xi32, #tpu.memory_space<vmem>> -> memref<1x50xi32, #tpu.memory_space<vmem>>
    %dma_start3A_71 = tpu.memref_squeeze %dma_start3A_70 : memref<1x50xi32, #tpu.memory_space<vmem>> -> memref<50xi32, #tpu.memory_space<vmem>>
    %dma_start3A_72 = arith.constant 0 : i32
    %dma_start3A_73 = arith.constant 0 : i32
    %dma_start3A_74 = tpu.memref_slice %arg3[%dma_start3A_72, %dma_start3A_73] : memref<1000000x32xf32, #tpu.memory_space<hbm>> -> memref<1000000x32xf32, #tpu.memory_space<hbm>>
    %dma_start3A_75 = tpu.memref_slice %arg7[%dma_start3A_64] : memref<16x!tpu.dma_semaphore, #tpu.memory_space<semaphore_mem>> -> memref<1x!tpu.dma_semaphore, #tpu.memory_space<semaphore_mem>>
    %dma_start3A_76 = tpu.memref_squeeze %dma_start3A_75 : memref<1x!tpu.dma_semaphore, #tpu.memory_space<semaphore_mem>> -> memref<!tpu.dma_semaphore, #tpu.memory_space<semaphore_mem>>
    tpu.enqueue_indirect_dma source(%dma_start3A_74 : memref<1000000x32xf32, #tpu.memory_space<hbm>>) target(%dma_start3A_68 : memref<50x32xf32, #tpu.memory_space<vmem>>) offsets(%dma_start3A_71 : memref<50xi32, #tpu.memory_space<vmem>>) semaphore(%dma_start3A_76 : memref<!tpu.dma_semaphore, #tpu.memory_space<semaphore_mem>>)
    %dma_start3A_77 = arith.constant 5 : i32
    %dma_start3A_78 = arith.constant 5 : i32
    %dma_start3A_79 = arith.constant 5 : i32
    %dma_start3A_80 = arith.constant 0 : i32
    %dma_start3A_81 = arith.constant 0 : i32
    %dma_start3A_82 = tpu.memref_slice %arg6[%dma_start3A_78, %dma_start3A_80, %dma_start3A_81] : memref<16x50x32xf32, #tpu.memory_space<vmem>> -> memref<1x50x32xf32, #tpu.memory_space<vmem>>
    %dma_start3A_83 = tpu.memref_squeeze %dma_start3A_82 : memref<1x50x32xf32, #tpu.memory_space<vmem>> -> memref<50x32xf32, #tpu.memory_space<vmem>>
    %dma_start3A_84 = arith.constant 0 : i32
    %dma_start3A_85 = tpu.memref_slice %arg5[%dma_start3A_77, %dma_start3A_84] : memref<512x50xi32, #tpu.memory_space<vmem>> -> memref<1x50xi32, #tpu.memory_space<vmem>>
    %dma_start3A_86 = tpu.memref_squeeze %dma_start3A_85 : memref<1x50xi32, #tpu.memory_space<vmem>> -> memref<50xi32, #tpu.memory_space<vmem>>
    %dma_start3A_87 = arith.constant 0 : i32
    %dma_start3A_88 = arith.constant 0 : i32
    %dma_start3A_89 = tpu.memref_slice %arg3[%dma_start3A_87, %dma_start3A_88] : memref<1000000x32xf32, #tpu.memory_space<hbm>> -> memref<1000000x32xf32, #tpu.memory_space<hbm>>
    %dma_start3A_90 = tpu.memref_slice %arg7[%dma_start3A_79] : memref<16x!tpu.dma_semaphore, #tpu.memory_space<semaphore_mem>> -> memref<1x!tpu.dma_semaphore, #tpu.memory_space<semaphore_mem>>
    %dma_start3A_91 = tpu.memref_squeeze %dma_start3A_90 : memref<1x!tpu.dma_semaphore, #tpu.memory_space<semaphore_mem>> -> memref<!tpu.dma_semaphore, #tpu.memory_space<semaphore_mem>>
    tpu.enqueue_indirect_dma source(%dma_start3A_89 : memref<1000000x32xf32, #tpu.memory_space<hbm>>) target(%dma_start3A_83 : memref<50x32xf32, #tpu.memory_space<vmem>>) offsets(%dma_start3A_86 : memref<50xi32, #tpu.memory_space<vmem>>) semaphore(%dma_start3A_91 : memref<!tpu.dma_semaphore, #tpu.memory_space<semaphore_mem>>)
    %dma_start3A_92 = arith.constant 6 : i32
    %dma_start3A_93 = arith.constant 6 : i32
    %dma_start3A_94 = arith.constant 6 : i32
    %dma_start3A_95 = arith.constant 0 : i32
    %dma_start3A_96 = arith.constant 0 : i32
    %dma_start3A_97 = tpu.memref_slice %arg6[%dma_start3A_93, %dma_start3A_95, %dma_start3A_96] : memref<16x50x32xf32, #tpu.memory_space<vmem>> -> memref<1x50x32xf32, #tpu.memory_space<vmem>>
    %dma_start3A_98 = tpu.memref_squeeze %dma_start3A_97 : memref<1x50x32xf32, #tpu.memory_space<vmem>> -> memref<50x32xf32, #tpu.memory_space<vmem>>
    %dma_start3A_99 = arith.constant 0 : i32
    %dma_start3A_100 = tpu.memref_slice %arg5[%dma_start3A_92, %dma_start3A_99] : memref<512x50xi32, #tpu.memory_space<vmem>> -> memref<1x50xi32, #tpu.memory_space<vmem>>
    %dma_start3A_101 = tpu.memref_squeeze %dma_start3A_100 : memref<1x50xi32, #tpu.memory_space<vmem>> -> memref<50xi32, #tpu.memory_space<vmem>>
    %dma_start3A_102 = arith.constant 0 : i32
    %dma_start3A_103 = arith.constant 0 : i32
    %dma_start3A_104 = tpu.memref_slice %arg3[%dma_start3A_102, %dma_start3A_103] : memref<1000000x32xf32, #tpu.memory_space<hbm>> -> memref<1000000x32xf32, #tpu.memory_space<hbm>>
    %dma_start3A_105 = tpu.memref_slice %arg7[%dma_start3A_94] : memref<16x!tpu.dma_semaphore, #tpu.memory_space<semaphore_mem>> -> memref<1x!tpu.dma_semaphore, #tpu.memory_space<semaphore_mem>>
    %dma_start3A_106 = tpu.memref_squeeze %dma_start3A_105 : memref<1x!tpu.dma_semaphore, #tpu.memory_space<semaphore_mem>> -> memref<!tpu.dma_semaphore, #tpu.memory_space<semaphore_mem>>
    tpu.enqueue_indirect_dma source(%dma_start3A_104 : memref<1000000x32xf32, #tpu.memory_space<hbm>>) target(%dma_start3A_98 : memref<50x32xf32, #tpu.memory_space<vmem>>) offsets(%dma_start3A_101 : memref<50xi32, #tpu.memory_space<vmem>>) semaphore(%dma_start3A_106 : memref<!tpu.dma_semaphore, #tpu.memory_space<semaphore_mem>>)
    %dma_start3A_107 = arith.constant 7 : i32
    %dma_start3A_108 = arith.constant 7 : i32
    %dma_start3A_109 = arith.constant 7 : i32
    %dma_start3A_110 = arith.constant 0 : i32
    %dma_start3A_111 = arith.constant 0 : i32
    %dma_start3A_112 = tpu.memref_slice %arg6[%dma_start3A_108, %dma_start3A_110, %dma_start3A_111] : memref<16x50x32xf32, #tpu.memory_space<vmem>> -> memref<1x50x32xf32, #tpu.memory_space<vmem>>
    %dma_start3A_113 = tpu.memref_squeeze %dma_start3A_112 : memref<1x50x32xf32, #tpu.memory_space<vmem>> -> memref<50x32xf32, #tpu.memory_space<vmem>>
    %dma_start3A_114 = arith.constant 0 : i32
    %dma_start3A_115 = tpu.memref_slice %arg5[%dma_start3A_107, %dma_start3A_114] : memref<512x50xi32, #tpu.memory_space<vmem>> -> memref<1x50xi32, #tpu.memory_space<vmem>>
    %dma_start3A_116 = tpu.memref_squeeze %dma_start3A_115 : memref<1x50xi32, #tpu.memory_space<vmem>> -> memref<50xi32, #tpu.memory_space<vmem>>
    %dma_start3A_117 = arith.constant 0 : i32
    %dma_start3A_118 = arith.constant 0 : i32
    %dma_start3A_119 = tpu.memref_slice %arg3[%dma_start3A_117, %dma_start3A_118] : memref<1000000x32xf32, #tpu.memory_space<hbm>> -> memref<1000000x32xf32, #tpu.memory_space<hbm>>
    %dma_start3A_120 = tpu.memref_slice %arg7[%dma_start3A_109] : memref<16x!tpu.dma_semaphore, #tpu.memory_space<semaphore_mem>> -> memref<1x!tpu.dma_semaphore, #tpu.memory_space<semaphore_mem>>
    %dma_start3A_121 = tpu.memref_squeeze %dma_start3A_120 : memref<1x!tpu.dma_semaphore, #tpu.memory_space<semaphore_mem>> -> memref<!tpu.dma_semaphore, #tpu.memory_space<semaphore_mem>>
    tpu.enqueue_indirect_dma source(%dma_start3A_119 : memref<1000000x32xf32, #tpu.memory_space<hbm>>) target(%dma_start3A_113 : memref<50x32xf32, #tpu.memory_space<vmem>>) offsets(%dma_start3A_116 : memref<50xi32, #tpu.memory_space<vmem>>) semaphore(%dma_start3A_121 : memref<!tpu.dma_semaphore, #tpu.memory_space<semaphore_mem>>)
    %dma_start3A_122 = arith.constant 8 : i32
    %dma_start3A_123 = arith.constant 8 : i32
    %dma_start3A_124 = arith.constant 8 : i32
    %dma_start3A_125 = arith.constant 0 : i32
    %dma_start3A_126 = arith.constant 0 : i32
    %dma_start3A_127 = tpu.memref_slice %arg6[%dma_start3A_123, %dma_start3A_125, %dma_start3A_126] : memref<16x50x32xf32, #tpu.memory_space<vmem>> -> memref<1x50x32xf32, #tpu.memory_space<vmem>>
    %dma_start3A_128 = tpu.memref_squeeze %dma_start3A_127 : memref<1x50x32xf32, #tpu.memory_space<vmem>> -> memref<50x32xf32, #tpu.memory_space<vmem>>
    %dma_start3A_129 = arith.constant 0 : i32
    %dma_start3A_130 = tpu.memref_slice %arg5[%dma_start3A_122, %dma_start3A_129] : memref<512x50xi32, #tpu.memory_space<vmem>> -> memref<1x50xi32, #tpu.memory_space<vmem>>
    %dma_start3A_131 = tpu.memref_squeeze %dma_start3A_130 : memref<1x50xi32, #tpu.memory_space<vmem>> -> memref<50xi32, #tpu.memory_space<vmem>>
    %dma_start3A_132 = arith.constant 0 : i32
    %dma_start3A_133 = arith.constant 0 : i32
    %dma_start3A_134 = tpu.memref_slice %arg3[%dma_start3A_132, %dma_start3A_133] : memref<1000000x32xf32, #tpu.memory_space<hbm>> -> memref<1000000x32xf32, #tpu.memory_space<hbm>>
    %dma_start3A_135 = tpu.memref_slice %arg7[%dma_start3A_124] : memref<16x!tpu.dma_semaphore, #tpu.memory_space<semaphore_mem>> -> memref<1x!tpu.dma_semaphore, #tpu.memory_space<semaphore_mem>>
    %dma_start3A_136 = tpu.memref_squeeze %dma_start3A_135 : memref<1x!tpu.dma_semaphore, #tpu.memory_space<semaphore_mem>> -> memref<!tpu.dma_semaphore, #tpu.memory_space<semaphore_mem>>
    tpu.enqueue_indirect_dma source(%dma_start3A_134 : memref<1000000x32xf32, #tpu.memory_space<hbm>>) target(%dma_start3A_128 : memref<50x32xf32, #tpu.memory_space<vmem>>) offsets(%dma_start3A_131 : memref<50xi32, #tpu.memory_space<vmem>>) semaphore(%dma_start3A_136 : memref<!tpu.dma_semaphore, #tpu.memory_space<semaphore_mem>>)
    %dma_start3A_137 = arith.constant 9 : i32
    %dma_start3A_138 = arith.constant 9 : i32
    %dma_start3A_139 = arith.constant 9 : i32
    %dma_start3A_140 = arith.constant 0 : i32
    %dma_start3A_141 = arith.constant 0 : i32
    %dma_start3A_142 = tpu.memref_slice %arg6[%dma_start3A_138, %dma_start3A_140, %dma_start3A_141] : memref<16x50x32xf32, #tpu.memory_space<vmem>> -> memref<1x50x32xf32, #tpu.memory_space<vmem>>
    %dma_start3A_143 = tpu.memref_squeeze %dma_start3A_142 : memref<1x50x32xf32, #tpu.memory_space<vmem>> -> memref<50x32xf32, #tpu.memory_space<vmem>>
    %dma_start3A_144 = arith.constant 0 : i32
    %dma_start3A_145 = tpu.memref_slice %arg5[%dma_start3A_137, %dma_start3A_144] : memref<512x50xi32, #tpu.memory_space<vmem>> -> memref<1x50xi32, #tpu.memory_space<vmem>>
    %dma_start3A_146 = tpu.memref_squeeze %dma_start3A_145 : memref<1x50xi32, #tpu.memory_space<vmem>> -> memref<50xi32, #tpu.memory_space<vmem>>
    %dma_start3A_147 = arith.constant 0 : i32
    %dma_start3A_148 = arith.constant 0 : i32
    %dma_start3A_149 = tpu.memref_slice %arg3[%dma_start3A_147, %dma_start3A_148] : memref<1000000x32xf32, #tpu.memory_space<hbm>> -> memref<1000000x32xf32, #tpu.memory_space<hbm>>
    %dma_start3A_150 = tpu.memref_slice %arg7[%dma_start3A_139] : memref<16x!tpu.dma_semaphore, #tpu.memory_space<semaphore_mem>> -> memref<1x!tpu.dma_semaphore, #tpu.memory_space<semaphore_mem>>
    %dma_start3A_151 = tpu.memref_squeeze %dma_start3A_150 : memref<1x!tpu.dma_semaphore, #tpu.memory_space<semaphore_mem>> -> memref<!tpu.dma_semaphore, #tpu.memory_space<semaphore_mem>>
    tpu.enqueue_indirect_dma source(%dma_start3A_149 : memref<1000000x32xf32, #tpu.memory_space<hbm>>) target(%dma_start3A_143 : memref<50x32xf32, #tpu.memory_space<vmem>>) offsets(%dma_start3A_146 : memref<50xi32, #tpu.memory_space<vmem>>) semaphore(%dma_start3A_151 : memref<!tpu.dma_semaphore, #tpu.memory_space<semaphore_mem>>)
    %dma_start3A_152 = arith.constant 10 : i32
    %dma_start3A_153 = arith.constant 10 : i32
    %dma_start3A_154 = arith.constant 10 : i32
    %dma_start3A_155 = arith.constant 0 : i32
    %dma_start3A_156 = arith.constant 0 : i32
    %dma_start3A_157 = tpu.memref_slice %arg6[%dma_start3A_153, %dma_start3A_155, %dma_start3A_156] : memref<16x50x32xf32, #tpu.memory_space<vmem>> -> memref<1x50x32xf32, #tpu.memory_space<vmem>>
    %dma_start3A_158 = tpu.memref_squeeze %dma_start3A_157 : memref<1x50x32xf32, #tpu.memory_space<vmem>> -> memref<50x32xf32, #tpu.memory_space<vmem>>
    %dma_start3A_159 = arith.constant 0 : i32
    %dma_start3A_160 = tpu.memref_slice %arg5[%dma_start3A_152, %dma_start3A_159] : memref<512x50xi32, #tpu.memory_space<vmem>> -> memref<1x50xi32, #tpu.memory_space<vmem>>
    %dma_start3A_161 = tpu.memref_squeeze %dma_start3A_160 : memref<1x50xi32, #tpu.memory_space<vmem>> -> memref<50xi32, #tpu.memory_space<vmem>>
    %dma_start3A_162 = arith.constant 0 : i32
    %dma_start3A_163 = arith.constant 0 : i32
    %dma_start3A_164 = tpu.memref_slice %arg3[%dma_start3A_162, %dma_start3A_163] : memref<1000000x32xf32, #tpu.memory_space<hbm>> -> memref<1000000x32xf32, #tpu.memory_space<hbm>>
    %dma_start3A_165 = tpu.memref_slice %arg7[%dma_start3A_154] : memref<16x!tpu.dma_semaphore, #tpu.memory_space<semaphore_mem>> -> memref<1x!tpu.dma_semaphore, #tpu.memory_space<semaphore_mem>>
    %dma_start3A_166 = tpu.memref_squeeze %dma_start3A_165 : memref<1x!tpu.dma_semaphore, #tpu.memory_space<semaphore_mem>> -> memref<!tpu.dma_semaphore, #tpu.memory_space<semaphore_mem>>
    tpu.enqueue_indirect_dma source(%dma_start3A_164 : memref<1000000x32xf32, #tpu.memory_space<hbm>>) target(%dma_start3A_158 : memref<50x32xf32, #tpu.memory_space<vmem>>) offsets(%dma_start3A_161 : memref<50xi32, #tpu.memory_space<vmem>>) semaphore(%dma_start3A_166 : memref<!tpu.dma_semaphore, #tpu.memory_space<semaphore_mem>>)
    %dma_start3A_167 = arith.constant 11 : i32
    %dma_start3A_168 = arith.constant 11 : i32
    %dma_start3A_169 = arith.constant 11 : i32
    %dma_start3A_170 = arith.constant 0 : i32
    %dma_start3A_171 = arith.constant 0 : i32
    %dma_start3A_172 = tpu.memref_slice %arg6[%dma_start3A_168, %dma_start3A_170, %dma_start3A_171] : memref<16x50x32xf32, #tpu.memory_space<vmem>> -> memref<1x50x32xf32, #tpu.memory_space<vmem>>
    %dma_start3A_173 = tpu.memref_squeeze %dma_start3A_172 : memref<1x50x32xf32, #tpu.memory_space<vmem>> -> memref<50x32xf32, #tpu.memory_space<vmem>>
    %dma_start3A_174 = arith.constant 0 : i32
    %dma_start3A_175 = tpu.memref_slice %arg5[%dma_start3A_167, %dma_start3A_174] : memref<512x50xi32, #tpu.memory_space<vmem>> -> memref<1x50xi32, #tpu.memory_space<vmem>>
    %dma_start3A_176 = tpu.memref_squeeze %dma_start3A_175 : memref<1x50xi32, #tpu.memory_space<vmem>> -> memref<50xi32, #tpu.memory_space<vmem>>
    %dma_start3A_177 = arith.constant 0 : i32
    %dma_start3A_178 = arith.constant 0 : i32
    %dma_start3A_179 = tpu.memref_slice %arg3[%dma_start3A_177, %dma_start3A_178] : memref<1000000x32xf32, #tpu.memory_space<hbm>> -> memref<1000000x32xf32, #tpu.memory_space<hbm>>
    %dma_start3A_180 = tpu.memref_slice %arg7[%dma_start3A_169] : memref<16x!tpu.dma_semaphore, #tpu.memory_space<semaphore_mem>> -> memref<1x!tpu.dma_semaphore, #tpu.memory_space<semaphore_mem>>
    %dma_start3A_181 = tpu.memref_squeeze %dma_start3A_180 : memref<1x!tpu.dma_semaphore, #tpu.memory_space<semaphore_mem>> -> memref<!tpu.dma_semaphore, #tpu.memory_space<semaphore_mem>>
    tpu.enqueue_indirect_dma source(%dma_start3A_179 : memref<1000000x32xf32, #tpu.memory_space<hbm>>) target(%dma_start3A_173 : memref<50x32xf32, #tpu.memory_space<vmem>>) offsets(%dma_start3A_176 : memref<50xi32, #tpu.memory_space<vmem>>) semaphore(%dma_start3A_181 : memref<!tpu.dma_semaphore, #tpu.memory_space<semaphore_mem>>)
    %dma_start3A_182 = arith.constant 12 : i32
    %dma_start3A_183 = arith.constant 12 : i32
    %dma_start3A_184 = arith.constant 12 : i32
    %dma_start3A_185 = arith.constant 0 : i32
    %dma_start3A_186 = arith.constant 0 : i32
    %dma_start3A_187 = tpu.memref_slice %arg6[%dma_start3A_183, %dma_start3A_185, %dma_start3A_186] : memref<16x50x32xf32, #tpu.memory_space<vmem>> -> memref<1x50x32xf32, #tpu.memory_space<vmem>>
    %dma_start3A_188 = tpu.memref_squeeze %dma_start3A_187 : memref<1x50x32xf32, #tpu.memory_space<vmem>> -> memref<50x32xf32, #tpu.memory_space<vmem>>
    %dma_start3A_189 = arith.constant 0 : i32
    %dma_start3A_190 = tpu.memref_slice %arg5[%dma_start3A_182, %dma_start3A_189] : memref<512x50xi32, #tpu.memory_space<vmem>> -> memref<1x50xi32, #tpu.memory_space<vmem>>
    %dma_start3A_191 = tpu.memref_squeeze %dma_start3A_190 : memref<1x50xi32, #tpu.memory_space<vmem>> -> memref<50xi32, #tpu.memory_space<vmem>>
    %dma_start3A_192 = arith.constant 0 : i32
    %dma_start3A_193 = arith.constant 0 : i32
    %dma_start3A_194 = tpu.memref_slice %arg3[%dma_start3A_192, %dma_start3A_193] : memref<1000000x32xf32, #tpu.memory_space<hbm>> -> memref<1000000x32xf32, #tpu.memory_space<hbm>>
    %dma_start3A_195 = tpu.memref_slice %arg7[%dma_start3A_184] : memref<16x!tpu.dma_semaphore, #tpu.memory_space<semaphore_mem>> -> memref<1x!tpu.dma_semaphore, #tpu.memory_space<semaphore_mem>>
    %dma_start3A_196 = tpu.memref_squeeze %dma_start3A_195 : memref<1x!tpu.dma_semaphore, #tpu.memory_space<semaphore_mem>> -> memref<!tpu.dma_semaphore, #tpu.memory_space<semaphore_mem>>
    tpu.enqueue_indirect_dma source(%dma_start3A_194 : memref<1000000x32xf32, #tpu.memory_space<hbm>>) target(%dma_start3A_188 : memref<50x32xf32, #tpu.memory_space<vmem>>) offsets(%dma_start3A_191 : memref<50xi32, #tpu.memory_space<vmem>>) semaphore(%dma_start3A_196 : memref<!tpu.dma_semaphore, #tpu.memory_space<semaphore_mem>>)
    %dma_start3A_197 = arith.constant 13 : i32
    %dma_start3A_198 = arith.constant 13 : i32
    %dma_start3A_199 = arith.constant 13 : i32
    %dma_start3A_200 = arith.constant 0 : i32
    %dma_start3A_201 = arith.constant 0 : i32
    %dma_start3A_202 = tpu.memref_slice %arg6[%dma_start3A_198, %dma_start3A_200, %dma_start3A_201] : memref<16x50x32xf32, #tpu.memory_space<vmem>> -> memref<1x50x32xf32, #tpu.memory_space<vmem>>
    %dma_start3A_203 = tpu.memref_squeeze %dma_start3A_202 : memref<1x50x32xf32, #tpu.memory_space<vmem>> -> memref<50x32xf32, #tpu.memory_space<vmem>>
    %dma_start3A_204 = arith.constant 0 : i32
    %dma_start3A_205 = tpu.memref_slice %arg5[%dma_start3A_197, %dma_start3A_204] : memref<512x50xi32, #tpu.memory_space<vmem>> -> memref<1x50xi32, #tpu.memory_space<vmem>>
    %dma_start3A_206 = tpu.memref_squeeze %dma_start3A_205 : memref<1x50xi32, #tpu.memory_space<vmem>> -> memref<50xi32, #tpu.memory_space<vmem>>
    %dma_start3A_207 = arith.constant 0 : i32
    %dma_start3A_208 = arith.constant 0 : i32
    %dma_start3A_209 = tpu.memref_slice %arg3[%dma_start3A_207, %dma_start3A_208] : memref<1000000x32xf32, #tpu.memory_space<hbm>> -> memref<1000000x32xf32, #tpu.memory_space<hbm>>
    %dma_start3A_210 = tpu.memref_slice %arg7[%dma_start3A_199] : memref<16x!tpu.dma_semaphore, #tpu.memory_space<semaphore_mem>> -> memref<1x!tpu.dma_semaphore, #tpu.memory_space<semaphore_mem>>
    %dma_start3A_211 = tpu.memref_squeeze %dma_start3A_210 : memref<1x!tpu.dma_semaphore, #tpu.memory_space<semaphore_mem>> -> memref<!tpu.dma_semaphore, #tpu.memory_space<semaphore_mem>>
    tpu.enqueue_indirect_dma source(%dma_start3A_209 : memref<1000000x32xf32, #tpu.memory_space<hbm>>) target(%dma_start3A_203 : memref<50x32xf32, #tpu.memory_space<vmem>>) offsets(%dma_start3A_206 : memref<50xi32, #tpu.memory_space<vmem>>) semaphore(%dma_start3A_211 : memref<!tpu.dma_semaphore, #tpu.memory_space<semaphore_mem>>)
    %dma_start3A_212 = arith.constant 14 : i32
    %dma_start3A_213 = arith.constant 14 : i32
    %dma_start3A_214 = arith.constant 14 : i32
    %dma_start3A_215 = arith.constant 0 : i32
    %dma_start3A_216 = arith.constant 0 : i32
    %dma_start3A_217 = tpu.memref_slice %arg6[%dma_start3A_213, %dma_start3A_215, %dma_start3A_216] : memref<16x50x32xf32, #tpu.memory_space<vmem>> -> memref<1x50x32xf32, #tpu.memory_space<vmem>>
    %dma_start3A_218 = tpu.memref_squeeze %dma_start3A_217 : memref<1x50x32xf32, #tpu.memory_space<vmem>> -> memref<50x32xf32, #tpu.memory_space<vmem>>
    %dma_start3A_219 = arith.constant 0 : i32
    %dma_start3A_220 = tpu.memref_slice %arg5[%dma_start3A_212, %dma_start3A_219] : memref<512x50xi32, #tpu.memory_space<vmem>> -> memref<1x50xi32, #tpu.memory_space<vmem>>
    %dma_start3A_221 = tpu.memref_squeeze %dma_start3A_220 : memref<1x50xi32, #tpu.memory_space<vmem>> -> memref<50xi32, #tpu.memory_space<vmem>>
    %dma_start3A_222 = arith.constant 0 : i32
    %dma_start3A_223 = arith.constant 0 : i32
    %dma_start3A_224 = tpu.memref_slice %arg3[%dma_start3A_222, %dma_start3A_223] : memref<1000000x32xf32, #tpu.memory_space<hbm>> -> memref<1000000x32xf32, #tpu.memory_space<hbm>>
    %dma_start3A_225 = tpu.memref_slice %arg7[%dma_start3A_214] : memref<16x!tpu.dma_semaphore, #tpu.memory_space<semaphore_mem>> -> memref<1x!tpu.dma_semaphore, #tpu.memory_space<semaphore_mem>>
    %dma_start3A_226 = tpu.memref_squeeze %dma_start3A_225 : memref<1x!tpu.dma_semaphore, #tpu.memory_space<semaphore_mem>> -> memref<!tpu.dma_semaphore, #tpu.memory_space<semaphore_mem>>
    tpu.enqueue_indirect_dma source(%dma_start3A_224 : memref<1000000x32xf32, #tpu.memory_space<hbm>>) target(%dma_start3A_218 : memref<50x32xf32, #tpu.memory_space<vmem>>) offsets(%dma_start3A_221 : memref<50xi32, #tpu.memory_space<vmem>>) semaphore(%dma_start3A_226 : memref<!tpu.dma_semaphore, #tpu.memory_space<semaphore_mem>>)
    %dma_start3A_227 = arith.constant 15 : i32
    %dma_start3A_228 = arith.constant 15 : i32
    %dma_start3A_229 = arith.constant 15 : i32
    %dma_start3A_230 = arith.constant 0 : i32
    %dma_start3A_231 = arith.constant 0 : i32
    %dma_start3A_232 = tpu.memref_slice %arg6[%dma_start3A_228, %dma_start3A_230, %dma_start3A_231] : memref<16x50x32xf32, #tpu.memory_space<vmem>> -> memref<1x50x32xf32, #tpu.memory_space<vmem>>
    %dma_start3A_233 = tpu.memref_squeeze %dma_start3A_232 : memref<1x50x32xf32, #tpu.memory_space<vmem>> -> memref<50x32xf32, #tpu.memory_space<vmem>>
    %dma_start3A_234 = arith.constant 0 : i32
    %dma_start3A_235 = tpu.memref_slice %arg5[%dma_start3A_227, %dma_start3A_234] : memref<512x50xi32, #tpu.memory_space<vmem>> -> memref<1x50xi32, #tpu.memory_space<vmem>>
    %dma_start3A_236 = tpu.memref_squeeze %dma_start3A_235 : memref<1x50xi32, #tpu.memory_space<vmem>> -> memref<50xi32, #tpu.memory_space<vmem>>
    %dma_start3A_237 = arith.constant 0 : i32
    %dma_start3A_238 = arith.constant 0 : i32
    %dma_start3A_239 = tpu.memref_slice %arg3[%dma_start3A_237, %dma_start3A_238] : memref<1000000x32xf32, #tpu.memory_space<hbm>> -> memref<1000000x32xf32, #tpu.memory_space<hbm>>
    %dma_start3A_240 = tpu.memref_slice %arg7[%dma_start3A_229] : memref<16x!tpu.dma_semaphore, #tpu.memory_space<semaphore_mem>> -> memref<1x!tpu.dma_semaphore, #tpu.memory_space<semaphore_mem>>
    %dma_start3A_241 = tpu.memref_squeeze %dma_start3A_240 : memref<1x!tpu.dma_semaphore, #tpu.memory_space<semaphore_mem>> -> memref<!tpu.dma_semaphore, #tpu.memory_space<semaphore_mem>>
    tpu.enqueue_indirect_dma source(%dma_start3A_239 : memref<1000000x32xf32, #tpu.memory_space<hbm>>) target(%dma_start3A_233 : memref<50x32xf32, #tpu.memory_space<vmem>>) offsets(%dma_start3A_236 : memref<50xi32, #tpu.memory_space<vmem>>) semaphore(%dma_start3A_241 : memref<!tpu.dma_semaphore, #tpu.memory_space<semaphore_mem>>)
    %scan3A = arith.constant 0 : i32
    %scan3A_242 = arith.constant 32 : i32
    %scan3A_243 = arith.addi %scan3A, %scan3A_242 : i32
    %scan3A_244 = arith.constant 1 : i32
    scf.for %scan3A_246 = %scan3A to %scan3A_243 step %scan3A_244  : i32 {
      %mul3A_247 = arith.constant 16 : i32
      %mul3A_248 = arith.muli %scan3A_246, %mul3A_247 : i32
      %add3A_249 = arith.constant 0 : i32
      %add3A_250 = arith.addi %mul3A_248, %add3A_249 : i32
      %dma_wait3A = arith.constant 0 : i32
      %dma_wait3A_251 = arith.constant 0 : i32
      %dma_wait3A_252 = arith.constant 0 : i32
      %dma_wait3A_253 = arith.constant 0 : i32
      %dma_wait3A_254 = tpu.memref_slice %arg6[%dma_wait3A, %dma_wait3A_252, %dma_wait3A_253] : memref<16x50x32xf32, #tpu.memory_space<vmem>> -> memref<1x50x32xf32, #tpu.memory_space<vmem>>
      %dma_wait3A_255 = tpu.memref_squeeze %dma_wait3A_254 : memref<1x50x32xf32, #tpu.memory_space<vmem>> -> memref<50x32xf32, #tpu.memory_space<vmem>>
      %dma_wait3A_256 = arith.constant 0 : i32
      %dma_wait3A_257 = tpu.memref_slice %arg5[%add3A_250, %dma_wait3A_256] : memref<512x50xi32, #tpu.memory_space<vmem>> -> memref<1x50xi32, #tpu.memory_space<vmem>>
      %dma_wait3A_258 = tpu.memref_squeeze %dma_wait3A_257 : memref<1x50xi32, #tpu.memory_space<vmem>> -> memref<50xi32, #tpu.memory_space<vmem>>
      %dma_wait3A_259 = arith.constant 0 : i32
      %dma_wait3A_260 = arith.constant 0 : i32
      %dma_wait3A_261 = tpu.memref_slice %arg3[%dma_wait3A_259, %dma_wait3A_260] : memref<1000000x32xf32, #tpu.memory_space<hbm>> -> memref<1000000x32xf32, #tpu.memory_space<hbm>>
      %dma_wait3A_262 = tpu.memref_slice %arg7[%dma_wait3A_251] : memref<16x!tpu.dma_semaphore, #tpu.memory_space<semaphore_mem>> -> memref<1x!tpu.dma_semaphore, #tpu.memory_space<semaphore_mem>>
      %dma_wait3A_263 = tpu.memref_squeeze %dma_wait3A_262 : memref<1x!tpu.dma_semaphore, #tpu.memory_space<semaphore_mem>> -> memref<!tpu.dma_semaphore, #tpu.memory_space<semaphore_mem>>
      tpu.wait_indirect_dma semaphore(%dma_wait3A_263 : memref<!tpu.dma_semaphore, #tpu.memory_space<semaphore_mem>>) src(%dma_wait3A_261 : memref<1000000x32xf32, #tpu.memory_space<hbm>>) dst(%dma_wait3A_255 : memref<50x32xf32, #tpu.memory_space<vmem>>)
      %add3A_264 = arith.addi %mul3A_2, %add3A_250 : i32
      %run_scoped3A = arith.constant 0 : i32
      "tpu.region"() ({
        %run_scoped3A_674 = tpu.sem_alloc : memref<!tpu.dma_semaphore, #tpu.memory_space<semaphore_mem>>
        %dma_start3A_675 = arith.constant 0 : i32
        %dma_start3A_676 = arith.constant 0 : i32
        %dma_start3A_677 = tpu.memref_slice %arg6[%run_scoped3A, %dma_start3A_675, %dma_start3A_676] : memref<16x50x32xf32, #tpu.memory_space<vmem>> -> memref<1x50x32xf32, #tpu.memory_space<vmem>>
        %dma_start3A_678 = tpu.memref_squeeze %dma_start3A_677 : memref<1x50x32xf32, #tpu.memory_space<vmem>> -> memref<50x32xf32, #tpu.memory_space<vmem>>
        %dma_start3A_679 = arith.constant 0 : i32
        %dma_start3A_680 = arith.constant 0 : i32
        %dma_start3A_681 = tpu.memref_slice %arg4[%add3A_264, %dma_start3A_679, %dma_start3A_680] : memref<16384x50x32xf32, #tpu.memory_space<hbm>> -> memref<1x50x32xf32, #tpu.memory_space<hbm>>
        %dma_start3A_682 = tpu.memref_squeeze %dma_start3A_681 : memref<1x50x32xf32, #tpu.memory_space<hbm>> -> memref<50x32xf32, #tpu.memory_space<hbm>>
        %dma_start3A_683 = arith.constant 0 : i32
        %dma_start3A_684 = arith.constant 0 : i32
        %dma_start3A_685 = tpu.memref_slice %arg4[%add3A_264, %dma_start3A_683, %dma_start3A_684] : memref<16384x50x32xf32, #tpu.memory_space<hbm>> -> memref<1x50x32xf32, #tpu.memory_space<hbm>>
        %dma_start3A_686 = tpu.memref_squeeze %dma_start3A_685 : memref<1x50x32xf32, #tpu.memory_space<hbm>> -> memref<50x32xf32, #tpu.memory_space<hbm>>
        %dma_start3A_687 = arith.constant 0 : i32
        %dma_start3A_688 = arith.constant 0 : i32
        %dma_start3A_689 = tpu.memref_slice %arg6[%run_scoped3A, %dma_start3A_687, %dma_start3A_688] : memref<16x50x32xf32, #tpu.memory_space<vmem>> -> memref<1x50x32xf32, #tpu.memory_space<vmem>>
        %dma_start3A_690 = tpu.memref_squeeze %dma_start3A_689 : memref<1x50x32xf32, #tpu.memory_space<vmem>> -> memref<50x32xf32, #tpu.memory_space<vmem>>
        tpu.enqueue_dma source(%dma_start3A_690 : memref<50x32xf32, #tpu.memory_space<vmem>>) target(%dma_start3A_686 : memref<50x32xf32, #tpu.memory_space<hbm>>) target_semaphore(%run_scoped3A_674 : memref<!tpu.dma_semaphore, #tpu.memory_space<semaphore_mem>>)
        %dma_wait3A_691 = arith.constant 0 : i32
        %dma_wait3A_692 = arith.constant 0 : i32
        %dma_wait3A_693 = tpu.memref_slice %arg6[%run_scoped3A, %dma_wait3A_691, %dma_wait3A_692] : memref<16x50x32xf32, #tpu.memory_space<vmem>> -> memref<1x50x32xf32, #tpu.memory_space<vmem>>
        %dma_wait3A_694 = tpu.memref_squeeze %dma_wait3A_693 : memref<1x50x32xf32, #tpu.memory_space<vmem>> -> memref<50x32xf32, #tpu.memory_space<vmem>>
        %dma_wait3A_695 = arith.constant 0 : i32
        %dma_wait3A_696 = arith.constant 0 : i32
        %dma_wait3A_697 = tpu.memref_slice %arg4[%add3A_264, %dma_wait3A_695, %dma_wait3A_696] : memref<16384x50x32xf32, #tpu.memory_space<hbm>> -> memref<1x50x32xf32, #tpu.memory_space<hbm>>
        %dma_wait3A_698 = tpu.memref_squeeze %dma_wait3A_697 : memref<1x50x32xf32, #tpu.memory_space<hbm>> -> memref<50x32xf32, #tpu.memory_space<hbm>>
        %dma_wait3A_699 = arith.constant 0 : i32
        %dma_wait3A_700 = arith.constant 0 : i32
        %dma_wait3A_701 = tpu.memref_slice %arg4[%add3A_264, %dma_wait3A_699, %dma_wait3A_700] : memref<16384x50x32xf32, #tpu.memory_space<hbm>> -> memref<1x50x32xf32, #tpu.memory_space<hbm>>
        %dma_wait3A_702 = tpu.memref_squeeze %dma_wait3A_701 : memref<1x50x32xf32, #tpu.memory_space<hbm>> -> memref<50x32xf32, #tpu.memory_space<hbm>>
        %dma_wait3A_703 = arith.constant 0 : i32
        %dma_wait3A_704 = arith.constant 0 : i32
        %dma_wait3A_705 = tpu.memref_slice %arg6[%run_scoped3A, %dma_wait3A_703, %dma_wait3A_704] : memref<16x50x32xf32, #tpu.memory_space<vmem>> -> memref<1x50x32xf32, #tpu.memory_space<vmem>>
        %dma_wait3A_706 = tpu.memref_squeeze %dma_wait3A_705 : memref<1x50x32xf32, #tpu.memory_space<vmem>> -> memref<50x32xf32, #tpu.memory_space<vmem>>
        tpu.wait_dma2 semaphore(%run_scoped3A_674 : memref<!tpu.dma_semaphore, #tpu.memory_space<semaphore_mem>>) src(%dma_wait3A_706 : memref<50x32xf32, #tpu.memory_space<vmem>>) dst(%dma_wait3A_702 : memref<50x32xf32, #tpu.memory_space<hbm>>)
        tpu.yield
      }) : () -> ()
      %add3A_265 = arith.constant 16 : i32
      %add3A_266 = arith.addi %add3A_250, %add3A_265 : i32
      %lt3A = arith.constant 512 : i32
      %lt3A_267 = arith.cmpi slt, %add3A_266, %lt3A : i32
      %convert_element_type3A = arith.extui %lt3A_267 : i1 to i32
      %cond3A = arith.constant 0 : i32
      %cond3A_268 = arith.cmpi ne, %convert_element_type3A, %cond3A : i32
      scf.if %cond3A_268 {
        %dma_start3A_674 = arith.constant 0 : i32
        %dma_start3A_675 = arith.constant 0 : i32
        %dma_start3A_676 = arith.constant 0 : i32
        %dma_start3A_677 = arith.constant 0 : i32
        %dma_start3A_678 = tpu.memref_slice %arg6[%dma_start3A_674, %dma_start3A_676, %dma_start3A_677] : memref<16x50x32xf32, #tpu.memory_space<vmem>> -> memref<1x50x32xf32, #tpu.memory_space<vmem>>
        %dma_start3A_679 = tpu.memref_squeeze %dma_start3A_678 : memref<1x50x32xf32, #tpu.memory_space<vmem>> -> memref<50x32xf32, #tpu.memory_space<vmem>>
        %dma_start3A_680 = arith.constant 0 : i32
        %dma_start3A_681 = tpu.memref_slice %arg5[%add3A_266, %dma_start3A_680] : memref<512x50xi32, #tpu.memory_space<vmem>> -> memref<1x50xi32, #tpu.memory_space<vmem>>
        %dma_start3A_682 = tpu.memref_squeeze %dma_start3A_681 : memref<1x50xi32, #tpu.memory_space<vmem>> -> memref<50xi32, #tpu.memory_space<vmem>>
        %dma_start3A_683 = arith.constant 0 : i32
        %dma_start3A_684 = arith.constant 0 : i32
        %dma_start3A_685 = tpu.memref_slice %arg3[%dma_start3A_683, %dma_start3A_684] : memref<1000000x32xf32, #tpu.memory_space<hbm>> -> memref<1000000x32xf32, #tpu.memory_space<hbm>>
        %dma_start3A_686 = tpu.memref_slice %arg7[%dma_start3A_675] : memref<16x!tpu.dma_semaphore, #tpu.memory_space<semaphore_mem>> -> memref<1x!tpu.dma_semaphore, #tpu.memory_space<semaphore_mem>>
        %dma_start3A_687 = tpu.memref_squeeze %dma_start3A_686 : memref<1x!tpu.dma_semaphore, #tpu.memory_space<semaphore_mem>> -> memref<!tpu.dma_semaphore, #tpu.memory_space<semaphore_mem>>
        tpu.enqueue_indirect_dma source(%dma_start3A_685 : memref<1000000x32xf32, #tpu.memory_space<hbm>>) target(%dma_start3A_679 : memref<50x32xf32, #tpu.memory_space<vmem>>) offsets(%dma_start3A_682 : memref<50xi32, #tpu.memory_space<vmem>>) semaphore(%dma_start3A_687 : memref<!tpu.dma_semaphore, #tpu.memory_space<semaphore_mem>>)
      } else {
      }
      %mul3A_269 = arith.constant 16 : i32
      %mul3A_270 = arith.muli %scan3A_246, %mul3A_269 : i32
      %add3A_271 = arith.constant 1 : i32
      %add3A_272 = arith.addi %mul3A_270, %add3A_271 : i32
      %dma_wait3A_273 = arith.constant 1 : i32
      %dma_wait3A_274 = arith.constant 1 : i32
      %dma_wait3A_275 = arith.constant 0 : i32
      %dma_wait3A_276 = arith.constant 0 : i32
      %dma_wait3A_277 = tpu.memref_slice %arg6[%dma_wait3A_273, %dma_wait3A_275, %dma_wait3A_276] : memref<16x50x32xf32, #tpu.memory_space<vmem>> -> memref<1x50x32xf32, #tpu.memory_space<vmem>>
      %dma_wait3A_278 = tpu.memref_squeeze %dma_wait3A_277 : memref<1x50x32xf32, #tpu.memory_space<vmem>> -> memref<50x32xf32, #tpu.memory_space<vmem>>
      %dma_wait3A_279 = arith.constant 0 : i32
      %dma_wait3A_280 = tpu.memref_slice %arg5[%add3A_272, %dma_wait3A_279] : memref<512x50xi32, #tpu.memory_space<vmem>> -> memref<1x50xi32, #tpu.memory_space<vmem>>
      %dma_wait3A_281 = tpu.memref_squeeze %dma_wait3A_280 : memref<1x50xi32, #tpu.memory_space<vmem>> -> memref<50xi32, #tpu.memory_space<vmem>>
      %dma_wait3A_282 = arith.constant 0 : i32
      %dma_wait3A_283 = arith.constant 0 : i32
      %dma_wait3A_284 = tpu.memref_slice %arg3[%dma_wait3A_282, %dma_wait3A_283] : memref<1000000x32xf32, #tpu.memory_space<hbm>> -> memref<1000000x32xf32, #tpu.memory_space<hbm>>
      %dma_wait3A_285 = tpu.memref_slice %arg7[%dma_wait3A_274] : memref<16x!tpu.dma_semaphore, #tpu.memory_space<semaphore_mem>> -> memref<1x!tpu.dma_semaphore, #tpu.memory_space<semaphore_mem>>
      %dma_wait3A_286 = tpu.memref_squeeze %dma_wait3A_285 : memref<1x!tpu.dma_semaphore, #tpu.memory_space<semaphore_mem>> -> memref<!tpu.dma_semaphore, #tpu.memory_space<semaphore_mem>>
      tpu.wait_indirect_dma semaphore(%dma_wait3A_286 : memref<!tpu.dma_semaphore, #tpu.memory_space<semaphore_mem>>) src(%dma_wait3A_284 : memref<1000000x32xf32, #tpu.memory_space<hbm>>) dst(%dma_wait3A_278 : memref<50x32xf32, #tpu.memory_space<vmem>>)
      %add3A_287 = arith.addi %mul3A_2, %add3A_272 : i32
      %run_scoped3A_288 = arith.constant 1 : i32
      "tpu.region"() ({
        %run_scoped3A_674 = tpu.sem_alloc : memref<!tpu.dma_semaphore, #tpu.memory_space<semaphore_mem>>
        %dma_start3A_675 = arith.constant 0 : i32
        %dma_start3A_676 = arith.constant 0 : i32
        %dma_start3A_677 = tpu.memref_slice %arg6[%run_scoped3A_288, %dma_start3A_675, %dma_start3A_676] : memref<16x50x32xf32, #tpu.memory_space<vmem>> -> memref<1x50x32xf32, #tpu.memory_space<vmem>>
        %dma_start3A_678 = tpu.memref_squeeze %dma_start3A_677 : memref<1x50x32xf32, #tpu.memory_space<vmem>> -> memref<50x32xf32, #tpu.memory_space<vmem>>
        %dma_start3A_679 = arith.constant 0 : i32
        %dma_start3A_680 = arith.constant 0 : i32
        %dma_start3A_681 = tpu.memref_slice %arg4[%add3A_287, %dma_start3A_679, %dma_start3A_680] : memref<16384x50x32xf32, #tpu.memory_space<hbm>> -> memref<1x50x32xf32, #tpu.memory_space<hbm>>
        %dma_start3A_682 = tpu.memref_squeeze %dma_start3A_681 : memref<1x50x32xf32, #tpu.memory_space<hbm>> -> memref<50x32xf32, #tpu.memory_space<hbm>>
        %dma_start3A_683 = arith.constant 0 : i32
        %dma_start3A_684 = arith.constant 0 : i32
        %dma_start3A_685 = tpu.memref_slice %arg4[%add3A_287, %dma_start3A_683, %dma_start3A_684] : memref<16384x50x32xf32, #tpu.memory_space<hbm>> -> memref<1x50x32xf32, #tpu.memory_space<hbm>>
        %dma_start3A_686 = tpu.memref_squeeze %dma_start3A_685 : memref<1x50x32xf32, #tpu.memory_space<hbm>> -> memref<50x32xf32, #tpu.memory_space<hbm>>
        %dma_start3A_687 = arith.constant 0 : i32
        %dma_start3A_688 = arith.constant 0 : i32
        %dma_start3A_689 = tpu.memref_slice %arg6[%run_scoped3A_288, %dma_start3A_687, %dma_start3A_688] : memref<16x50x32xf32, #tpu.memory_space<vmem>> -> memref<1x50x32xf32, #tpu.memory_space<vmem>>
        %dma_start3A_690 = tpu.memref_squeeze %dma_start3A_689 : memref<1x50x32xf32, #tpu.memory_space<vmem>> -> memref<50x32xf32, #tpu.memory_space<vmem>>
        tpu.enqueue_dma source(%dma_start3A_690 : memref<50x32xf32, #tpu.memory_space<vmem>>) target(%dma_start3A_686 : memref<50x32xf32, #tpu.memory_space<hbm>>) target_semaphore(%run_scoped3A_674 : memref<!tpu.dma_semaphore, #tpu.memory_space<semaphore_mem>>)
        %dma_wait3A_691 = arith.constant 0 : i32
        %dma_wait3A_692 = arith.constant 0 : i32
        %dma_wait3A_693 = tpu.memref_slice %arg6[%run_scoped3A_288, %dma_wait3A_691, %dma_wait3A_692] : memref<16x50x32xf32, #tpu.memory_space<vmem>> -> memref<1x50x32xf32, #tpu.memory_space<vmem>>
        %dma_wait3A_694 = tpu.memref_squeeze %dma_wait3A_693 : memref<1x50x32xf32, #tpu.memory_space<vmem>> -> memref<50x32xf32, #tpu.memory_space<vmem>>
        %dma_wait3A_695 = arith.constant 0 : i32
        %dma_wait3A_696 = arith.constant 0 : i32
        %dma_wait3A_697 = tpu.memref_slice %arg4[%add3A_287, %dma_wait3A_695, %dma_wait3A_696] : memref<16384x50x32xf32, #tpu.memory_space<hbm>> -> memref<1x50x32xf32, #tpu.memory_space<hbm>>
        %dma_wait3A_698 = tpu.memref_squeeze %dma_wait3A_697 : memref<1x50x32xf32, #tpu.memory_space<hbm>> -> memref<50x32xf32, #tpu.memory_space<hbm>>
        %dma_wait3A_699 = arith.constant 0 : i32
        %dma_wait3A_700 = arith.constant 0 : i32
        %dma_wait3A_701 = tpu.memref_slice %arg4[%add3A_287, %dma_wait3A_699, %dma_wait3A_700] : memref<16384x50x32xf32, #tpu.memory_space<hbm>> -> memref<1x50x32xf32, #tpu.memory_space<hbm>>
        %dma_wait3A_702 = tpu.memref_squeeze %dma_wait3A_701 : memref<1x50x32xf32, #tpu.memory_space<hbm>> -> memref<50x32xf32, #tpu.memory_space<hbm>>
        %dma_wait3A_703 = arith.constant 0 : i32
        %dma_wait3A_704 = arith.constant 0 : i32
        %dma_wait3A_705 = tpu.memref_slice %arg6[%run_scoped3A_288, %dma_wait3A_703, %dma_wait3A_704] : memref<16x50x32xf32, #tpu.memory_space<vmem>> -> memref<1x50x32xf32, #tpu.memory_space<vmem>>
        %dma_wait3A_706 = tpu.memref_squeeze %dma_wait3A_705 : memref<1x50x32xf32, #tpu.memory_space<vmem>> -> memref<50x32xf32, #tpu.memory_space<vmem>>
        tpu.wait_dma2 semaphore(%run_scoped3A_674 : memref<!tpu.dma_semaphore, #tpu.memory_space<semaphore_mem>>) src(%dma_wait3A_706 : memref<50x32xf32, #tpu.memory_space<vmem>>) dst(%dma_wait3A_702 : memref<50x32xf32, #tpu.memory_space<hbm>>)
        tpu.yield
      }) : () -> ()
      %add3A_289 = arith.constant 16 : i32
      %add3A_290 = arith.addi %add3A_272, %add3A_289 : i32
      %lt3A_291 = arith.constant 512 : i32
      %lt3A_292 = arith.cmpi slt, %add3A_290, %lt3A_291 : i32
      %convert_element_type3A_293 = arith.extui %lt3A_292 : i1 to i32
      %cond3A_294 = arith.constant 0 : i32
      %cond3A_295 = arith.cmpi ne, %convert_element_type3A_293, %cond3A_294 : i32
      scf.if %cond3A_295 {
        %dma_start3A_674 = arith.constant 1 : i32
        %dma_start3A_675 = arith.constant 1 : i32
        %dma_start3A_676 = arith.constant 0 : i32
        %dma_start3A_677 = arith.constant 0 : i32
        %dma_start3A_678 = tpu.memref_slice %arg6[%dma_start3A_674, %dma_start3A_676, %dma_start3A_677] : memref<16x50x32xf32, #tpu.memory_space<vmem>> -> memref<1x50x32xf32, #tpu.memory_space<vmem>>
        %dma_start3A_679 = tpu.memref_squeeze %dma_start3A_678 : memref<1x50x32xf32, #tpu.memory_space<vmem>> -> memref<50x32xf32, #tpu.memory_space<vmem>>
        %dma_start3A_680 = arith.constant 0 : i32
        %dma_start3A_681 = tpu.memref_slice %arg5[%add3A_290, %dma_start3A_680] : memref<512x50xi32, #tpu.memory_space<vmem>> -> memref<1x50xi32, #tpu.memory_space<vmem>>
        %dma_start3A_682 = tpu.memref_squeeze %dma_start3A_681 : memref<1x50xi32, #tpu.memory_space<vmem>> -> memref<50xi32, #tpu.memory_space<vmem>>
        %dma_start3A_683 = arith.constant 0 : i32
        %dma_start3A_684 = arith.constant 0 : i32
        %dma_start3A_685 = tpu.memref_slice %arg3[%dma_start3A_683, %dma_start3A_684] : memref<1000000x32xf32, #tpu.memory_space<hbm>> -> memref<1000000x32xf32, #tpu.memory_space<hbm>>
        %dma_start3A_686 = tpu.memref_slice %arg7[%dma_start3A_675] : memref<16x!tpu.dma_semaphore, #tpu.memory_space<semaphore_mem>> -> memref<1x!tpu.dma_semaphore, #tpu.memory_space<semaphore_mem>>
        %dma_start3A_687 = tpu.memref_squeeze %dma_start3A_686 : memref<1x!tpu.dma_semaphore, #tpu.memory_space<semaphore_mem>> -> memref<!tpu.dma_semaphore, #tpu.memory_space<semaphore_mem>>
        tpu.enqueue_indirect_dma source(%dma_start3A_685 : memref<1000000x32xf32, #tpu.memory_space<hbm>>) target(%dma_start3A_679 : memref<50x32xf32, #tpu.memory_space<vmem>>) offsets(%dma_start3A_682 : memref<50xi32, #tpu.memory_space<vmem>>) semaphore(%dma_start3A_687 : memref<!tpu.dma_semaphore, #tpu.memory_space<semaphore_mem>>)
      } else {
      }
      %mul3A_296 = arith.constant 16 : i32
      %mul3A_297 = arith.muli %scan3A_246, %mul3A_296 : i32
      %add3A_298 = arith.constant 2 : i32
      %add3A_299 = arith.addi %mul3A_297, %add3A_298 : i32
      %dma_wait3A_300 = arith.constant 2 : i32
      %dma_wait3A_301 = arith.constant 2 : i32
      %dma_wait3A_302 = arith.constant 0 : i32
      %dma_wait3A_303 = arith.constant 0 : i32
      %dma_wait3A_304 = tpu.memref_slice %arg6[%dma_wait3A_300, %dma_wait3A_302, %dma_wait3A_303] : memref<16x50x32xf32, #tpu.memory_space<vmem>> -> memref<1x50x32xf32, #tpu.memory_space<vmem>>
      %dma_wait3A_305 = tpu.memref_squeeze %dma_wait3A_304 : memref<1x50x32xf32, #tpu.memory_space<vmem>> -> memref<50x32xf32, #tpu.memory_space<vmem>>
      %dma_wait3A_306 = arith.constant 0 : i32
      %dma_wait3A_307 = tpu.memref_slice %arg5[%add3A_299, %dma_wait3A_306] : memref<512x50xi32, #tpu.memory_space<vmem>> -> memref<1x50xi32, #tpu.memory_space<vmem>>
      %dma_wait3A_308 = tpu.memref_squeeze %dma_wait3A_307 : memref<1x50xi32, #tpu.memory_space<vmem>> -> memref<50xi32, #tpu.memory_space<vmem>>
      %dma_wait3A_309 = arith.constant 0 : i32
      %dma_wait3A_310 = arith.constant 0 : i32
      %dma_wait3A_311 = tpu.memref_slice %arg3[%dma_wait3A_309, %dma_wait3A_310] : memref<1000000x32xf32, #tpu.memory_space<hbm>> -> memref<1000000x32xf32, #tpu.memory_space<hbm>>
      %dma_wait3A_312 = tpu.memref_slice %arg7[%dma_wait3A_301] : memref<16x!tpu.dma_semaphore, #tpu.memory_space<semaphore_mem>> -> memref<1x!tpu.dma_semaphore, #tpu.memory_space<semaphore_mem>>
      %dma_wait3A_313 = tpu.memref_squeeze %dma_wait3A_312 : memref<1x!tpu.dma_semaphore, #tpu.memory_space<semaphore_mem>> -> memref<!tpu.dma_semaphore, #tpu.memory_space<semaphore_mem>>
      tpu.wait_indirect_dma semaphore(%dma_wait3A_313 : memref<!tpu.dma_semaphore, #tpu.memory_space<semaphore_mem>>) src(%dma_wait3A_311 : memref<1000000x32xf32, #tpu.memory_space<hbm>>) dst(%dma_wait3A_305 : memref<50x32xf32, #tpu.memory_space<vmem>>)
      %add3A_314 = arith.addi %mul3A_2, %add3A_299 : i32
      %run_scoped3A_315 = arith.constant 2 : i32
      "tpu.region"() ({
        %run_scoped3A_674 = tpu.sem_alloc : memref<!tpu.dma_semaphore, #tpu.memory_space<semaphore_mem>>
        %dma_start3A_675 = arith.constant 0 : i32
        %dma_start3A_676 = arith.constant 0 : i32
        %dma_start3A_677 = tpu.memref_slice %arg6[%run_scoped3A_315, %dma_start3A_675, %dma_start3A_676] : memref<16x50x32xf32, #tpu.memory_space<vmem>> -> memref<1x50x32xf32, #tpu.memory_space<vmem>>
        %dma_start3A_678 = tpu.memref_squeeze %dma_start3A_677 : memref<1x50x32xf32, #tpu.memory_space<vmem>> -> memref<50x32xf32, #tpu.memory_space<vmem>>
        %dma_start3A_679 = arith.constant 0 : i32
        %dma_start3A_680 = arith.constant 0 : i32
        %dma_start3A_681 = tpu.memref_slice %arg4[%add3A_314, %dma_start3A_679, %dma_start3A_680] : memref<16384x50x32xf32, #tpu.memory_space<hbm>> -> memref<1x50x32xf32, #tpu.memory_space<hbm>>
        %dma_start3A_682 = tpu.memref_squeeze %dma_start3A_681 : memref<1x50x32xf32, #tpu.memory_space<hbm>> -> memref<50x32xf32, #tpu.memory_space<hbm>>
        %dma_start3A_683 = arith.constant 0 : i32
        %dma_start3A_684 = arith.constant 0 : i32
        %dma_start3A_685 = tpu.memref_slice %arg4[%add3A_314, %dma_start3A_683, %dma_start3A_684] : memref<16384x50x32xf32, #tpu.memory_space<hbm>> -> memref<1x50x32xf32, #tpu.memory_space<hbm>>
        %dma_start3A_686 = tpu.memref_squeeze %dma_start3A_685 : memref<1x50x32xf32, #tpu.memory_space<hbm>> -> memref<50x32xf32, #tpu.memory_space<hbm>>
        %dma_start3A_687 = arith.constant 0 : i32
        %dma_start3A_688 = arith.constant 0 : i32
        %dma_start3A_689 = tpu.memref_slice %arg6[%run_scoped3A_315, %dma_start3A_687, %dma_start3A_688] : memref<16x50x32xf32, #tpu.memory_space<vmem>> -> memref<1x50x32xf32, #tpu.memory_space<vmem>>
        %dma_start3A_690 = tpu.memref_squeeze %dma_start3A_689 : memref<1x50x32xf32, #tpu.memory_space<vmem>> -> memref<50x32xf32, #tpu.memory_space<vmem>>
        tpu.enqueue_dma source(%dma_start3A_690 : memref<50x32xf32, #tpu.memory_space<vmem>>) target(%dma_start3A_686 : memref<50x32xf32, #tpu.memory_space<hbm>>) target_semaphore(%run_scoped3A_674 : memref<!tpu.dma_semaphore, #tpu.memory_space<semaphore_mem>>)
        %dma_wait3A_691 = arith.constant 0 : i32
        %dma_wait3A_692 = arith.constant 0 : i32
        %dma_wait3A_693 = tpu.memref_slice %arg6[%run_scoped3A_315, %dma_wait3A_691, %dma_wait3A_692] : memref<16x50x32xf32, #tpu.memory_space<vmem>> -> memref<1x50x32xf32, #tpu.memory_space<vmem>>
        %dma_wait3A_694 = tpu.memref_squeeze %dma_wait3A_693 : memref<1x50x32xf32, #tpu.memory_space<vmem>> -> memref<50x32xf32, #tpu.memory_space<vmem>>
        %dma_wait3A_695 = arith.constant 0 : i32
        %dma_wait3A_696 = arith.constant 0 : i32
        %dma_wait3A_697 = tpu.memref_slice %arg4[%add3A_314, %dma_wait3A_695, %dma_wait3A_696] : memref<16384x50x32xf32, #tpu.memory_space<hbm>> -> memref<1x50x32xf32, #tpu.memory_space<hbm>>
        %dma_wait3A_698 = tpu.memref_squeeze %dma_wait3A_697 : memref<1x50x32xf32, #tpu.memory_space<hbm>> -> memref<50x32xf32, #tpu.memory_space<hbm>>
        %dma_wait3A_699 = arith.constant 0 : i32
        %dma_wait3A_700 = arith.constant 0 : i32
        %dma_wait3A_701 = tpu.memref_slice %arg4[%add3A_314, %dma_wait3A_699, %dma_wait3A_700] : memref<16384x50x32xf32, #tpu.memory_space<hbm>> -> memref<1x50x32xf32, #tpu.memory_space<hbm>>
        %dma_wait3A_702 = tpu.memref_squeeze %dma_wait3A_701 : memref<1x50x32xf32, #tpu.memory_space<hbm>> -> memref<50x32xf32, #tpu.memory_space<hbm>>
        %dma_wait3A_703 = arith.constant 0 : i32
        %dma_wait3A_704 = arith.constant 0 : i32
        %dma_wait3A_705 = tpu.memref_slice %arg6[%run_scoped3A_315, %dma_wait3A_703, %dma_wait3A_704] : memref<16x50x32xf32, #tpu.memory_space<vmem>> -> memref<1x50x32xf32, #tpu.memory_space<vmem>>
        %dma_wait3A_706 = tpu.memref_squeeze %dma_wait3A_705 : memref<1x50x32xf32, #tpu.memory_space<vmem>> -> memref<50x32xf32, #tpu.memory_space<vmem>>
        tpu.wait_dma2 semaphore(%run_scoped3A_674 : memref<!tpu.dma_semaphore, #tpu.memory_space<semaphore_mem>>) src(%dma_wait3A_706 : memref<50x32xf32, #tpu.memory_space<vmem>>) dst(%dma_wait3A_702 : memref<50x32xf32, #tpu.memory_space<hbm>>)
        tpu.yield
      }) : () -> ()
      %add3A_316 = arith.constant 16 : i32
      %add3A_317 = arith.addi %add3A_299, %add3A_316 : i32
      %lt3A_318 = arith.constant 512 : i32
      %lt3A_319 = arith.cmpi slt, %add3A_317, %lt3A_318 : i32
      %convert_element_type3A_320 = arith.extui %lt3A_319 : i1 to i32
      %cond3A_321 = arith.constant 0 : i32
      %cond3A_322 = arith.cmpi ne, %convert_element_type3A_320, %cond3A_321 : i32
      scf.if %cond3A_322 {
        %dma_start3A_674 = arith.constant 2 : i32
        %dma_start3A_675 = arith.constant 2 : i32
        %dma_start3A_676 = arith.constant 0 : i32
        %dma_start3A_677 = arith.constant 0 : i32
        %dma_start3A_678 = tpu.memref_slice %arg6[%dma_start3A_674, %dma_start3A_676, %dma_start3A_677] : memref<16x50x32xf32, #tpu.memory_space<vmem>> -> memref<1x50x32xf32, #tpu.memory_space<vmem>>
        %dma_start3A_679 = tpu.memref_squeeze %dma_start3A_678 : memref<1x50x32xf32, #tpu.memory_space<vmem>> -> memref<50x32xf32, #tpu.memory_space<vmem>>
        %dma_start3A_680 = arith.constant 0 : i32
        %dma_start3A_681 = tpu.memref_slice %arg5[%add3A_317, %dma_start3A_680] : memref<512x50xi32, #tpu.memory_space<vmem>> -> memref<1x50xi32, #tpu.memory_space<vmem>>
        %dma_start3A_682 = tpu.memref_squeeze %dma_start3A_681 : memref<1x50xi32, #tpu.memory_space<vmem>> -> memref<50xi32, #tpu.memory_space<vmem>>
        %dma_start3A_683 = arith.constant 0 : i32
        %dma_start3A_684 = arith.constant 0 : i32
        %dma_start3A_685 = tpu.memref_slice %arg3[%dma_start3A_683, %dma_start3A_684] : memref<1000000x32xf32, #tpu.memory_space<hbm>> -> memref<1000000x32xf32, #tpu.memory_space<hbm>>
        %dma_start3A_686 = tpu.memref_slice %arg7[%dma_start3A_675] : memref<16x!tpu.dma_semaphore, #tpu.memory_space<semaphore_mem>> -> memref<1x!tpu.dma_semaphore, #tpu.memory_space<semaphore_mem>>
        %dma_start3A_687 = tpu.memref_squeeze %dma_start3A_686 : memref<1x!tpu.dma_semaphore, #tpu.memory_space<semaphore_mem>> -> memref<!tpu.dma_semaphore, #tpu.memory_space<semaphore_mem>>
        tpu.enqueue_indirect_dma source(%dma_start3A_685 : memref<1000000x32xf32, #tpu.memory_space<hbm>>) target(%dma_start3A_679 : memref<50x32xf32, #tpu.memory_space<vmem>>) offsets(%dma_start3A_682 : memref<50xi32, #tpu.memory_space<vmem>>) semaphore(%dma_start3A_687 : memref<!tpu.dma_semaphore, #tpu.memory_space<semaphore_mem>>)
      } else {
      }
      %mul3A_323 = arith.constant 16 : i32
      %mul3A_324 = arith.muli %scan3A_246, %mul3A_323 : i32
      %add3A_325 = arith.constant 3 : i32
      %add3A_326 = arith.addi %mul3A_324, %add3A_325 : i32
      %dma_wait3A_327 = arith.constant 3 : i32
      %dma_wait3A_328 = arith.constant 3 : i32
      %dma_wait3A_329 = arith.constant 0 : i32
      %dma_wait3A_330 = arith.constant 0 : i32
      %dma_wait3A_331 = tpu.memref_slice %arg6[%dma_wait3A_327, %dma_wait3A_329, %dma_wait3A_330] : memref<16x50x32xf32, #tpu.memory_space<vmem>> -> memref<1x50x32xf32, #tpu.memory_space<vmem>>
      %dma_wait3A_332 = tpu.memref_squeeze %dma_wait3A_331 : memref<1x50x32xf32, #tpu.memory_space<vmem>> -> memref<50x32xf32, #tpu.memory_space<vmem>>
      %dma_wait3A_333 = arith.constant 0 : i32
      %dma_wait3A_334 = tpu.memref_slice %arg5[%add3A_326, %dma_wait3A_333] : memref<512x50xi32, #tpu.memory_space<vmem>> -> memref<1x50xi32, #tpu.memory_space<vmem>>
      %dma_wait3A_335 = tpu.memref_squeeze %dma_wait3A_334 : memref<1x50xi32, #tpu.memory_space<vmem>> -> memref<50xi32, #tpu.memory_space<vmem>>
      %dma_wait3A_336 = arith.constant 0 : i32
      %dma_wait3A_337 = arith.constant 0 : i32
      %dma_wait3A_338 = tpu.memref_slice %arg3[%dma_wait3A_336, %dma_wait3A_337] : memref<1000000x32xf32, #tpu.memory_space<hbm>> -> memref<1000000x32xf32, #tpu.memory_space<hbm>>
      %dma_wait3A_339 = tpu.memref_slice %arg7[%dma_wait3A_328] : memref<16x!tpu.dma_semaphore, #tpu.memory_space<semaphore_mem>> -> memref<1x!tpu.dma_semaphore, #tpu.memory_space<semaphore_mem>>
      %dma_wait3A_340 = tpu.memref_squeeze %dma_wait3A_339 : memref<1x!tpu.dma_semaphore, #tpu.memory_space<semaphore_mem>> -> memref<!tpu.dma_semaphore, #tpu.memory_space<semaphore_mem>>
      tpu.wait_indirect_dma semaphore(%dma_wait3A_340 : memref<!tpu.dma_semaphore, #tpu.memory_space<semaphore_mem>>) src(%dma_wait3A_338 : memref<1000000x32xf32, #tpu.memory_space<hbm>>) dst(%dma_wait3A_332 : memref<50x32xf32, #tpu.memory_space<vmem>>)
      %add3A_341 = arith.addi %mul3A_2, %add3A_326 : i32
      %run_scoped3A_342 = arith.constant 3 : i32
      "tpu.region"() ({
        %run_scoped3A_674 = tpu.sem_alloc : memref<!tpu.dma_semaphore, #tpu.memory_space<semaphore_mem>>
        %dma_start3A_675 = arith.constant 0 : i32
        %dma_start3A_676 = arith.constant 0 : i32
        %dma_start3A_677 = tpu.memref_slice %arg6[%run_scoped3A_342, %dma_start3A_675, %dma_start3A_676] : memref<16x50x32xf32, #tpu.memory_space<vmem>> -> memref<1x50x32xf32, #tpu.memory_space<vmem>>
        %dma_start3A_678 = tpu.memref_squeeze %dma_start3A_677 : memref<1x50x32xf32, #tpu.memory_space<vmem>> -> memref<50x32xf32, #tpu.memory_space<vmem>>
        %dma_start3A_679 = arith.constant 0 : i32
        %dma_start3A_680 = arith.constant 0 : i32
        %dma_start3A_681 = tpu.memref_slice %arg4[%add3A_341, %dma_start3A_679, %dma_start3A_680] : memref<16384x50x32xf32, #tpu.memory_space<hbm>> -> memref<1x50x32xf32, #tpu.memory_space<hbm>>
        %dma_start3A_682 = tpu.memref_squeeze %dma_start3A_681 : memref<1x50x32xf32, #tpu.memory_space<hbm>> -> memref<50x32xf32, #tpu.memory_space<hbm>>
        %dma_start3A_683 = arith.constant 0 : i32
        %dma_start3A_684 = arith.constant 0 : i32
        %dma_start3A_685 = tpu.memref_slice %arg4[%add3A_341, %dma_start3A_683, %dma_start3A_684] : memref<16384x50x32xf32, #tpu.memory_space<hbm>> -> memref<1x50x32xf32, #tpu.memory_space<hbm>>
        %dma_start3A_686 = tpu.memref_squeeze %dma_start3A_685 : memref<1x50x32xf32, #tpu.memory_space<hbm>> -> memref<50x32xf32, #tpu.memory_space<hbm>>
        %dma_start3A_687 = arith.constant 0 : i32
        %dma_start3A_688 = arith.constant 0 : i32
        %dma_start3A_689 = tpu.memref_slice %arg6[%run_scoped3A_342, %dma_start3A_687, %dma_start3A_688] : memref<16x50x32xf32, #tpu.memory_space<vmem>> -> memref<1x50x32xf32, #tpu.memory_space<vmem>>
        %dma_start3A_690 = tpu.memref_squeeze %dma_start3A_689 : memref<1x50x32xf32, #tpu.memory_space<vmem>> -> memref<50x32xf32, #tpu.memory_space<vmem>>
        tpu.enqueue_dma source(%dma_start3A_690 : memref<50x32xf32, #tpu.memory_space<vmem>>) target(%dma_start3A_686 : memref<50x32xf32, #tpu.memory_space<hbm>>) target_semaphore(%run_scoped3A_674 : memref<!tpu.dma_semaphore, #tpu.memory_space<semaphore_mem>>)
        %dma_wait3A_691 = arith.constant 0 : i32
        %dma_wait3A_692 = arith.constant 0 : i32
        %dma_wait3A_693 = tpu.memref_slice %arg6[%run_scoped3A_342, %dma_wait3A_691, %dma_wait3A_692] : memref<16x50x32xf32, #tpu.memory_space<vmem>> -> memref<1x50x32xf32, #tpu.memory_space<vmem>>
        %dma_wait3A_694 = tpu.memref_squeeze %dma_wait3A_693 : memref<1x50x32xf32, #tpu.memory_space<vmem>> -> memref<50x32xf32, #tpu.memory_space<vmem>>
        %dma_wait3A_695 = arith.constant 0 : i32
        %dma_wait3A_696 = arith.constant 0 : i32
        %dma_wait3A_697 = tpu.memref_slice %arg4[%add3A_341, %dma_wait3A_695, %dma_wait3A_696] : memref<16384x50x32xf32, #tpu.memory_space<hbm>> -> memref<1x50x32xf32, #tpu.memory_space<hbm>>
        %dma_wait3A_698 = tpu.memref_squeeze %dma_wait3A_697 : memref<1x50x32xf32, #tpu.memory_space<hbm>> -> memref<50x32xf32, #tpu.memory_space<hbm>>
        %dma_wait3A_699 = arith.constant 0 : i32
        %dma_wait3A_700 = arith.constant 0 : i32
        %dma_wait3A_701 = tpu.memref_slice %arg4[%add3A_341, %dma_wait3A_699, %dma_wait3A_700] : memref<16384x50x32xf32, #tpu.memory_space<hbm>> -> memref<1x50x32xf32, #tpu.memory_space<hbm>>
        %dma_wait3A_702 = tpu.memref_squeeze %dma_wait3A_701 : memref<1x50x32xf32, #tpu.memory_space<hbm>> -> memref<50x32xf32, #tpu.memory_space<hbm>>
        %dma_wait3A_703 = arith.constant 0 : i32
        %dma_wait3A_704 = arith.constant 0 : i32
        %dma_wait3A_705 = tpu.memref_slice %arg6[%run_scoped3A_342, %dma_wait3A_703, %dma_wait3A_704] : memref<16x50x32xf32, #tpu.memory_space<vmem>> -> memref<1x50x32xf32, #tpu.memory_space<vmem>>
        %dma_wait3A_706 = tpu.memref_squeeze %dma_wait3A_705 : memref<1x50x32xf32, #tpu.memory_space<vmem>> -> memref<50x32xf32, #tpu.memory_space<vmem>>
        tpu.wait_dma2 semaphore(%run_scoped3A_674 : memref<!tpu.dma_semaphore, #tpu.memory_space<semaphore_mem>>) src(%dma_wait3A_706 : memref<50x32xf32, #tpu.memory_space<vmem>>) dst(%dma_wait3A_702 : memref<50x32xf32, #tpu.memory_space<hbm>>)
        tpu.yield
      }) : () -> ()
      %add3A_343 = arith.constant 16 : i32
      %add3A_344 = arith.addi %add3A_326, %add3A_343 : i32
      %lt3A_345 = arith.constant 512 : i32
      %lt3A_346 = arith.cmpi slt, %add3A_344, %lt3A_345 : i32
      %convert_element_type3A_347 = arith.extui %lt3A_346 : i1 to i32
      %cond3A_348 = arith.constant 0 : i32
      %cond3A_349 = arith.cmpi ne, %convert_element_type3A_347, %cond3A_348 : i32
      scf.if %cond3A_349 {
        %dma_start3A_674 = arith.constant 3 : i32
        %dma_start3A_675 = arith.constant 3 : i32
        %dma_start3A_676 = arith.constant 0 : i32
        %dma_start3A_677 = arith.constant 0 : i32
        %dma_start3A_678 = tpu.memref_slice %arg6[%dma_start3A_674, %dma_start3A_676, %dma_start3A_677] : memref<16x50x32xf32, #tpu.memory_space<vmem>> -> memref<1x50x32xf32, #tpu.memory_space<vmem>>
        %dma_start3A_679 = tpu.memref_squeeze %dma_start3A_678 : memref<1x50x32xf32, #tpu.memory_space<vmem>> -> memref<50x32xf32, #tpu.memory_space<vmem>>
        %dma_start3A_680 = arith.constant 0 : i32
        %dma_start3A_681 = tpu.memref_slice %arg5[%add3A_344, %dma_start3A_680] : memref<512x50xi32, #tpu.memory_space<vmem>> -> memref<1x50xi32, #tpu.memory_space<vmem>>
        %dma_start3A_682 = tpu.memref_squeeze %dma_start3A_681 : memref<1x50xi32, #tpu.memory_space<vmem>> -> memref<50xi32, #tpu.memory_space<vmem>>
        %dma_start3A_683 = arith.constant 0 : i32
        %dma_start3A_684 = arith.constant 0 : i32
        %dma_start3A_685 = tpu.memref_slice %arg3[%dma_start3A_683, %dma_start3A_684] : memref<1000000x32xf32, #tpu.memory_space<hbm>> -> memref<1000000x32xf32, #tpu.memory_space<hbm>>
        %dma_start3A_686 = tpu.memref_slice %arg7[%dma_start3A_675] : memref<16x!tpu.dma_semaphore, #tpu.memory_space<semaphore_mem>> -> memref<1x!tpu.dma_semaphore, #tpu.memory_space<semaphore_mem>>
        %dma_start3A_687 = tpu.memref_squeeze %dma_start3A_686 : memref<1x!tpu.dma_semaphore, #tpu.memory_space<semaphore_mem>> -> memref<!tpu.dma_semaphore, #tpu.memory_space<semaphore_mem>>
        tpu.enqueue_indirect_dma source(%dma_start3A_685 : memref<1000000x32xf32, #tpu.memory_space<hbm>>) target(%dma_start3A_679 : memref<50x32xf32, #tpu.memory_space<vmem>>) offsets(%dma_start3A_682 : memref<50xi32, #tpu.memory_space<vmem>>) semaphore(%dma_start3A_687 : memref<!tpu.dma_semaphore, #tpu.memory_space<semaphore_mem>>)
      } else {
      }
      %mul3A_350 = arith.constant 16 : i32
      %mul3A_351 = arith.muli %scan3A_246, %mul3A_350 : i32
      %add3A_352 = arith.constant 4 : i32
      %add3A_353 = arith.addi %mul3A_351, %add3A_352 : i32
      %dma_wait3A_354 = arith.constant 4 : i32
      %dma_wait3A_355 = arith.constant 4 : i32
      %dma_wait3A_356 = arith.constant 0 : i32
      %dma_wait3A_357 = arith.constant 0 : i32
      %dma_wait3A_358 = tpu.memref_slice %arg6[%dma_wait3A_354, %dma_wait3A_356, %dma_wait3A_357] : memref<16x50x32xf32, #tpu.memory_space<vmem>> -> memref<1x50x32xf32, #tpu.memory_space<vmem>>
      %dma_wait3A_359 = tpu.memref_squeeze %dma_wait3A_358 : memref<1x50x32xf32, #tpu.memory_space<vmem>> -> memref<50x32xf32, #tpu.memory_space<vmem>>
      %dma_wait3A_360 = arith.constant 0 : i32
      %dma_wait3A_361 = tpu.memref_slice %arg5[%add3A_353, %dma_wait3A_360] : memref<512x50xi32, #tpu.memory_space<vmem>> -> memref<1x50xi32, #tpu.memory_space<vmem>>
      %dma_wait3A_362 = tpu.memref_squeeze %dma_wait3A_361 : memref<1x50xi32, #tpu.memory_space<vmem>> -> memref<50xi32, #tpu.memory_space<vmem>>
      %dma_wait3A_363 = arith.constant 0 : i32
      %dma_wait3A_364 = arith.constant 0 : i32
      %dma_wait3A_365 = tpu.memref_slice %arg3[%dma_wait3A_363, %dma_wait3A_364] : memref<1000000x32xf32, #tpu.memory_space<hbm>> -> memref<1000000x32xf32, #tpu.memory_space<hbm>>
      %dma_wait3A_366 = tpu.memref_slice %arg7[%dma_wait3A_355] : memref<16x!tpu.dma_semaphore, #tpu.memory_space<semaphore_mem>> -> memref<1x!tpu.dma_semaphore, #tpu.memory_space<semaphore_mem>>
      %dma_wait3A_367 = tpu.memref_squeeze %dma_wait3A_366 : memref<1x!tpu.dma_semaphore, #tpu.memory_space<semaphore_mem>> -> memref<!tpu.dma_semaphore, #tpu.memory_space<semaphore_mem>>
      tpu.wait_indirect_dma semaphore(%dma_wait3A_367 : memref<!tpu.dma_semaphore, #tpu.memory_space<semaphore_mem>>) src(%dma_wait3A_365 : memref<1000000x32xf32, #tpu.memory_space<hbm>>) dst(%dma_wait3A_359 : memref<50x32xf32, #tpu.memory_space<vmem>>)
      %add3A_368 = arith.addi %mul3A_2, %add3A_353 : i32
      %run_scoped3A_369 = arith.constant 4 : i32
      "tpu.region"() ({
        %run_scoped3A_674 = tpu.sem_alloc : memref<!tpu.dma_semaphore, #tpu.memory_space<semaphore_mem>>
        %dma_start3A_675 = arith.constant 0 : i32
        %dma_start3A_676 = arith.constant 0 : i32
        %dma_start3A_677 = tpu.memref_slice %arg6[%run_scoped3A_369, %dma_start3A_675, %dma_start3A_676] : memref<16x50x32xf32, #tpu.memory_space<vmem>> -> memref<1x50x32xf32, #tpu.memory_space<vmem>>
        %dma_start3A_678 = tpu.memref_squeeze %dma_start3A_677 : memref<1x50x32xf32, #tpu.memory_space<vmem>> -> memref<50x32xf32, #tpu.memory_space<vmem>>
        %dma_start3A_679 = arith.constant 0 : i32
        %dma_start3A_680 = arith.constant 0 : i32
        %dma_start3A_681 = tpu.memref_slice %arg4[%add3A_368, %dma_start3A_679, %dma_start3A_680] : memref<16384x50x32xf32, #tpu.memory_space<hbm>> -> memref<1x50x32xf32, #tpu.memory_space<hbm>>
        %dma_start3A_682 = tpu.memref_squeeze %dma_start3A_681 : memref<1x50x32xf32, #tpu.memory_space<hbm>> -> memref<50x32xf32, #tpu.memory_space<hbm>>
        %dma_start3A_683 = arith.constant 0 : i32
        %dma_start3A_684 = arith.constant 0 : i32
        %dma_start3A_685 = tpu.memref_slice %arg4[%add3A_368, %dma_start3A_683, %dma_start3A_684] : memref<16384x50x32xf32, #tpu.memory_space<hbm>> -> memref<1x50x32xf32, #tpu.memory_space<hbm>>
        %dma_start3A_686 = tpu.memref_squeeze %dma_start3A_685 : memref<1x50x32xf32, #tpu.memory_space<hbm>> -> memref<50x32xf32, #tpu.memory_space<hbm>>
        %dma_start3A_687 = arith.constant 0 : i32
        %dma_start3A_688 = arith.constant 0 : i32
        %dma_start3A_689 = tpu.memref_slice %arg6[%run_scoped3A_369, %dma_start3A_687, %dma_start3A_688] : memref<16x50x32xf32, #tpu.memory_space<vmem>> -> memref<1x50x32xf32, #tpu.memory_space<vmem>>
        %dma_start3A_690 = tpu.memref_squeeze %dma_start3A_689 : memref<1x50x32xf32, #tpu.memory_space<vmem>> -> memref<50x32xf32, #tpu.memory_space<vmem>>
        tpu.enqueue_dma source(%dma_start3A_690 : memref<50x32xf32, #tpu.memory_space<vmem>>) target(%dma_start3A_686 : memref<50x32xf32, #tpu.memory_space<hbm>>) target_semaphore(%run_scoped3A_674 : memref<!tpu.dma_semaphore, #tpu.memory_space<semaphore_mem>>)
        %dma_wait3A_691 = arith.constant 0 : i32
        %dma_wait3A_692 = arith.constant 0 : i32
        %dma_wait3A_693 = tpu.memref_slice %arg6[%run_scoped3A_369, %dma_wait3A_691, %dma_wait3A_692] : memref<16x50x32xf32, #tpu.memory_space<vmem>> -> memref<1x50x32xf32, #tpu.memory_space<vmem>>
        %dma_wait3A_694 = tpu.memref_squeeze %dma_wait3A_693 : memref<1x50x32xf32, #tpu.memory_space<vmem>> -> memref<50x32xf32, #tpu.memory_space<vmem>>
        %dma_wait3A_695 = arith.constant 0 : i32
        %dma_wait3A_696 = arith.constant 0 : i32
        %dma_wait3A_697 = tpu.memref_slice %arg4[%add3A_368, %dma_wait3A_695, %dma_wait3A_696] : memref<16384x50x32xf32, #tpu.memory_space<hbm>> -> memref<1x50x32xf32, #tpu.memory_space<hbm>>
        %dma_wait3A_698 = tpu.memref_squeeze %dma_wait3A_697 : memref<1x50x32xf32, #tpu.memory_space<hbm>> -> memref<50x32xf32, #tpu.memory_space<hbm>>
        %dma_wait3A_699 = arith.constant 0 : i32
        %dma_wait3A_700 = arith.constant 0 : i32
        %dma_wait3A_701 = tpu.memref_slice %arg4[%add3A_368, %dma_wait3A_699, %dma_wait3A_700] : memref<16384x50x32xf32, #tpu.memory_space<hbm>> -> memref<1x50x32xf32, #tpu.memory_space<hbm>>
        %dma_wait3A_702 = tpu.memref_squeeze %dma_wait3A_701 : memref<1x50x32xf32, #tpu.memory_space<hbm>> -> memref<50x32xf32, #tpu.memory_space<hbm>>
        %dma_wait3A_703 = arith.constant 0 : i32
        %dma_wait3A_704 = arith.constant 0 : i32
        %dma_wait3A_705 = tpu.memref_slice %arg6[%run_scoped3A_369, %dma_wait3A_703, %dma_wait3A_704] : memref<16x50x32xf32, #tpu.memory_space<vmem>> -> memref<1x50x32xf32, #tpu.memory_space<vmem>>
        %dma_wait3A_706 = tpu.memref_squeeze %dma_wait3A_705 : memref<1x50x32xf32, #tpu.memory_space<vmem>> -> memref<50x32xf32, #tpu.memory_space<vmem>>
        tpu.wait_dma2 semaphore(%run_scoped3A_674 : memref<!tpu.dma_semaphore, #tpu.memory_space<semaphore_mem>>) src(%dma_wait3A_706 : memref<50x32xf32, #tpu.memory_space<vmem>>) dst(%dma_wait3A_702 : memref<50x32xf32, #tpu.memory_space<hbm>>)
        tpu.yield
      }) : () -> ()
      %add3A_370 = arith.constant 16 : i32
      %add3A_371 = arith.addi %add3A_353, %add3A_370 : i32
      %lt3A_372 = arith.constant 512 : i32
      %lt3A_373 = arith.cmpi slt, %add3A_371, %lt3A_372 : i32
      %convert_element_type3A_374 = arith.extui %lt3A_373 : i1 to i32
      %cond3A_375 = arith.constant 0 : i32
      %cond3A_376 = arith.cmpi ne, %convert_element_type3A_374, %cond3A_375 : i32
      scf.if %cond3A_376 {
        %dma_start3A_674 = arith.constant 4 : i32
        %dma_start3A_675 = arith.constant 4 : i32
        %dma_start3A_676 = arith.constant 0 : i32
        %dma_start3A_677 = arith.constant 0 : i32
        %dma_start3A_678 = tpu.memref_slice %arg6[%dma_start3A_674, %dma_start3A_676, %dma_start3A_677] : memref<16x50x32xf32, #tpu.memory_space<vmem>> -> memref<1x50x32xf32, #tpu.memory_space<vmem>>
        %dma_start3A_679 = tpu.memref_squeeze %dma_start3A_678 : memref<1x50x32xf32, #tpu.memory_space<vmem>> -> memref<50x32xf32, #tpu.memory_space<vmem>>
        %dma_start3A_680 = arith.constant 0 : i32
        %dma_start3A_681 = tpu.memref_slice %arg5[%add3A_371, %dma_start3A_680] : memref<512x50xi32, #tpu.memory_space<vmem>> -> memref<1x50xi32, #tpu.memory_space<vmem>>
        %dma_start3A_682 = tpu.memref_squeeze %dma_start3A_681 : memref<1x50xi32, #tpu.memory_space<vmem>> -> memref<50xi32, #tpu.memory_space<vmem>>
        %dma_start3A_683 = arith.constant 0 : i32
        %dma_start3A_684 = arith.constant 0 : i32
        %dma_start3A_685 = tpu.memref_slice %arg3[%dma_start3A_683, %dma_start3A_684] : memref<1000000x32xf32, #tpu.memory_space<hbm>> -> memref<1000000x32xf32, #tpu.memory_space<hbm>>
        %dma_start3A_686 = tpu.memref_slice %arg7[%dma_start3A_675] : memref<16x!tpu.dma_semaphore, #tpu.memory_space<semaphore_mem>> -> memref<1x!tpu.dma_semaphore, #tpu.memory_space<semaphore_mem>>
        %dma_start3A_687 = tpu.memref_squeeze %dma_start3A_686 : memref<1x!tpu.dma_semaphore, #tpu.memory_space<semaphore_mem>> -> memref<!tpu.dma_semaphore, #tpu.memory_space<semaphore_mem>>
        tpu.enqueue_indirect_dma source(%dma_start3A_685 : memref<1000000x32xf32, #tpu.memory_space<hbm>>) target(%dma_start3A_679 : memref<50x32xf32, #tpu.memory_space<vmem>>) offsets(%dma_start3A_682 : memref<50xi32, #tpu.memory_space<vmem>>) semaphore(%dma_start3A_687 : memref<!tpu.dma_semaphore, #tpu.memory_space<semaphore_mem>>)
      } else {
      }
      %mul3A_377 = arith.constant 16 : i32
      %mul3A_378 = arith.muli %scan3A_246, %mul3A_377 : i32
      %add3A_379 = arith.constant 5 : i32
      %add3A_380 = arith.addi %mul3A_378, %add3A_379 : i32
      %dma_wait3A_381 = arith.constant 5 : i32
      %dma_wait3A_382 = arith.constant 5 : i32
      %dma_wait3A_383 = arith.constant 0 : i32
      %dma_wait3A_384 = arith.constant 0 : i32
      %dma_wait3A_385 = tpu.memref_slice %arg6[%dma_wait3A_381, %dma_wait3A_383, %dma_wait3A_384] : memref<16x50x32xf32, #tpu.memory_space<vmem>> -> memref<1x50x32xf32, #tpu.memory_space<vmem>>
      %dma_wait3A_386 = tpu.memref_squeeze %dma_wait3A_385 : memref<1x50x32xf32, #tpu.memory_space<vmem>> -> memref<50x32xf32, #tpu.memory_space<vmem>>
      %dma_wait3A_387 = arith.constant 0 : i32
      %dma_wait3A_388 = tpu.memref_slice %arg5[%add3A_380, %dma_wait3A_387] : memref<512x50xi32, #tpu.memory_space<vmem>> -> memref<1x50xi32, #tpu.memory_space<vmem>>
      %dma_wait3A_389 = tpu.memref_squeeze %dma_wait3A_388 : memref<1x50xi32, #tpu.memory_space<vmem>> -> memref<50xi32, #tpu.memory_space<vmem>>
      %dma_wait3A_390 = arith.constant 0 : i32
      %dma_wait3A_391 = arith.constant 0 : i32
      %dma_wait3A_392 = tpu.memref_slice %arg3[%dma_wait3A_390, %dma_wait3A_391] : memref<1000000x32xf32, #tpu.memory_space<hbm>> -> memref<1000000x32xf32, #tpu.memory_space<hbm>>
      %dma_wait3A_393 = tpu.memref_slice %arg7[%dma_wait3A_382] : memref<16x!tpu.dma_semaphore, #tpu.memory_space<semaphore_mem>> -> memref<1x!tpu.dma_semaphore, #tpu.memory_space<semaphore_mem>>
      %dma_wait3A_394 = tpu.memref_squeeze %dma_wait3A_393 : memref<1x!tpu.dma_semaphore, #tpu.memory_space<semaphore_mem>> -> memref<!tpu.dma_semaphore, #tpu.memory_space<semaphore_mem>>
      tpu.wait_indirect_dma semaphore(%dma_wait3A_394 : memref<!tpu.dma_semaphore, #tpu.memory_space<semaphore_mem>>) src(%dma_wait3A_392 : memref<1000000x32xf32, #tpu.memory_space<hbm>>) dst(%dma_wait3A_386 : memref<50x32xf32, #tpu.memory_space<vmem>>)
      %add3A_395 = arith.addi %mul3A_2, %add3A_380 : i32
      %run_scoped3A_396 = arith.constant 5 : i32
      "tpu.region"() ({
        %run_scoped3A_674 = tpu.sem_alloc : memref<!tpu.dma_semaphore, #tpu.memory_space<semaphore_mem>>
        %dma_start3A_675 = arith.constant 0 : i32
        %dma_start3A_676 = arith.constant 0 : i32
        %dma_start3A_677 = tpu.memref_slice %arg6[%run_scoped3A_396, %dma_start3A_675, %dma_start3A_676] : memref<16x50x32xf32, #tpu.memory_space<vmem>> -> memref<1x50x32xf32, #tpu.memory_space<vmem>>
        %dma_start3A_678 = tpu.memref_squeeze %dma_start3A_677 : memref<1x50x32xf32, #tpu.memory_space<vmem>> -> memref<50x32xf32, #tpu.memory_space<vmem>>
        %dma_start3A_679 = arith.constant 0 : i32
        %dma_start3A_680 = arith.constant 0 : i32
        %dma_start3A_681 = tpu.memref_slice %arg4[%add3A_395, %dma_start3A_679, %dma_start3A_680] : memref<16384x50x32xf32, #tpu.memory_space<hbm>> -> memref<1x50x32xf32, #tpu.memory_space<hbm>>
        %dma_start3A_682 = tpu.memref_squeeze %dma_start3A_681 : memref<1x50x32xf32, #tpu.memory_space<hbm>> -> memref<50x32xf32, #tpu.memory_space<hbm>>
        %dma_start3A_683 = arith.constant 0 : i32
        %dma_start3A_684 = arith.constant 0 : i32
        %dma_start3A_685 = tpu.memref_slice %arg4[%add3A_395, %dma_start3A_683, %dma_start3A_684] : memref<16384x50x32xf32, #tpu.memory_space<hbm>> -> memref<1x50x32xf32, #tpu.memory_space<hbm>>
        %dma_start3A_686 = tpu.memref_squeeze %dma_start3A_685 : memref<1x50x32xf32, #tpu.memory_space<hbm>> -> memref<50x32xf32, #tpu.memory_space<hbm>>
        %dma_start3A_687 = arith.constant 0 : i32
        %dma_start3A_688 = arith.constant 0 : i32
        %dma_start3A_689 = tpu.memref_slice %arg6[%run_scoped3A_396, %dma_start3A_687, %dma_start3A_688] : memref<16x50x32xf32, #tpu.memory_space<vmem>> -> memref<1x50x32xf32, #tpu.memory_space<vmem>>
        %dma_start3A_690 = tpu.memref_squeeze %dma_start3A_689 : memref<1x50x32xf32, #tpu.memory_space<vmem>> -> memref<50x32xf32, #tpu.memory_space<vmem>>
        tpu.enqueue_dma source(%dma_start3A_690 : memref<50x32xf32, #tpu.memory_space<vmem>>) target(%dma_start3A_686 : memref<50x32xf32, #tpu.memory_space<hbm>>) target_semaphore(%run_scoped3A_674 : memref<!tpu.dma_semaphore, #tpu.memory_space<semaphore_mem>>)
        %dma_wait3A_691 = arith.constant 0 : i32
        %dma_wait3A_692 = arith.constant 0 : i32
        %dma_wait3A_693 = tpu.memref_slice %arg6[%run_scoped3A_396, %dma_wait3A_691, %dma_wait3A_692] : memref<16x50x32xf32, #tpu.memory_space<vmem>> -> memref<1x50x32xf32, #tpu.memory_space<vmem>>
        %dma_wait3A_694 = tpu.memref_squeeze %dma_wait3A_693 : memref<1x50x32xf32, #tpu.memory_space<vmem>> -> memref<50x32xf32, #tpu.memory_space<vmem>>
        %dma_wait3A_695 = arith.constant 0 : i32
        %dma_wait3A_696 = arith.constant 0 : i32
        %dma_wait3A_697 = tpu.memref_slice %arg4[%add3A_395, %dma_wait3A_695, %dma_wait3A_696] : memref<16384x50x32xf32, #tpu.memory_space<hbm>> -> memref<1x50x32xf32, #tpu.memory_space<hbm>>
        %dma_wait3A_698 = tpu.memref_squeeze %dma_wait3A_697 : memref<1x50x32xf32, #tpu.memory_space<hbm>> -> memref<50x32xf32, #tpu.memory_space<hbm>>
        %dma_wait3A_699 = arith.constant 0 : i32
        %dma_wait3A_700 = arith.constant 0 : i32
        %dma_wait3A_701 = tpu.memref_slice %arg4[%add3A_395, %dma_wait3A_699, %dma_wait3A_700] : memref<16384x50x32xf32, #tpu.memory_space<hbm>> -> memref<1x50x32xf32, #tpu.memory_space<hbm>>
        %dma_wait3A_702 = tpu.memref_squeeze %dma_wait3A_701 : memref<1x50x32xf32, #tpu.memory_space<hbm>> -> memref<50x32xf32, #tpu.memory_space<hbm>>
        %dma_wait3A_703 = arith.constant 0 : i32
        %dma_wait3A_704 = arith.constant 0 : i32
        %dma_wait3A_705 = tpu.memref_slice %arg6[%run_scoped3A_396, %dma_wait3A_703, %dma_wait3A_704] : memref<16x50x32xf32, #tpu.memory_space<vmem>> -> memref<1x50x32xf32, #tpu.memory_space<vmem>>
        %dma_wait3A_706 = tpu.memref_squeeze %dma_wait3A_705 : memref<1x50x32xf32, #tpu.memory_space<vmem>> -> memref<50x32xf32, #tpu.memory_space<vmem>>
        tpu.wait_dma2 semaphore(%run_scoped3A_674 : memref<!tpu.dma_semaphore, #tpu.memory_space<semaphore_mem>>) src(%dma_wait3A_706 : memref<50x32xf32, #tpu.memory_space<vmem>>) dst(%dma_wait3A_702 : memref<50x32xf32, #tpu.memory_space<hbm>>)
        tpu.yield
      }) : () -> ()
      %add3A_397 = arith.constant 16 : i32
      %add3A_398 = arith.addi %add3A_380, %add3A_397 : i32
      %lt3A_399 = arith.constant 512 : i32
      %lt3A_400 = arith.cmpi slt, %add3A_398, %lt3A_399 : i32
      %convert_element_type3A_401 = arith.extui %lt3A_400 : i1 to i32
      %cond3A_402 = arith.constant 0 : i32
      %cond3A_403 = arith.cmpi ne, %convert_element_type3A_401, %cond3A_402 : i32
      scf.if %cond3A_403 {
        %dma_start3A_674 = arith.constant 5 : i32
        %dma_start3A_675 = arith.constant 5 : i32
        %dma_start3A_676 = arith.constant 0 : i32
        %dma_start3A_677 = arith.constant 0 : i32
        %dma_start3A_678 = tpu.memref_slice %arg6[%dma_start3A_674, %dma_start3A_676, %dma_start3A_677] : memref<16x50x32xf32, #tpu.memory_space<vmem>> -> memref<1x50x32xf32, #tpu.memory_space<vmem>>
        %dma_start3A_679 = tpu.memref_squeeze %dma_start3A_678 : memref<1x50x32xf32, #tpu.memory_space<vmem>> -> memref<50x32xf32, #tpu.memory_space<vmem>>
        %dma_start3A_680 = arith.constant 0 : i32
        %dma_start3A_681 = tpu.memref_slice %arg5[%add3A_398, %dma_start3A_680] : memref<512x50xi32, #tpu.memory_space<vmem>> -> memref<1x50xi32, #tpu.memory_space<vmem>>
        %dma_start3A_682 = tpu.memref_squeeze %dma_start3A_681 : memref<1x50xi32, #tpu.memory_space<vmem>> -> memref<50xi32, #tpu.memory_space<vmem>>
        %dma_start3A_683 = arith.constant 0 : i32
        %dma_start3A_684 = arith.constant 0 : i32
        %dma_start3A_685 = tpu.memref_slice %arg3[%dma_start3A_683, %dma_start3A_684] : memref<1000000x32xf32, #tpu.memory_space<hbm>> -> memref<1000000x32xf32, #tpu.memory_space<hbm>>
        %dma_start3A_686 = tpu.memref_slice %arg7[%dma_start3A_675] : memref<16x!tpu.dma_semaphore, #tpu.memory_space<semaphore_mem>> -> memref<1x!tpu.dma_semaphore, #tpu.memory_space<semaphore_mem>>
        %dma_start3A_687 = tpu.memref_squeeze %dma_start3A_686 : memref<1x!tpu.dma_semaphore, #tpu.memory_space<semaphore_mem>> -> memref<!tpu.dma_semaphore, #tpu.memory_space<semaphore_mem>>
        tpu.enqueue_indirect_dma source(%dma_start3A_685 : memref<1000000x32xf32, #tpu.memory_space<hbm>>) target(%dma_start3A_679 : memref<50x32xf32, #tpu.memory_space<vmem>>) offsets(%dma_start3A_682 : memref<50xi32, #tpu.memory_space<vmem>>) semaphore(%dma_start3A_687 : memref<!tpu.dma_semaphore, #tpu.memory_space<semaphore_mem>>)
      } else {
      }
      %mul3A_404 = arith.constant 16 : i32
      %mul3A_405 = arith.muli %scan3A_246, %mul3A_404 : i32
      %add3A_406 = arith.constant 6 : i32
      %add3A_407 = arith.addi %mul3A_405, %add3A_406 : i32
      %dma_wait3A_408 = arith.constant 6 : i32
      %dma_wait3A_409 = arith.constant 6 : i32
      %dma_wait3A_410 = arith.constant 0 : i32
      %dma_wait3A_411 = arith.constant 0 : i32
      %dma_wait3A_412 = tpu.memref_slice %arg6[%dma_wait3A_408, %dma_wait3A_410, %dma_wait3A_411] : memref<16x50x32xf32, #tpu.memory_space<vmem>> -> memref<1x50x32xf32, #tpu.memory_space<vmem>>
      %dma_wait3A_413 = tpu.memref_squeeze %dma_wait3A_412 : memref<1x50x32xf32, #tpu.memory_space<vmem>> -> memref<50x32xf32, #tpu.memory_space<vmem>>
      %dma_wait3A_414 = arith.constant 0 : i32
      %dma_wait3A_415 = tpu.memref_slice %arg5[%add3A_407, %dma_wait3A_414] : memref<512x50xi32, #tpu.memory_space<vmem>> -> memref<1x50xi32, #tpu.memory_space<vmem>>
      %dma_wait3A_416 = tpu.memref_squeeze %dma_wait3A_415 : memref<1x50xi32, #tpu.memory_space<vmem>> -> memref<50xi32, #tpu.memory_space<vmem>>
      %dma_wait3A_417 = arith.constant 0 : i32
      %dma_wait3A_418 = arith.constant 0 : i32
      %dma_wait3A_419 = tpu.memref_slice %arg3[%dma_wait3A_417, %dma_wait3A_418] : memref<1000000x32xf32, #tpu.memory_space<hbm>> -> memref<1000000x32xf32, #tpu.memory_space<hbm>>
      %dma_wait3A_420 = tpu.memref_slice %arg7[%dma_wait3A_409] : memref<16x!tpu.dma_semaphore, #tpu.memory_space<semaphore_mem>> -> memref<1x!tpu.dma_semaphore, #tpu.memory_space<semaphore_mem>>
      %dma_wait3A_421 = tpu.memref_squeeze %dma_wait3A_420 : memref<1x!tpu.dma_semaphore, #tpu.memory_space<semaphore_mem>> -> memref<!tpu.dma_semaphore, #tpu.memory_space<semaphore_mem>>
      tpu.wait_indirect_dma semaphore(%dma_wait3A_421 : memref<!tpu.dma_semaphore, #tpu.memory_space<semaphore_mem>>) src(%dma_wait3A_419 : memref<1000000x32xf32, #tpu.memory_space<hbm>>) dst(%dma_wait3A_413 : memref<50x32xf32, #tpu.memory_space<vmem>>)
      %add3A_422 = arith.addi %mul3A_2, %add3A_407 : i32
      %run_scoped3A_423 = arith.constant 6 : i32
      "tpu.region"() ({
        %run_scoped3A_674 = tpu.sem_alloc : memref<!tpu.dma_semaphore, #tpu.memory_space<semaphore_mem>>
        %dma_start3A_675 = arith.constant 0 : i32
        %dma_start3A_676 = arith.constant 0 : i32
        %dma_start3A_677 = tpu.memref_slice %arg6[%run_scoped3A_423, %dma_start3A_675, %dma_start3A_676] : memref<16x50x32xf32, #tpu.memory_space<vmem>> -> memref<1x50x32xf32, #tpu.memory_space<vmem>>
        %dma_start3A_678 = tpu.memref_squeeze %dma_start3A_677 : memref<1x50x32xf32, #tpu.memory_space<vmem>> -> memref<50x32xf32, #tpu.memory_space<vmem>>
        %dma_start3A_679 = arith.constant 0 : i32
        %dma_start3A_680 = arith.constant 0 : i32
        %dma_start3A_681 = tpu.memref_slice %arg4[%add3A_422, %dma_start3A_679, %dma_start3A_680] : memref<16384x50x32xf32, #tpu.memory_space<hbm>> -> memref<1x50x32xf32, #tpu.memory_space<hbm>>
        %dma_start3A_682 = tpu.memref_squeeze %dma_start3A_681 : memref<1x50x32xf32, #tpu.memory_space<hbm>> -> memref<50x32xf32, #tpu.memory_space<hbm>>
        %dma_start3A_683 = arith.constant 0 : i32
        %dma_start3A_684 = arith.constant 0 : i32
        %dma_start3A_685 = tpu.memref_slice %arg4[%add3A_422, %dma_start3A_683, %dma_start3A_684] : memref<16384x50x32xf32, #tpu.memory_space<hbm>> -> memref<1x50x32xf32, #tpu.memory_space<hbm>>
        %dma_start3A_686 = tpu.memref_squeeze %dma_start3A_685 : memref<1x50x32xf32, #tpu.memory_space<hbm>> -> memref<50x32xf32, #tpu.memory_space<hbm>>
        %dma_start3A_687 = arith.constant 0 : i32
        %dma_start3A_688 = arith.constant 0 : i32
        %dma_start3A_689 = tpu.memref_slice %arg6[%run_scoped3A_423, %dma_start3A_687, %dma_start3A_688] : memref<16x50x32xf32, #tpu.memory_space<vmem>> -> memref<1x50x32xf32, #tpu.memory_space<vmem>>
        %dma_start3A_690 = tpu.memref_squeeze %dma_start3A_689 : memref<1x50x32xf32, #tpu.memory_space<vmem>> -> memref<50x32xf32, #tpu.memory_space<vmem>>
        tpu.enqueue_dma source(%dma_start3A_690 : memref<50x32xf32, #tpu.memory_space<vmem>>) target(%dma_start3A_686 : memref<50x32xf32, #tpu.memory_space<hbm>>) target_semaphore(%run_scoped3A_674 : memref<!tpu.dma_semaphore, #tpu.memory_space<semaphore_mem>>)
        %dma_wait3A_691 = arith.constant 0 : i32
        %dma_wait3A_692 = arith.constant 0 : i32
        %dma_wait3A_693 = tpu.memref_slice %arg6[%run_scoped3A_423, %dma_wait3A_691, %dma_wait3A_692] : memref<16x50x32xf32, #tpu.memory_space<vmem>> -> memref<1x50x32xf32, #tpu.memory_space<vmem>>
        %dma_wait3A_694 = tpu.memref_squeeze %dma_wait3A_693 : memref<1x50x32xf32, #tpu.memory_space<vmem>> -> memref<50x32xf32, #tpu.memory_space<vmem>>
        %dma_wait3A_695 = arith.constant 0 : i32
        %dma_wait3A_696 = arith.constant 0 : i32
        %dma_wait3A_697 = tpu.memref_slice %arg4[%add3A_422, %dma_wait3A_695, %dma_wait3A_696] : memref<16384x50x32xf32, #tpu.memory_space<hbm>> -> memref<1x50x32xf32, #tpu.memory_space<hbm>>
        %dma_wait3A_698 = tpu.memref_squeeze %dma_wait3A_697 : memref<1x50x32xf32, #tpu.memory_space<hbm>> -> memref<50x32xf32, #tpu.memory_space<hbm>>
        %dma_wait3A_699 = arith.constant 0 : i32
        %dma_wait3A_700 = arith.constant 0 : i32
        %dma_wait3A_701 = tpu.memref_slice %arg4[%add3A_422, %dma_wait3A_699, %dma_wait3A_700] : memref<16384x50x32xf32, #tpu.memory_space<hbm>> -> memref<1x50x32xf32, #tpu.memory_space<hbm>>
        %dma_wait3A_702 = tpu.memref_squeeze %dma_wait3A_701 : memref<1x50x32xf32, #tpu.memory_space<hbm>> -> memref<50x32xf32, #tpu.memory_space<hbm>>
        %dma_wait3A_703 = arith.constant 0 : i32
        %dma_wait3A_704 = arith.constant 0 : i32
        %dma_wait3A_705 = tpu.memref_slice %arg6[%run_scoped3A_423, %dma_wait3A_703, %dma_wait3A_704] : memref<16x50x32xf32, #tpu.memory_space<vmem>> -> memref<1x50x32xf32, #tpu.memory_space<vmem>>
        %dma_wait3A_706 = tpu.memref_squeeze %dma_wait3A_705 : memref<1x50x32xf32, #tpu.memory_space<vmem>> -> memref<50x32xf32, #tpu.memory_space<vmem>>
        tpu.wait_dma2 semaphore(%run_scoped3A_674 : memref<!tpu.dma_semaphore, #tpu.memory_space<semaphore_mem>>) src(%dma_wait3A_706 : memref<50x32xf32, #tpu.memory_space<vmem>>) dst(%dma_wait3A_702 : memref<50x32xf32, #tpu.memory_space<hbm>>)
        tpu.yield
      }) : () -> ()
      %add3A_424 = arith.constant 16 : i32
      %add3A_425 = arith.addi %add3A_407, %add3A_424 : i32
      %lt3A_426 = arith.constant 512 : i32
      %lt3A_427 = arith.cmpi slt, %add3A_425, %lt3A_426 : i32
      %convert_element_type3A_428 = arith.extui %lt3A_427 : i1 to i32
      %cond3A_429 = arith.constant 0 : i32
      %cond3A_430 = arith.cmpi ne, %convert_element_type3A_428, %cond3A_429 : i32
      scf.if %cond3A_430 {
        %dma_start3A_674 = arith.constant 6 : i32
        %dma_start3A_675 = arith.constant 6 : i32
        %dma_start3A_676 = arith.constant 0 : i32
        %dma_start3A_677 = arith.constant 0 : i32
        %dma_start3A_678 = tpu.memref_slice %arg6[%dma_start3A_674, %dma_start3A_676, %dma_start3A_677] : memref<16x50x32xf32, #tpu.memory_space<vmem>> -> memref<1x50x32xf32, #tpu.memory_space<vmem>>
        %dma_start3A_679 = tpu.memref_squeeze %dma_start3A_678 : memref<1x50x32xf32, #tpu.memory_space<vmem>> -> memref<50x32xf32, #tpu.memory_space<vmem>>
        %dma_start3A_680 = arith.constant 0 : i32
        %dma_start3A_681 = tpu.memref_slice %arg5[%add3A_425, %dma_start3A_680] : memref<512x50xi32, #tpu.memory_space<vmem>> -> memref<1x50xi32, #tpu.memory_space<vmem>>
        %dma_start3A_682 = tpu.memref_squeeze %dma_start3A_681 : memref<1x50xi32, #tpu.memory_space<vmem>> -> memref<50xi32, #tpu.memory_space<vmem>>
        %dma_start3A_683 = arith.constant 0 : i32
        %dma_start3A_684 = arith.constant 0 : i32
        %dma_start3A_685 = tpu.memref_slice %arg3[%dma_start3A_683, %dma_start3A_684] : memref<1000000x32xf32, #tpu.memory_space<hbm>> -> memref<1000000x32xf32, #tpu.memory_space<hbm>>
        %dma_start3A_686 = tpu.memref_slice %arg7[%dma_start3A_675] : memref<16x!tpu.dma_semaphore, #tpu.memory_space<semaphore_mem>> -> memref<1x!tpu.dma_semaphore, #tpu.memory_space<semaphore_mem>>
        %dma_start3A_687 = tpu.memref_squeeze %dma_start3A_686 : memref<1x!tpu.dma_semaphore, #tpu.memory_space<semaphore_mem>> -> memref<!tpu.dma_semaphore, #tpu.memory_space<semaphore_mem>>
        tpu.enqueue_indirect_dma source(%dma_start3A_685 : memref<1000000x32xf32, #tpu.memory_space<hbm>>) target(%dma_start3A_679 : memref<50x32xf32, #tpu.memory_space<vmem>>) offsets(%dma_start3A_682 : memref<50xi32, #tpu.memory_space<vmem>>) semaphore(%dma_start3A_687 : memref<!tpu.dma_semaphore, #tpu.memory_space<semaphore_mem>>)
      } else {
      }
      %mul3A_431 = arith.constant 16 : i32
      %mul3A_432 = arith.muli %scan3A_246, %mul3A_431 : i32
      %add3A_433 = arith.constant 7 : i32
      %add3A_434 = arith.addi %mul3A_432, %add3A_433 : i32
      %dma_wait3A_435 = arith.constant 7 : i32
      %dma_wait3A_436 = arith.constant 7 : i32
      %dma_wait3A_437 = arith.constant 0 : i32
      %dma_wait3A_438 = arith.constant 0 : i32
      %dma_wait3A_439 = tpu.memref_slice %arg6[%dma_wait3A_435, %dma_wait3A_437, %dma_wait3A_438] : memref<16x50x32xf32, #tpu.memory_space<vmem>> -> memref<1x50x32xf32, #tpu.memory_space<vmem>>
      %dma_wait3A_440 = tpu.memref_squeeze %dma_wait3A_439 : memref<1x50x32xf32, #tpu.memory_space<vmem>> -> memref<50x32xf32, #tpu.memory_space<vmem>>
      %dma_wait3A_441 = arith.constant 0 : i32
      %dma_wait3A_442 = tpu.memref_slice %arg5[%add3A_434, %dma_wait3A_441] : memref<512x50xi32, #tpu.memory_space<vmem>> -> memref<1x50xi32, #tpu.memory_space<vmem>>
      %dma_wait3A_443 = tpu.memref_squeeze %dma_wait3A_442 : memref<1x50xi32, #tpu.memory_space<vmem>> -> memref<50xi32, #tpu.memory_space<vmem>>
      %dma_wait3A_444 = arith.constant 0 : i32
      %dma_wait3A_445 = arith.constant 0 : i32
      %dma_wait3A_446 = tpu.memref_slice %arg3[%dma_wait3A_444, %dma_wait3A_445] : memref<1000000x32xf32, #tpu.memory_space<hbm>> -> memref<1000000x32xf32, #tpu.memory_space<hbm>>
      %dma_wait3A_447 = tpu.memref_slice %arg7[%dma_wait3A_436] : memref<16x!tpu.dma_semaphore, #tpu.memory_space<semaphore_mem>> -> memref<1x!tpu.dma_semaphore, #tpu.memory_space<semaphore_mem>>
      %dma_wait3A_448 = tpu.memref_squeeze %dma_wait3A_447 : memref<1x!tpu.dma_semaphore, #tpu.memory_space<semaphore_mem>> -> memref<!tpu.dma_semaphore, #tpu.memory_space<semaphore_mem>>
      tpu.wait_indirect_dma semaphore(%dma_wait3A_448 : memref<!tpu.dma_semaphore, #tpu.memory_space<semaphore_mem>>) src(%dma_wait3A_446 : memref<1000000x32xf32, #tpu.memory_space<hbm>>) dst(%dma_wait3A_440 : memref<50x32xf32, #tpu.memory_space<vmem>>)
      %add3A_449 = arith.addi %mul3A_2, %add3A_434 : i32
      %run_scoped3A_450 = arith.constant 7 : i32
      "tpu.region"() ({
        %run_scoped3A_674 = tpu.sem_alloc : memref<!tpu.dma_semaphore, #tpu.memory_space<semaphore_mem>>
        %dma_start3A_675 = arith.constant 0 : i32
        %dma_start3A_676 = arith.constant 0 : i32
        %dma_start3A_677 = tpu.memref_slice %arg6[%run_scoped3A_450, %dma_start3A_675, %dma_start3A_676] : memref<16x50x32xf32, #tpu.memory_space<vmem>> -> memref<1x50x32xf32, #tpu.memory_space<vmem>>
        %dma_start3A_678 = tpu.memref_squeeze %dma_start3A_677 : memref<1x50x32xf32, #tpu.memory_space<vmem>> -> memref<50x32xf32, #tpu.memory_space<vmem>>
        %dma_start3A_679 = arith.constant 0 : i32
        %dma_start3A_680 = arith.constant 0 : i32
        %dma_start3A_681 = tpu.memref_slice %arg4[%add3A_449, %dma_start3A_679, %dma_start3A_680] : memref<16384x50x32xf32, #tpu.memory_space<hbm>> -> memref<1x50x32xf32, #tpu.memory_space<hbm>>
        %dma_start3A_682 = tpu.memref_squeeze %dma_start3A_681 : memref<1x50x32xf32, #tpu.memory_space<hbm>> -> memref<50x32xf32, #tpu.memory_space<hbm>>
        %dma_start3A_683 = arith.constant 0 : i32
        %dma_start3A_684 = arith.constant 0 : i32
        %dma_start3A_685 = tpu.memref_slice %arg4[%add3A_449, %dma_start3A_683, %dma_start3A_684] : memref<16384x50x32xf32, #tpu.memory_space<hbm>> -> memref<1x50x32xf32, #tpu.memory_space<hbm>>
        %dma_start3A_686 = tpu.memref_squeeze %dma_start3A_685 : memref<1x50x32xf32, #tpu.memory_space<hbm>> -> memref<50x32xf32, #tpu.memory_space<hbm>>
        %dma_start3A_687 = arith.constant 0 : i32
        %dma_start3A_688 = arith.constant 0 : i32
        %dma_start3A_689 = tpu.memref_slice %arg6[%run_scoped3A_450, %dma_start3A_687, %dma_start3A_688] : memref<16x50x32xf32, #tpu.memory_space<vmem>> -> memref<1x50x32xf32, #tpu.memory_space<vmem>>
        %dma_start3A_690 = tpu.memref_squeeze %dma_start3A_689 : memref<1x50x32xf32, #tpu.memory_space<vmem>> -> memref<50x32xf32, #tpu.memory_space<vmem>>
        tpu.enqueue_dma source(%dma_start3A_690 : memref<50x32xf32, #tpu.memory_space<vmem>>) target(%dma_start3A_686 : memref<50x32xf32, #tpu.memory_space<hbm>>) target_semaphore(%run_scoped3A_674 : memref<!tpu.dma_semaphore, #tpu.memory_space<semaphore_mem>>)
        %dma_wait3A_691 = arith.constant 0 : i32
        %dma_wait3A_692 = arith.constant 0 : i32
        %dma_wait3A_693 = tpu.memref_slice %arg6[%run_scoped3A_450, %dma_wait3A_691, %dma_wait3A_692] : memref<16x50x32xf32, #tpu.memory_space<vmem>> -> memref<1x50x32xf32, #tpu.memory_space<vmem>>
        %dma_wait3A_694 = tpu.memref_squeeze %dma_wait3A_693 : memref<1x50x32xf32, #tpu.memory_space<vmem>> -> memref<50x32xf32, #tpu.memory_space<vmem>>
        %dma_wait3A_695 = arith.constant 0 : i32
        %dma_wait3A_696 = arith.constant 0 : i32
        %dma_wait3A_697 = tpu.memref_slice %arg4[%add3A_449, %dma_wait3A_695, %dma_wait3A_696] : memref<16384x50x32xf32, #tpu.memory_space<hbm>> -> memref<1x50x32xf32, #tpu.memory_space<hbm>>
        %dma_wait3A_698 = tpu.memref_squeeze %dma_wait3A_697 : memref<1x50x32xf32, #tpu.memory_space<hbm>> -> memref<50x32xf32, #tpu.memory_space<hbm>>
        %dma_wait3A_699 = arith.constant 0 : i32
        %dma_wait3A_700 = arith.constant 0 : i32
        %dma_wait3A_701 = tpu.memref_slice %arg4[%add3A_449, %dma_wait3A_699, %dma_wait3A_700] : memref<16384x50x32xf32, #tpu.memory_space<hbm>> -> memref<1x50x32xf32, #tpu.memory_space<hbm>>
        %dma_wait3A_702 = tpu.memref_squeeze %dma_wait3A_701 : memref<1x50x32xf32, #tpu.memory_space<hbm>> -> memref<50x32xf32, #tpu.memory_space<hbm>>
        %dma_wait3A_703 = arith.constant 0 : i32
        %dma_wait3A_704 = arith.constant 0 : i32
        %dma_wait3A_705 = tpu.memref_slice %arg6[%run_scoped3A_450, %dma_wait3A_703, %dma_wait3A_704] : memref<16x50x32xf32, #tpu.memory_space<vmem>> -> memref<1x50x32xf32, #tpu.memory_space<vmem>>
        %dma_wait3A_706 = tpu.memref_squeeze %dma_wait3A_705 : memref<1x50x32xf32, #tpu.memory_space<vmem>> -> memref<50x32xf32, #tpu.memory_space<vmem>>
        tpu.wait_dma2 semaphore(%run_scoped3A_674 : memref<!tpu.dma_semaphore, #tpu.memory_space<semaphore_mem>>) src(%dma_wait3A_706 : memref<50x32xf32, #tpu.memory_space<vmem>>) dst(%dma_wait3A_702 : memref<50x32xf32, #tpu.memory_space<hbm>>)
        tpu.yield
      }) : () -> ()
      %add3A_451 = arith.constant 16 : i32
      %add3A_452 = arith.addi %add3A_434, %add3A_451 : i32
      %lt3A_453 = arith.constant 512 : i32
      %lt3A_454 = arith.cmpi slt, %add3A_452, %lt3A_453 : i32
      %convert_element_type3A_455 = arith.extui %lt3A_454 : i1 to i32
      %cond3A_456 = arith.constant 0 : i32
      %cond3A_457 = arith.cmpi ne, %convert_element_type3A_455, %cond3A_456 : i32
      scf.if %cond3A_457 {
        %dma_start3A_674 = arith.constant 7 : i32
        %dma_start3A_675 = arith.constant 7 : i32
        %dma_start3A_676 = arith.constant 0 : i32
        %dma_start3A_677 = arith.constant 0 : i32
        %dma_start3A_678 = tpu.memref_slice %arg6[%dma_start3A_674, %dma_start3A_676, %dma_start3A_677] : memref<16x50x32xf32, #tpu.memory_space<vmem>> -> memref<1x50x32xf32, #tpu.memory_space<vmem>>
        %dma_start3A_679 = tpu.memref_squeeze %dma_start3A_678 : memref<1x50x32xf32, #tpu.memory_space<vmem>> -> memref<50x32xf32, #tpu.memory_space<vmem>>
        %dma_start3A_680 = arith.constant 0 : i32
        %dma_start3A_681 = tpu.memref_slice %arg5[%add3A_452, %dma_start3A_680] : memref<512x50xi32, #tpu.memory_space<vmem>> -> memref<1x50xi32, #tpu.memory_space<vmem>>
        %dma_start3A_682 = tpu.memref_squeeze %dma_start3A_681 : memref<1x50xi32, #tpu.memory_space<vmem>> -> memref<50xi32, #tpu.memory_space<vmem>>
        %dma_start3A_683 = arith.constant 0 : i32
        %dma_start3A_684 = arith.constant 0 : i32
        %dma_start3A_685 = tpu.memref_slice %arg3[%dma_start3A_683, %dma_start3A_684] : memref<1000000x32xf32, #tpu.memory_space<hbm>> -> memref<1000000x32xf32, #tpu.memory_space<hbm>>
        %dma_start3A_686 = tpu.memref_slice %arg7[%dma_start3A_675] : memref<16x!tpu.dma_semaphore, #tpu.memory_space<semaphore_mem>> -> memref<1x!tpu.dma_semaphore, #tpu.memory_space<semaphore_mem>>
        %dma_start3A_687 = tpu.memref_squeeze %dma_start3A_686 : memref<1x!tpu.dma_semaphore, #tpu.memory_space<semaphore_mem>> -> memref<!tpu.dma_semaphore, #tpu.memory_space<semaphore_mem>>
        tpu.enqueue_indirect_dma source(%dma_start3A_685 : memref<1000000x32xf32, #tpu.memory_space<hbm>>) target(%dma_start3A_679 : memref<50x32xf32, #tpu.memory_space<vmem>>) offsets(%dma_start3A_682 : memref<50xi32, #tpu.memory_space<vmem>>) semaphore(%dma_start3A_687 : memref<!tpu.dma_semaphore, #tpu.memory_space<semaphore_mem>>)
      } else {
      }
      %mul3A_458 = arith.constant 16 : i32
      %mul3A_459 = arith.muli %scan3A_246, %mul3A_458 : i32
      %add3A_460 = arith.constant 8 : i32
      %add3A_461 = arith.addi %mul3A_459, %add3A_460 : i32
      %dma_wait3A_462 = arith.constant 8 : i32
      %dma_wait3A_463 = arith.constant 8 : i32
      %dma_wait3A_464 = arith.constant 0 : i32
      %dma_wait3A_465 = arith.constant 0 : i32
      %dma_wait3A_466 = tpu.memref_slice %arg6[%dma_wait3A_462, %dma_wait3A_464, %dma_wait3A_465] : memref<16x50x32xf32, #tpu.memory_space<vmem>> -> memref<1x50x32xf32, #tpu.memory_space<vmem>>
      %dma_wait3A_467 = tpu.memref_squeeze %dma_wait3A_466 : memref<1x50x32xf32, #tpu.memory_space<vmem>> -> memref<50x32xf32, #tpu.memory_space<vmem>>
      %dma_wait3A_468 = arith.constant 0 : i32
      %dma_wait3A_469 = tpu.memref_slice %arg5[%add3A_461, %dma_wait3A_468] : memref<512x50xi32, #tpu.memory_space<vmem>> -> memref<1x50xi32, #tpu.memory_space<vmem>>
      %dma_wait3A_470 = tpu.memref_squeeze %dma_wait3A_469 : memref<1x50xi32, #tpu.memory_space<vmem>> -> memref<50xi32, #tpu.memory_space<vmem>>
      %dma_wait3A_471 = arith.constant 0 : i32
      %dma_wait3A_472 = arith.constant 0 : i32
      %dma_wait3A_473 = tpu.memref_slice %arg3[%dma_wait3A_471, %dma_wait3A_472] : memref<1000000x32xf32, #tpu.memory_space<hbm>> -> memref<1000000x32xf32, #tpu.memory_space<hbm>>
      %dma_wait3A_474 = tpu.memref_slice %arg7[%dma_wait3A_463] : memref<16x!tpu.dma_semaphore, #tpu.memory_space<semaphore_mem>> -> memref<1x!tpu.dma_semaphore, #tpu.memory_space<semaphore_mem>>
      %dma_wait3A_475 = tpu.memref_squeeze %dma_wait3A_474 : memref<1x!tpu.dma_semaphore, #tpu.memory_space<semaphore_mem>> -> memref<!tpu.dma_semaphore, #tpu.memory_space<semaphore_mem>>
      tpu.wait_indirect_dma semaphore(%dma_wait3A_475 : memref<!tpu.dma_semaphore, #tpu.memory_space<semaphore_mem>>) src(%dma_wait3A_473 : memref<1000000x32xf32, #tpu.memory_space<hbm>>) dst(%dma_wait3A_467 : memref<50x32xf32, #tpu.memory_space<vmem>>)
      %add3A_476 = arith.addi %mul3A_2, %add3A_461 : i32
      %run_scoped3A_477 = arith.constant 8 : i32
      "tpu.region"() ({
        %run_scoped3A_674 = tpu.sem_alloc : memref<!tpu.dma_semaphore, #tpu.memory_space<semaphore_mem>>
        %dma_start3A_675 = arith.constant 0 : i32
        %dma_start3A_676 = arith.constant 0 : i32
        %dma_start3A_677 = tpu.memref_slice %arg6[%run_scoped3A_477, %dma_start3A_675, %dma_start3A_676] : memref<16x50x32xf32, #tpu.memory_space<vmem>> -> memref<1x50x32xf32, #tpu.memory_space<vmem>>
        %dma_start3A_678 = tpu.memref_squeeze %dma_start3A_677 : memref<1x50x32xf32, #tpu.memory_space<vmem>> -> memref<50x32xf32, #tpu.memory_space<vmem>>
        %dma_start3A_679 = arith.constant 0 : i32
        %dma_start3A_680 = arith.constant 0 : i32
        %dma_start3A_681 = tpu.memref_slice %arg4[%add3A_476, %dma_start3A_679, %dma_start3A_680] : memref<16384x50x32xf32, #tpu.memory_space<hbm>> -> memref<1x50x32xf32, #tpu.memory_space<hbm>>
        %dma_start3A_682 = tpu.memref_squeeze %dma_start3A_681 : memref<1x50x32xf32, #tpu.memory_space<hbm>> -> memref<50x32xf32, #tpu.memory_space<hbm>>
        %dma_start3A_683 = arith.constant 0 : i32
        %dma_start3A_684 = arith.constant 0 : i32
        %dma_start3A_685 = tpu.memref_slice %arg4[%add3A_476, %dma_start3A_683, %dma_start3A_684] : memref<16384x50x32xf32, #tpu.memory_space<hbm>> -> memref<1x50x32xf32, #tpu.memory_space<hbm>>
        %dma_start3A_686 = tpu.memref_squeeze %dma_start3A_685 : memref<1x50x32xf32, #tpu.memory_space<hbm>> -> memref<50x32xf32, #tpu.memory_space<hbm>>
        %dma_start3A_687 = arith.constant 0 : i32
        %dma_start3A_688 = arith.constant 0 : i32
        %dma_start3A_689 = tpu.memref_slice %arg6[%run_scoped3A_477, %dma_start3A_687, %dma_start3A_688] : memref<16x50x32xf32, #tpu.memory_space<vmem>> -> memref<1x50x32xf32, #tpu.memory_space<vmem>>
        %dma_start3A_690 = tpu.memref_squeeze %dma_start3A_689 : memref<1x50x32xf32, #tpu.memory_space<vmem>> -> memref<50x32xf32, #tpu.memory_space<vmem>>
        tpu.enqueue_dma source(%dma_start3A_690 : memref<50x32xf32, #tpu.memory_space<vmem>>) target(%dma_start3A_686 : memref<50x32xf32, #tpu.memory_space<hbm>>) target_semaphore(%run_scoped3A_674 : memref<!tpu.dma_semaphore, #tpu.memory_space<semaphore_mem>>)
        %dma_wait3A_691 = arith.constant 0 : i32
        %dma_wait3A_692 = arith.constant 0 : i32
        %dma_wait3A_693 = tpu.memref_slice %arg6[%run_scoped3A_477, %dma_wait3A_691, %dma_wait3A_692] : memref<16x50x32xf32, #tpu.memory_space<vmem>> -> memref<1x50x32xf32, #tpu.memory_space<vmem>>
        %dma_wait3A_694 = tpu.memref_squeeze %dma_wait3A_693 : memref<1x50x32xf32, #tpu.memory_space<vmem>> -> memref<50x32xf32, #tpu.memory_space<vmem>>
        %dma_wait3A_695 = arith.constant 0 : i32
        %dma_wait3A_696 = arith.constant 0 : i32
        %dma_wait3A_697 = tpu.memref_slice %arg4[%add3A_476, %dma_wait3A_695, %dma_wait3A_696] : memref<16384x50x32xf32, #tpu.memory_space<hbm>> -> memref<1x50x32xf32, #tpu.memory_space<hbm>>
        %dma_wait3A_698 = tpu.memref_squeeze %dma_wait3A_697 : memref<1x50x32xf32, #tpu.memory_space<hbm>> -> memref<50x32xf32, #tpu.memory_space<hbm>>
        %dma_wait3A_699 = arith.constant 0 : i32
        %dma_wait3A_700 = arith.constant 0 : i32
        %dma_wait3A_701 = tpu.memref_slice %arg4[%add3A_476, %dma_wait3A_699, %dma_wait3A_700] : memref<16384x50x32xf32, #tpu.memory_space<hbm>> -> memref<1x50x32xf32, #tpu.memory_space<hbm>>
        %dma_wait3A_702 = tpu.memref_squeeze %dma_wait3A_701 : memref<1x50x32xf32, #tpu.memory_space<hbm>> -> memref<50x32xf32, #tpu.memory_space<hbm>>
        %dma_wait3A_703 = arith.constant 0 : i32
        %dma_wait3A_704 = arith.constant 0 : i32
        %dma_wait3A_705 = tpu.memref_slice %arg6[%run_scoped3A_477, %dma_wait3A_703, %dma_wait3A_704] : memref<16x50x32xf32, #tpu.memory_space<vmem>> -> memref<1x50x32xf32, #tpu.memory_space<vmem>>
        %dma_wait3A_706 = tpu.memref_squeeze %dma_wait3A_705 : memref<1x50x32xf32, #tpu.memory_space<vmem>> -> memref<50x32xf32, #tpu.memory_space<vmem>>
        tpu.wait_dma2 semaphore(%run_scoped3A_674 : memref<!tpu.dma_semaphore, #tpu.memory_space<semaphore_mem>>) src(%dma_wait3A_706 : memref<50x32xf32, #tpu.memory_space<vmem>>) dst(%dma_wait3A_702 : memref<50x32xf32, #tpu.memory_space<hbm>>)
        tpu.yield
      }) : () -> ()
      %add3A_478 = arith.constant 16 : i32
      %add3A_479 = arith.addi %add3A_461, %add3A_478 : i32
      %lt3A_480 = arith.constant 512 : i32
      %lt3A_481 = arith.cmpi slt, %add3A_479, %lt3A_480 : i32
      %convert_element_type3A_482 = arith.extui %lt3A_481 : i1 to i32
      %cond3A_483 = arith.constant 0 : i32
      %cond3A_484 = arith.cmpi ne, %convert_element_type3A_482, %cond3A_483 : i32
      scf.if %cond3A_484 {
        %dma_start3A_674 = arith.constant 8 : i32
        %dma_start3A_675 = arith.constant 8 : i32
        %dma_start3A_676 = arith.constant 0 : i32
        %dma_start3A_677 = arith.constant 0 : i32
        %dma_start3A_678 = tpu.memref_slice %arg6[%dma_start3A_674, %dma_start3A_676, %dma_start3A_677] : memref<16x50x32xf32, #tpu.memory_space<vmem>> -> memref<1x50x32xf32, #tpu.memory_space<vmem>>
        %dma_start3A_679 = tpu.memref_squeeze %dma_start3A_678 : memref<1x50x32xf32, #tpu.memory_space<vmem>> -> memref<50x32xf32, #tpu.memory_space<vmem>>
        %dma_start3A_680 = arith.constant 0 : i32
        %dma_start3A_681 = tpu.memref_slice %arg5[%add3A_479, %dma_start3A_680] : memref<512x50xi32, #tpu.memory_space<vmem>> -> memref<1x50xi32, #tpu.memory_space<vmem>>
        %dma_start3A_682 = tpu.memref_squeeze %dma_start3A_681 : memref<1x50xi32, #tpu.memory_space<vmem>> -> memref<50xi32, #tpu.memory_space<vmem>>
        %dma_start3A_683 = arith.constant 0 : i32
        %dma_start3A_684 = arith.constant 0 : i32
        %dma_start3A_685 = tpu.memref_slice %arg3[%dma_start3A_683, %dma_start3A_684] : memref<1000000x32xf32, #tpu.memory_space<hbm>> -> memref<1000000x32xf32, #tpu.memory_space<hbm>>
        %dma_start3A_686 = tpu.memref_slice %arg7[%dma_start3A_675] : memref<16x!tpu.dma_semaphore, #tpu.memory_space<semaphore_mem>> -> memref<1x!tpu.dma_semaphore, #tpu.memory_space<semaphore_mem>>
        %dma_start3A_687 = tpu.memref_squeeze %dma_start3A_686 : memref<1x!tpu.dma_semaphore, #tpu.memory_space<semaphore_mem>> -> memref<!tpu.dma_semaphore, #tpu.memory_space<semaphore_mem>>
        tpu.enqueue_indirect_dma source(%dma_start3A_685 : memref<1000000x32xf32, #tpu.memory_space<hbm>>) target(%dma_start3A_679 : memref<50x32xf32, #tpu.memory_space<vmem>>) offsets(%dma_start3A_682 : memref<50xi32, #tpu.memory_space<vmem>>) semaphore(%dma_start3A_687 : memref<!tpu.dma_semaphore, #tpu.memory_space<semaphore_mem>>)
      } else {
      }
      %mul3A_485 = arith.constant 16 : i32
      %mul3A_486 = arith.muli %scan3A_246, %mul3A_485 : i32
      %add3A_487 = arith.constant 9 : i32
      %add3A_488 = arith.addi %mul3A_486, %add3A_487 : i32
      %dma_wait3A_489 = arith.constant 9 : i32
      %dma_wait3A_490 = arith.constant 9 : i32
      %dma_wait3A_491 = arith.constant 0 : i32
      %dma_wait3A_492 = arith.constant 0 : i32
      %dma_wait3A_493 = tpu.memref_slice %arg6[%dma_wait3A_489, %dma_wait3A_491, %dma_wait3A_492] : memref<16x50x32xf32, #tpu.memory_space<vmem>> -> memref<1x50x32xf32, #tpu.memory_space<vmem>>
      %dma_wait3A_494 = tpu.memref_squeeze %dma_wait3A_493 : memref<1x50x32xf32, #tpu.memory_space<vmem>> -> memref<50x32xf32, #tpu.memory_space<vmem>>
      %dma_wait3A_495 = arith.constant 0 : i32
      %dma_wait3A_496 = tpu.memref_slice %arg5[%add3A_488, %dma_wait3A_495] : memref<512x50xi32, #tpu.memory_space<vmem>> -> memref<1x50xi32, #tpu.memory_space<vmem>>
      %dma_wait3A_497 = tpu.memref_squeeze %dma_wait3A_496 : memref<1x50xi32, #tpu.memory_space<vmem>> -> memref<50xi32, #tpu.memory_space<vmem>>
      %dma_wait3A_498 = arith.constant 0 : i32
      %dma_wait3A_499 = arith.constant 0 : i32
      %dma_wait3A_500 = tpu.memref_slice %arg3[%dma_wait3A_498, %dma_wait3A_499] : memref<1000000x32xf32, #tpu.memory_space<hbm>> -> memref<1000000x32xf32, #tpu.memory_space<hbm>>
      %dma_wait3A_501 = tpu.memref_slice %arg7[%dma_wait3A_490] : memref<16x!tpu.dma_semaphore, #tpu.memory_space<semaphore_mem>> -> memref<1x!tpu.dma_semaphore, #tpu.memory_space<semaphore_mem>>
      %dma_wait3A_502 = tpu.memref_squeeze %dma_wait3A_501 : memref<1x!tpu.dma_semaphore, #tpu.memory_space<semaphore_mem>> -> memref<!tpu.dma_semaphore, #tpu.memory_space<semaphore_mem>>
      tpu.wait_indirect_dma semaphore(%dma_wait3A_502 : memref<!tpu.dma_semaphore, #tpu.memory_space<semaphore_mem>>) src(%dma_wait3A_500 : memref<1000000x32xf32, #tpu.memory_space<hbm>>) dst(%dma_wait3A_494 : memref<50x32xf32, #tpu.memory_space<vmem>>)
      %add3A_503 = arith.addi %mul3A_2, %add3A_488 : i32
      %run_scoped3A_504 = arith.constant 9 : i32
      "tpu.region"() ({
        %run_scoped3A_674 = tpu.sem_alloc : memref<!tpu.dma_semaphore, #tpu.memory_space<semaphore_mem>>
        %dma_start3A_675 = arith.constant 0 : i32
        %dma_start3A_676 = arith.constant 0 : i32
        %dma_start3A_677 = tpu.memref_slice %arg6[%run_scoped3A_504, %dma_start3A_675, %dma_start3A_676] : memref<16x50x32xf32, #tpu.memory_space<vmem>> -> memref<1x50x32xf32, #tpu.memory_space<vmem>>
        %dma_start3A_678 = tpu.memref_squeeze %dma_start3A_677 : memref<1x50x32xf32, #tpu.memory_space<vmem>> -> memref<50x32xf32, #tpu.memory_space<vmem>>
        %dma_start3A_679 = arith.constant 0 : i32
        %dma_start3A_680 = arith.constant 0 : i32
        %dma_start3A_681 = tpu.memref_slice %arg4[%add3A_503, %dma_start3A_679, %dma_start3A_680] : memref<16384x50x32xf32, #tpu.memory_space<hbm>> -> memref<1x50x32xf32, #tpu.memory_space<hbm>>
        %dma_start3A_682 = tpu.memref_squeeze %dma_start3A_681 : memref<1x50x32xf32, #tpu.memory_space<hbm>> -> memref<50x32xf32, #tpu.memory_space<hbm>>
        %dma_start3A_683 = arith.constant 0 : i32
        %dma_start3A_684 = arith.constant 0 : i32
        %dma_start3A_685 = tpu.memref_slice %arg4[%add3A_503, %dma_start3A_683, %dma_start3A_684] : memref<16384x50x32xf32, #tpu.memory_space<hbm>> -> memref<1x50x32xf32, #tpu.memory_space<hbm>>
        %dma_start3A_686 = tpu.memref_squeeze %dma_start3A_685 : memref<1x50x32xf32, #tpu.memory_space<hbm>> -> memref<50x32xf32, #tpu.memory_space<hbm>>
        %dma_start3A_687 = arith.constant 0 : i32
        %dma_start3A_688 = arith.constant 0 : i32
        %dma_start3A_689 = tpu.memref_slice %arg6[%run_scoped3A_504, %dma_start3A_687, %dma_start3A_688] : memref<16x50x32xf32, #tpu.memory_space<vmem>> -> memref<1x50x32xf32, #tpu.memory_space<vmem>>
        %dma_start3A_690 = tpu.memref_squeeze %dma_start3A_689 : memref<1x50x32xf32, #tpu.memory_space<vmem>> -> memref<50x32xf32, #tpu.memory_space<vmem>>
        tpu.enqueue_dma source(%dma_start3A_690 : memref<50x32xf32, #tpu.memory_space<vmem>>) target(%dma_start3A_686 : memref<50x32xf32, #tpu.memory_space<hbm>>) target_semaphore(%run_scoped3A_674 : memref<!tpu.dma_semaphore, #tpu.memory_space<semaphore_mem>>)
        %dma_wait3A_691 = arith.constant 0 : i32
        %dma_wait3A_692 = arith.constant 0 : i32
        %dma_wait3A_693 = tpu.memref_slice %arg6[%run_scoped3A_504, %dma_wait3A_691, %dma_wait3A_692] : memref<16x50x32xf32, #tpu.memory_space<vmem>> -> memref<1x50x32xf32, #tpu.memory_space<vmem>>
        %dma_wait3A_694 = tpu.memref_squeeze %dma_wait3A_693 : memref<1x50x32xf32, #tpu.memory_space<vmem>> -> memref<50x32xf32, #tpu.memory_space<vmem>>
        %dma_wait3A_695 = arith.constant 0 : i32
        %dma_wait3A_696 = arith.constant 0 : i32
        %dma_wait3A_697 = tpu.memref_slice %arg4[%add3A_503, %dma_wait3A_695, %dma_wait3A_696] : memref<16384x50x32xf32, #tpu.memory_space<hbm>> -> memref<1x50x32xf32, #tpu.memory_space<hbm>>
        %dma_wait3A_698 = tpu.memref_squeeze %dma_wait3A_697 : memref<1x50x32xf32, #tpu.memory_space<hbm>> -> memref<50x32xf32, #tpu.memory_space<hbm>>
        %dma_wait3A_699 = arith.constant 0 : i32
        %dma_wait3A_700 = arith.constant 0 : i32
        %dma_wait3A_701 = tpu.memref_slice %arg4[%add3A_503, %dma_wait3A_699, %dma_wait3A_700] : memref<16384x50x32xf32, #tpu.memory_space<hbm>> -> memref<1x50x32xf32, #tpu.memory_space<hbm>>
        %dma_wait3A_702 = tpu.memref_squeeze %dma_wait3A_701 : memref<1x50x32xf32, #tpu.memory_space<hbm>> -> memref<50x32xf32, #tpu.memory_space<hbm>>
        %dma_wait3A_703 = arith.constant 0 : i32
        %dma_wait3A_704 = arith.constant 0 : i32
        %dma_wait3A_705 = tpu.memref_slice %arg6[%run_scoped3A_504, %dma_wait3A_703, %dma_wait3A_704] : memref<16x50x32xf32, #tpu.memory_space<vmem>> -> memref<1x50x32xf32, #tpu.memory_space<vmem>>
        %dma_wait3A_706 = tpu.memref_squeeze %dma_wait3A_705 : memref<1x50x32xf32, #tpu.memory_space<vmem>> -> memref<50x32xf32, #tpu.memory_space<vmem>>
        tpu.wait_dma2 semaphore(%run_scoped3A_674 : memref<!tpu.dma_semaphore, #tpu.memory_space<semaphore_mem>>) src(%dma_wait3A_706 : memref<50x32xf32, #tpu.memory_space<vmem>>) dst(%dma_wait3A_702 : memref<50x32xf32, #tpu.memory_space<hbm>>)
        tpu.yield
      }) : () -> ()
      %add3A_505 = arith.constant 16 : i32
      %add3A_506 = arith.addi %add3A_488, %add3A_505 : i32
      %lt3A_507 = arith.constant 512 : i32
      %lt3A_508 = arith.cmpi slt, %add3A_506, %lt3A_507 : i32
      %convert_element_type3A_509 = arith.extui %lt3A_508 : i1 to i32
      %cond3A_510 = arith.constant 0 : i32
      %cond3A_511 = arith.cmpi ne, %convert_element_type3A_509, %cond3A_510 : i32
      scf.if %cond3A_511 {
        %dma_start3A_674 = arith.constant 9 : i32
        %dma_start3A_675 = arith.constant 9 : i32
        %dma_start3A_676 = arith.constant 0 : i32
        %dma_start3A_677 = arith.constant 0 : i32
        %dma_start3A_678 = tpu.memref_slice %arg6[%dma_start3A_674, %dma_start3A_676, %dma_start3A_677] : memref<16x50x32xf32, #tpu.memory_space<vmem>> -> memref<1x50x32xf32, #tpu.memory_space<vmem>>
        %dma_start3A_679 = tpu.memref_squeeze %dma_start3A_678 : memref<1x50x32xf32, #tpu.memory_space<vmem>> -> memref<50x32xf32, #tpu.memory_space<vmem>>
        %dma_start3A_680 = arith.constant 0 : i32
        %dma_start3A_681 = tpu.memref_slice %arg5[%add3A_506, %dma_start3A_680] : memref<512x50xi32, #tpu.memory_space<vmem>> -> memref<1x50xi32, #tpu.memory_space<vmem>>
        %dma_start3A_682 = tpu.memref_squeeze %dma_start3A_681 : memref<1x50xi32, #tpu.memory_space<vmem>> -> memref<50xi32, #tpu.memory_space<vmem>>
        %dma_start3A_683 = arith.constant 0 : i32
        %dma_start3A_684 = arith.constant 0 : i32
        %dma_start3A_685 = tpu.memref_slice %arg3[%dma_start3A_683, %dma_start3A_684] : memref<1000000x32xf32, #tpu.memory_space<hbm>> -> memref<1000000x32xf32, #tpu.memory_space<hbm>>
        %dma_start3A_686 = tpu.memref_slice %arg7[%dma_start3A_675] : memref<16x!tpu.dma_semaphore, #tpu.memory_space<semaphore_mem>> -> memref<1x!tpu.dma_semaphore, #tpu.memory_space<semaphore_mem>>
        %dma_start3A_687 = tpu.memref_squeeze %dma_start3A_686 : memref<1x!tpu.dma_semaphore, #tpu.memory_space<semaphore_mem>> -> memref<!tpu.dma_semaphore, #tpu.memory_space<semaphore_mem>>
        tpu.enqueue_indirect_dma source(%dma_start3A_685 : memref<1000000x32xf32, #tpu.memory_space<hbm>>) target(%dma_start3A_679 : memref<50x32xf32, #tpu.memory_space<vmem>>) offsets(%dma_start3A_682 : memref<50xi32, #tpu.memory_space<vmem>>) semaphore(%dma_start3A_687 : memref<!tpu.dma_semaphore, #tpu.memory_space<semaphore_mem>>)
      } else {
      }
      %mul3A_512 = arith.constant 16 : i32
      %mul3A_513 = arith.muli %scan3A_246, %mul3A_512 : i32
      %add3A_514 = arith.constant 10 : i32
      %add3A_515 = arith.addi %mul3A_513, %add3A_514 : i32
      %dma_wait3A_516 = arith.constant 10 : i32
      %dma_wait3A_517 = arith.constant 10 : i32
      %dma_wait3A_518 = arith.constant 0 : i32
      %dma_wait3A_519 = arith.constant 0 : i32
      %dma_wait3A_520 = tpu.memref_slice %arg6[%dma_wait3A_516, %dma_wait3A_518, %dma_wait3A_519] : memref<16x50x32xf32, #tpu.memory_space<vmem>> -> memref<1x50x32xf32, #tpu.memory_space<vmem>>
      %dma_wait3A_521 = tpu.memref_squeeze %dma_wait3A_520 : memref<1x50x32xf32, #tpu.memory_space<vmem>> -> memref<50x32xf32, #tpu.memory_space<vmem>>
      %dma_wait3A_522 = arith.constant 0 : i32
      %dma_wait3A_523 = tpu.memref_slice %arg5[%add3A_515, %dma_wait3A_522] : memref<512x50xi32, #tpu.memory_space<vmem>> -> memref<1x50xi32, #tpu.memory_space<vmem>>
      %dma_wait3A_524 = tpu.memref_squeeze %dma_wait3A_523 : memref<1x50xi32, #tpu.memory_space<vmem>> -> memref<50xi32, #tpu.memory_space<vmem>>
      %dma_wait3A_525 = arith.constant 0 : i32
      %dma_wait3A_526 = arith.constant 0 : i32
      %dma_wait3A_527 = tpu.memref_slice %arg3[%dma_wait3A_525, %dma_wait3A_526] : memref<1000000x32xf32, #tpu.memory_space<hbm>> -> memref<1000000x32xf32, #tpu.memory_space<hbm>>
      %dma_wait3A_528 = tpu.memref_slice %arg7[%dma_wait3A_517] : memref<16x!tpu.dma_semaphore, #tpu.memory_space<semaphore_mem>> -> memref<1x!tpu.dma_semaphore, #tpu.memory_space<semaphore_mem>>
      %dma_wait3A_529 = tpu.memref_squeeze %dma_wait3A_528 : memref<1x!tpu.dma_semaphore, #tpu.memory_space<semaphore_mem>> -> memref<!tpu.dma_semaphore, #tpu.memory_space<semaphore_mem>>
      tpu.wait_indirect_dma semaphore(%dma_wait3A_529 : memref<!tpu.dma_semaphore, #tpu.memory_space<semaphore_mem>>) src(%dma_wait3A_527 : memref<1000000x32xf32, #tpu.memory_space<hbm>>) dst(%dma_wait3A_521 : memref<50x32xf32, #tpu.memory_space<vmem>>)
      %add3A_530 = arith.addi %mul3A_2, %add3A_515 : i32
      %run_scoped3A_531 = arith.constant 10 : i32
      "tpu.region"() ({
        %run_scoped3A_674 = tpu.sem_alloc : memref<!tpu.dma_semaphore, #tpu.memory_space<semaphore_mem>>
        %dma_start3A_675 = arith.constant 0 : i32
        %dma_start3A_676 = arith.constant 0 : i32
        %dma_start3A_677 = tpu.memref_slice %arg6[%run_scoped3A_531, %dma_start3A_675, %dma_start3A_676] : memref<16x50x32xf32, #tpu.memory_space<vmem>> -> memref<1x50x32xf32, #tpu.memory_space<vmem>>
        %dma_start3A_678 = tpu.memref_squeeze %dma_start3A_677 : memref<1x50x32xf32, #tpu.memory_space<vmem>> -> memref<50x32xf32, #tpu.memory_space<vmem>>
        %dma_start3A_679 = arith.constant 0 : i32
        %dma_start3A_680 = arith.constant 0 : i32
        %dma_start3A_681 = tpu.memref_slice %arg4[%add3A_530, %dma_start3A_679, %dma_start3A_680] : memref<16384x50x32xf32, #tpu.memory_space<hbm>> -> memref<1x50x32xf32, #tpu.memory_space<hbm>>
        %dma_start3A_682 = tpu.memref_squeeze %dma_start3A_681 : memref<1x50x32xf32, #tpu.memory_space<hbm>> -> memref<50x32xf32, #tpu.memory_space<hbm>>
        %dma_start3A_683 = arith.constant 0 : i32
        %dma_start3A_684 = arith.constant 0 : i32
        %dma_start3A_685 = tpu.memref_slice %arg4[%add3A_530, %dma_start3A_683, %dma_start3A_684] : memref<16384x50x32xf32, #tpu.memory_space<hbm>> -> memref<1x50x32xf32, #tpu.memory_space<hbm>>
        %dma_start3A_686 = tpu.memref_squeeze %dma_start3A_685 : memref<1x50x32xf32, #tpu.memory_space<hbm>> -> memref<50x32xf32, #tpu.memory_space<hbm>>
        %dma_start3A_687 = arith.constant 0 : i32
        %dma_start3A_688 = arith.constant 0 : i32
        %dma_start3A_689 = tpu.memref_slice %arg6[%run_scoped3A_531, %dma_start3A_687, %dma_start3A_688] : memref<16x50x32xf32, #tpu.memory_space<vmem>> -> memref<1x50x32xf32, #tpu.memory_space<vmem>>
        %dma_start3A_690 = tpu.memref_squeeze %dma_start3A_689 : memref<1x50x32xf32, #tpu.memory_space<vmem>> -> memref<50x32xf32, #tpu.memory_space<vmem>>
        tpu.enqueue_dma source(%dma_start3A_690 : memref<50x32xf32, #tpu.memory_space<vmem>>) target(%dma_start3A_686 : memref<50x32xf32, #tpu.memory_space<hbm>>) target_semaphore(%run_scoped3A_674 : memref<!tpu.dma_semaphore, #tpu.memory_space<semaphore_mem>>)
        %dma_wait3A_691 = arith.constant 0 : i32
        %dma_wait3A_692 = arith.constant 0 : i32
        %dma_wait3A_693 = tpu.memref_slice %arg6[%run_scoped3A_531, %dma_wait3A_691, %dma_wait3A_692] : memref<16x50x32xf32, #tpu.memory_space<vmem>> -> memref<1x50x32xf32, #tpu.memory_space<vmem>>
        %dma_wait3A_694 = tpu.memref_squeeze %dma_wait3A_693 : memref<1x50x32xf32, #tpu.memory_space<vmem>> -> memref<50x32xf32, #tpu.memory_space<vmem>>
        %dma_wait3A_695 = arith.constant 0 : i32
        %dma_wait3A_696 = arith.constant 0 : i32
        %dma_wait3A_697 = tpu.memref_slice %arg4[%add3A_530, %dma_wait3A_695, %dma_wait3A_696] : memref<16384x50x32xf32, #tpu.memory_space<hbm>> -> memref<1x50x32xf32, #tpu.memory_space<hbm>>
        %dma_wait3A_698 = tpu.memref_squeeze %dma_wait3A_697 : memref<1x50x32xf32, #tpu.memory_space<hbm>> -> memref<50x32xf32, #tpu.memory_space<hbm>>
        %dma_wait3A_699 = arith.constant 0 : i32
        %dma_wait3A_700 = arith.constant 0 : i32
        %dma_wait3A_701 = tpu.memref_slice %arg4[%add3A_530, %dma_wait3A_699, %dma_wait3A_700] : memref<16384x50x32xf32, #tpu.memory_space<hbm>> -> memref<1x50x32xf32, #tpu.memory_space<hbm>>
        %dma_wait3A_702 = tpu.memref_squeeze %dma_wait3A_701 : memref<1x50x32xf32, #tpu.memory_space<hbm>> -> memref<50x32xf32, #tpu.memory_space<hbm>>
        %dma_wait3A_703 = arith.constant 0 : i32
        %dma_wait3A_704 = arith.constant 0 : i32
        %dma_wait3A_705 = tpu.memref_slice %arg6[%run_scoped3A_531, %dma_wait3A_703, %dma_wait3A_704] : memref<16x50x32xf32, #tpu.memory_space<vmem>> -> memref<1x50x32xf32, #tpu.memory_space<vmem>>
        %dma_wait3A_706 = tpu.memref_squeeze %dma_wait3A_705 : memref<1x50x32xf32, #tpu.memory_space<vmem>> -> memref<50x32xf32, #tpu.memory_space<vmem>>
        tpu.wait_dma2 semaphore(%run_scoped3A_674 : memref<!tpu.dma_semaphore, #tpu.memory_space<semaphore_mem>>) src(%dma_wait3A_706 : memref<50x32xf32, #tpu.memory_space<vmem>>) dst(%dma_wait3A_702 : memref<50x32xf32, #tpu.memory_space<hbm>>)
        tpu.yield
      }) : () -> ()
      %add3A_532 = arith.constant 16 : i32
      %add3A_533 = arith.addi %add3A_515, %add3A_532 : i32
      %lt3A_534 = arith.constant 512 : i32
      %lt3A_535 = arith.cmpi slt, %add3A_533, %lt3A_534 : i32
      %convert_element_type3A_536 = arith.extui %lt3A_535 : i1 to i32
      %cond3A_537 = arith.constant 0 : i32
      %cond3A_538 = arith.cmpi ne, %convert_element_type3A_536, %cond3A_537 : i32
      scf.if %cond3A_538 {
        %dma_start3A_674 = arith.constant 10 : i32
        %dma_start3A_675 = arith.constant 10 : i32
        %dma_start3A_676 = arith.constant 0 : i32
        %dma_start3A_677 = arith.constant 0 : i32
        %dma_start3A_678 = tpu.memref_slice %arg6[%dma_start3A_674, %dma_start3A_676, %dma_start3A_677] : memref<16x50x32xf32, #tpu.memory_space<vmem>> -> memref<1x50x32xf32, #tpu.memory_space<vmem>>
        %dma_start3A_679 = tpu.memref_squeeze %dma_start3A_678 : memref<1x50x32xf32, #tpu.memory_space<vmem>> -> memref<50x32xf32, #tpu.memory_space<vmem>>
        %dma_start3A_680 = arith.constant 0 : i32
        %dma_start3A_681 = tpu.memref_slice %arg5[%add3A_533, %dma_start3A_680] : memref<512x50xi32, #tpu.memory_space<vmem>> -> memref<1x50xi32, #tpu.memory_space<vmem>>
        %dma_start3A_682 = tpu.memref_squeeze %dma_start3A_681 : memref<1x50xi32, #tpu.memory_space<vmem>> -> memref<50xi32, #tpu.memory_space<vmem>>
        %dma_start3A_683 = arith.constant 0 : i32
        %dma_start3A_684 = arith.constant 0 : i32
        %dma_start3A_685 = tpu.memref_slice %arg3[%dma_start3A_683, %dma_start3A_684] : memref<1000000x32xf32, #tpu.memory_space<hbm>> -> memref<1000000x32xf32, #tpu.memory_space<hbm>>
        %dma_start3A_686 = tpu.memref_slice %arg7[%dma_start3A_675] : memref<16x!tpu.dma_semaphore, #tpu.memory_space<semaphore_mem>> -> memref<1x!tpu.dma_semaphore, #tpu.memory_space<semaphore_mem>>
        %dma_start3A_687 = tpu.memref_squeeze %dma_start3A_686 : memref<1x!tpu.dma_semaphore, #tpu.memory_space<semaphore_mem>> -> memref<!tpu.dma_semaphore, #tpu.memory_space<semaphore_mem>>
        tpu.enqueue_indirect_dma source(%dma_start3A_685 : memref<1000000x32xf32, #tpu.memory_space<hbm>>) target(%dma_start3A_679 : memref<50x32xf32, #tpu.memory_space<vmem>>) offsets(%dma_start3A_682 : memref<50xi32, #tpu.memory_space<vmem>>) semaphore(%dma_start3A_687 : memref<!tpu.dma_semaphore, #tpu.memory_space<semaphore_mem>>)
      } else {
      }
      %mul3A_539 = arith.constant 16 : i32
      %mul3A_540 = arith.muli %scan3A_246, %mul3A_539 : i32
      %add3A_541 = arith.constant 11 : i32
      %add3A_542 = arith.addi %mul3A_540, %add3A_541 : i32
      %dma_wait3A_543 = arith.constant 11 : i32
      %dma_wait3A_544 = arith.constant 11 : i32
      %dma_wait3A_545 = arith.constant 0 : i32
      %dma_wait3A_546 = arith.constant 0 : i32
      %dma_wait3A_547 = tpu.memref_slice %arg6[%dma_wait3A_543, %dma_wait3A_545, %dma_wait3A_546] : memref<16x50x32xf32, #tpu.memory_space<vmem>> -> memref<1x50x32xf32, #tpu.memory_space<vmem>>
      %dma_wait3A_548 = tpu.memref_squeeze %dma_wait3A_547 : memref<1x50x32xf32, #tpu.memory_space<vmem>> -> memref<50x32xf32, #tpu.memory_space<vmem>>
      %dma_wait3A_549 = arith.constant 0 : i32
      %dma_wait3A_550 = tpu.memref_slice %arg5[%add3A_542, %dma_wait3A_549] : memref<512x50xi32, #tpu.memory_space<vmem>> -> memref<1x50xi32, #tpu.memory_space<vmem>>
      %dma_wait3A_551 = tpu.memref_squeeze %dma_wait3A_550 : memref<1x50xi32, #tpu.memory_space<vmem>> -> memref<50xi32, #tpu.memory_space<vmem>>
      %dma_wait3A_552 = arith.constant 0 : i32
      %dma_wait3A_553 = arith.constant 0 : i32
      %dma_wait3A_554 = tpu.memref_slice %arg3[%dma_wait3A_552, %dma_wait3A_553] : memref<1000000x32xf32, #tpu.memory_space<hbm>> -> memref<1000000x32xf32, #tpu.memory_space<hbm>>
      %dma_wait3A_555 = tpu.memref_slice %arg7[%dma_wait3A_544] : memref<16x!tpu.dma_semaphore, #tpu.memory_space<semaphore_mem>> -> memref<1x!tpu.dma_semaphore, #tpu.memory_space<semaphore_mem>>
      %dma_wait3A_556 = tpu.memref_squeeze %dma_wait3A_555 : memref<1x!tpu.dma_semaphore, #tpu.memory_space<semaphore_mem>> -> memref<!tpu.dma_semaphore, #tpu.memory_space<semaphore_mem>>
      tpu.wait_indirect_dma semaphore(%dma_wait3A_556 : memref<!tpu.dma_semaphore, #tpu.memory_space<semaphore_mem>>) src(%dma_wait3A_554 : memref<1000000x32xf32, #tpu.memory_space<hbm>>) dst(%dma_wait3A_548 : memref<50x32xf32, #tpu.memory_space<vmem>>)
      %add3A_557 = arith.addi %mul3A_2, %add3A_542 : i32
      %run_scoped3A_558 = arith.constant 11 : i32
      "tpu.region"() ({
        %run_scoped3A_674 = tpu.sem_alloc : memref<!tpu.dma_semaphore, #tpu.memory_space<semaphore_mem>>
        %dma_start3A_675 = arith.constant 0 : i32
        %dma_start3A_676 = arith.constant 0 : i32
        %dma_start3A_677 = tpu.memref_slice %arg6[%run_scoped3A_558, %dma_start3A_675, %dma_start3A_676] : memref<16x50x32xf32, #tpu.memory_space<vmem>> -> memref<1x50x32xf32, #tpu.memory_space<vmem>>
        %dma_start3A_678 = tpu.memref_squeeze %dma_start3A_677 : memref<1x50x32xf32, #tpu.memory_space<vmem>> -> memref<50x32xf32, #tpu.memory_space<vmem>>
        %dma_start3A_679 = arith.constant 0 : i32
        %dma_start3A_680 = arith.constant 0 : i32
        %dma_start3A_681 = tpu.memref_slice %arg4[%add3A_557, %dma_start3A_679, %dma_start3A_680] : memref<16384x50x32xf32, #tpu.memory_space<hbm>> -> memref<1x50x32xf32, #tpu.memory_space<hbm>>
        %dma_start3A_682 = tpu.memref_squeeze %dma_start3A_681 : memref<1x50x32xf32, #tpu.memory_space<hbm>> -> memref<50x32xf32, #tpu.memory_space<hbm>>
        %dma_start3A_683 = arith.constant 0 : i32
        %dma_start3A_684 = arith.constant 0 : i32
        %dma_start3A_685 = tpu.memref_slice %arg4[%add3A_557, %dma_start3A_683, %dma_start3A_684] : memref<16384x50x32xf32, #tpu.memory_space<hbm>> -> memref<1x50x32xf32, #tpu.memory_space<hbm>>
        %dma_start3A_686 = tpu.memref_squeeze %dma_start3A_685 : memref<1x50x32xf32, #tpu.memory_space<hbm>> -> memref<50x32xf32, #tpu.memory_space<hbm>>
        %dma_start3A_687 = arith.constant 0 : i32
        %dma_start3A_688 = arith.constant 0 : i32
        %dma_start3A_689 = tpu.memref_slice %arg6[%run_scoped3A_558, %dma_start3A_687, %dma_start3A_688] : memref<16x50x32xf32, #tpu.memory_space<vmem>> -> memref<1x50x32xf32, #tpu.memory_space<vmem>>
        %dma_start3A_690 = tpu.memref_squeeze %dma_start3A_689 : memref<1x50x32xf32, #tpu.memory_space<vmem>> -> memref<50x32xf32, #tpu.memory_space<vmem>>
        tpu.enqueue_dma source(%dma_start3A_690 : memref<50x32xf32, #tpu.memory_space<vmem>>) target(%dma_start3A_686 : memref<50x32xf32, #tpu.memory_space<hbm>>) target_semaphore(%run_scoped3A_674 : memref<!tpu.dma_semaphore, #tpu.memory_space<semaphore_mem>>)
        %dma_wait3A_691 = arith.constant 0 : i32
        %dma_wait3A_692 = arith.constant 0 : i32
        %dma_wait3A_693 = tpu.memref_slice %arg6[%run_scoped3A_558, %dma_wait3A_691, %dma_wait3A_692] : memref<16x50x32xf32, #tpu.memory_space<vmem>> -> memref<1x50x32xf32, #tpu.memory_space<vmem>>
        %dma_wait3A_694 = tpu.memref_squeeze %dma_wait3A_693 : memref<1x50x32xf32, #tpu.memory_space<vmem>> -> memref<50x32xf32, #tpu.memory_space<vmem>>
        %dma_wait3A_695 = arith.constant 0 : i32
        %dma_wait3A_696 = arith.constant 0 : i32
        %dma_wait3A_697 = tpu.memref_slice %arg4[%add3A_557, %dma_wait3A_695, %dma_wait3A_696] : memref<16384x50x32xf32, #tpu.memory_space<hbm>> -> memref<1x50x32xf32, #tpu.memory_space<hbm>>
        %dma_wait3A_698 = tpu.memref_squeeze %dma_wait3A_697 : memref<1x50x32xf32, #tpu.memory_space<hbm>> -> memref<50x32xf32, #tpu.memory_space<hbm>>
        %dma_wait3A_699 = arith.constant 0 : i32
        %dma_wait3A_700 = arith.constant 0 : i32
        %dma_wait3A_701 = tpu.memref_slice %arg4[%add3A_557, %dma_wait3A_699, %dma_wait3A_700] : memref<16384x50x32xf32, #tpu.memory_space<hbm>> -> memref<1x50x32xf32, #tpu.memory_space<hbm>>
        %dma_wait3A_702 = tpu.memref_squeeze %dma_wait3A_701 : memref<1x50x32xf32, #tpu.memory_space<hbm>> -> memref<50x32xf32, #tpu.memory_space<hbm>>
        %dma_wait3A_703 = arith.constant 0 : i32
        %dma_wait3A_704 = arith.constant 0 : i32
        %dma_wait3A_705 = tpu.memref_slice %arg6[%run_scoped3A_558, %dma_wait3A_703, %dma_wait3A_704] : memref<16x50x32xf32, #tpu.memory_space<vmem>> -> memref<1x50x32xf32, #tpu.memory_space<vmem>>
        %dma_wait3A_706 = tpu.memref_squeeze %dma_wait3A_705 : memref<1x50x32xf32, #tpu.memory_space<vmem>> -> memref<50x32xf32, #tpu.memory_space<vmem>>
        tpu.wait_dma2 semaphore(%run_scoped3A_674 : memref<!tpu.dma_semaphore, #tpu.memory_space<semaphore_mem>>) src(%dma_wait3A_706 : memref<50x32xf32, #tpu.memory_space<vmem>>) dst(%dma_wait3A_702 : memref<50x32xf32, #tpu.memory_space<hbm>>)
        tpu.yield
      }) : () -> ()
      %add3A_559 = arith.constant 16 : i32
      %add3A_560 = arith.addi %add3A_542, %add3A_559 : i32
      %lt3A_561 = arith.constant 512 : i32
      %lt3A_562 = arith.cmpi slt, %add3A_560, %lt3A_561 : i32
      %convert_element_type3A_563 = arith.extui %lt3A_562 : i1 to i32
      %cond3A_564 = arith.constant 0 : i32
      %cond3A_565 = arith.cmpi ne, %convert_element_type3A_563, %cond3A_564 : i32
      scf.if %cond3A_565 {
        %dma_start3A_674 = arith.constant 11 : i32
        %dma_start3A_675 = arith.constant 11 : i32
        %dma_start3A_676 = arith.constant 0 : i32
        %dma_start3A_677 = arith.constant 0 : i32
        %dma_start3A_678 = tpu.memref_slice %arg6[%dma_start3A_674, %dma_start3A_676, %dma_start3A_677] : memref<16x50x32xf32, #tpu.memory_space<vmem>> -> memref<1x50x32xf32, #tpu.memory_space<vmem>>
        %dma_start3A_679 = tpu.memref_squeeze %dma_start3A_678 : memref<1x50x32xf32, #tpu.memory_space<vmem>> -> memref<50x32xf32, #tpu.memory_space<vmem>>
        %dma_start3A_680 = arith.constant 0 : i32
        %dma_start3A_681 = tpu.memref_slice %arg5[%add3A_560, %dma_start3A_680] : memref<512x50xi32, #tpu.memory_space<vmem>> -> memref<1x50xi32, #tpu.memory_space<vmem>>
        %dma_start3A_682 = tpu.memref_squeeze %dma_start3A_681 : memref<1x50xi32, #tpu.memory_space<vmem>> -> memref<50xi32, #tpu.memory_space<vmem>>
        %dma_start3A_683 = arith.constant 0 : i32
        %dma_start3A_684 = arith.constant 0 : i32
        %dma_start3A_685 = tpu.memref_slice %arg3[%dma_start3A_683, %dma_start3A_684] : memref<1000000x32xf32, #tpu.memory_space<hbm>> -> memref<1000000x32xf32, #tpu.memory_space<hbm>>
        %dma_start3A_686 = tpu.memref_slice %arg7[%dma_start3A_675] : memref<16x!tpu.dma_semaphore, #tpu.memory_space<semaphore_mem>> -> memref<1x!tpu.dma_semaphore, #tpu.memory_space<semaphore_mem>>
        %dma_start3A_687 = tpu.memref_squeeze %dma_start3A_686 : memref<1x!tpu.dma_semaphore, #tpu.memory_space<semaphore_mem>> -> memref<!tpu.dma_semaphore, #tpu.memory_space<semaphore_mem>>
        tpu.enqueue_indirect_dma source(%dma_start3A_685 : memref<1000000x32xf32, #tpu.memory_space<hbm>>) target(%dma_start3A_679 : memref<50x32xf32, #tpu.memory_space<vmem>>) offsets(%dma_start3A_682 : memref<50xi32, #tpu.memory_space<vmem>>) semaphore(%dma_start3A_687 : memref<!tpu.dma_semaphore, #tpu.memory_space<semaphore_mem>>)
      } else {
      }
      %mul3A_566 = arith.constant 16 : i32
      %mul3A_567 = arith.muli %scan3A_246, %mul3A_566 : i32
      %add3A_568 = arith.constant 12 : i32
      %add3A_569 = arith.addi %mul3A_567, %add3A_568 : i32
      %dma_wait3A_570 = arith.constant 12 : i32
      %dma_wait3A_571 = arith.constant 12 : i32
      %dma_wait3A_572 = arith.constant 0 : i32
      %dma_wait3A_573 = arith.constant 0 : i32
      %dma_wait3A_574 = tpu.memref_slice %arg6[%dma_wait3A_570, %dma_wait3A_572, %dma_wait3A_573] : memref<16x50x32xf32, #tpu.memory_space<vmem>> -> memref<1x50x32xf32, #tpu.memory_space<vmem>>
      %dma_wait3A_575 = tpu.memref_squeeze %dma_wait3A_574 : memref<1x50x32xf32, #tpu.memory_space<vmem>> -> memref<50x32xf32, #tpu.memory_space<vmem>>
      %dma_wait3A_576 = arith.constant 0 : i32
      %dma_wait3A_577 = tpu.memref_slice %arg5[%add3A_569, %dma_wait3A_576] : memref<512x50xi32, #tpu.memory_space<vmem>> -> memref<1x50xi32, #tpu.memory_space<vmem>>
      %dma_wait3A_578 = tpu.memref_squeeze %dma_wait3A_577 : memref<1x50xi32, #tpu.memory_space<vmem>> -> memref<50xi32, #tpu.memory_space<vmem>>
      %dma_wait3A_579 = arith.constant 0 : i32
      %dma_wait3A_580 = arith.constant 0 : i32
      %dma_wait3A_581 = tpu.memref_slice %arg3[%dma_wait3A_579, %dma_wait3A_580] : memref<1000000x32xf32, #tpu.memory_space<hbm>> -> memref<1000000x32xf32, #tpu.memory_space<hbm>>
      %dma_wait3A_582 = tpu.memref_slice %arg7[%dma_wait3A_571] : memref<16x!tpu.dma_semaphore, #tpu.memory_space<semaphore_mem>> -> memref<1x!tpu.dma_semaphore, #tpu.memory_space<semaphore_mem>>
      %dma_wait3A_583 = tpu.memref_squeeze %dma_wait3A_582 : memref<1x!tpu.dma_semaphore, #tpu.memory_space<semaphore_mem>> -> memref<!tpu.dma_semaphore, #tpu.memory_space<semaphore_mem>>
      tpu.wait_indirect_dma semaphore(%dma_wait3A_583 : memref<!tpu.dma_semaphore, #tpu.memory_space<semaphore_mem>>) src(%dma_wait3A_581 : memref<1000000x32xf32, #tpu.memory_space<hbm>>) dst(%dma_wait3A_575 : memref<50x32xf32, #tpu.memory_space<vmem>>)
      %add3A_584 = arith.addi %mul3A_2, %add3A_569 : i32
      %run_scoped3A_585 = arith.constant 12 : i32
      "tpu.region"() ({
        %run_scoped3A_674 = tpu.sem_alloc : memref<!tpu.dma_semaphore, #tpu.memory_space<semaphore_mem>>
        %dma_start3A_675 = arith.constant 0 : i32
        %dma_start3A_676 = arith.constant 0 : i32
        %dma_start3A_677 = tpu.memref_slice %arg6[%run_scoped3A_585, %dma_start3A_675, %dma_start3A_676] : memref<16x50x32xf32, #tpu.memory_space<vmem>> -> memref<1x50x32xf32, #tpu.memory_space<vmem>>
        %dma_start3A_678 = tpu.memref_squeeze %dma_start3A_677 : memref<1x50x32xf32, #tpu.memory_space<vmem>> -> memref<50x32xf32, #tpu.memory_space<vmem>>
        %dma_start3A_679 = arith.constant 0 : i32
        %dma_start3A_680 = arith.constant 0 : i32
        %dma_start3A_681 = tpu.memref_slice %arg4[%add3A_584, %dma_start3A_679, %dma_start3A_680] : memref<16384x50x32xf32, #tpu.memory_space<hbm>> -> memref<1x50x32xf32, #tpu.memory_space<hbm>>
        %dma_start3A_682 = tpu.memref_squeeze %dma_start3A_681 : memref<1x50x32xf32, #tpu.memory_space<hbm>> -> memref<50x32xf32, #tpu.memory_space<hbm>>
        %dma_start3A_683 = arith.constant 0 : i32
        %dma_start3A_684 = arith.constant 0 : i32
        %dma_start3A_685 = tpu.memref_slice %arg4[%add3A_584, %dma_start3A_683, %dma_start3A_684] : memref<16384x50x32xf32, #tpu.memory_space<hbm>> -> memref<1x50x32xf32, #tpu.memory_space<hbm>>
        %dma_start3A_686 = tpu.memref_squeeze %dma_start3A_685 : memref<1x50x32xf32, #tpu.memory_space<hbm>> -> memref<50x32xf32, #tpu.memory_space<hbm>>
        %dma_start3A_687 = arith.constant 0 : i32
        %dma_start3A_688 = arith.constant 0 : i32
        %dma_start3A_689 = tpu.memref_slice %arg6[%run_scoped3A_585, %dma_start3A_687, %dma_start3A_688] : memref<16x50x32xf32, #tpu.memory_space<vmem>> -> memref<1x50x32xf32, #tpu.memory_space<vmem>>
        %dma_start3A_690 = tpu.memref_squeeze %dma_start3A_689 : memref<1x50x32xf32, #tpu.memory_space<vmem>> -> memref<50x32xf32, #tpu.memory_space<vmem>>
        tpu.enqueue_dma source(%dma_start3A_690 : memref<50x32xf32, #tpu.memory_space<vmem>>) target(%dma_start3A_686 : memref<50x32xf32, #tpu.memory_space<hbm>>) target_semaphore(%run_scoped3A_674 : memref<!tpu.dma_semaphore, #tpu.memory_space<semaphore_mem>>)
        %dma_wait3A_691 = arith.constant 0 : i32
        %dma_wait3A_692 = arith.constant 0 : i32
        %dma_wait3A_693 = tpu.memref_slice %arg6[%run_scoped3A_585, %dma_wait3A_691, %dma_wait3A_692] : memref<16x50x32xf32, #tpu.memory_space<vmem>> -> memref<1x50x32xf32, #tpu.memory_space<vmem>>
        %dma_wait3A_694 = tpu.memref_squeeze %dma_wait3A_693 : memref<1x50x32xf32, #tpu.memory_space<vmem>> -> memref<50x32xf32, #tpu.memory_space<vmem>>
        %dma_wait3A_695 = arith.constant 0 : i32
        %dma_wait3A_696 = arith.constant 0 : i32
        %dma_wait3A_697 = tpu.memref_slice %arg4[%add3A_584, %dma_wait3A_695, %dma_wait3A_696] : memref<16384x50x32xf32, #tpu.memory_space<hbm>> -> memref<1x50x32xf32, #tpu.memory_space<hbm>>
        %dma_wait3A_698 = tpu.memref_squeeze %dma_wait3A_697 : memref<1x50x32xf32, #tpu.memory_space<hbm>> -> memref<50x32xf32, #tpu.memory_space<hbm>>
        %dma_wait3A_699 = arith.constant 0 : i32
        %dma_wait3A_700 = arith.constant 0 : i32
        %dma_wait3A_701 = tpu.memref_slice %arg4[%add3A_584, %dma_wait3A_699, %dma_wait3A_700] : memref<16384x50x32xf32, #tpu.memory_space<hbm>> -> memref<1x50x32xf32, #tpu.memory_space<hbm>>
        %dma_wait3A_702 = tpu.memref_squeeze %dma_wait3A_701 : memref<1x50x32xf32, #tpu.memory_space<hbm>> -> memref<50x32xf32, #tpu.memory_space<hbm>>
        %dma_wait3A_703 = arith.constant 0 : i32
        %dma_wait3A_704 = arith.constant 0 : i32
        %dma_wait3A_705 = tpu.memref_slice %arg6[%run_scoped3A_585, %dma_wait3A_703, %dma_wait3A_704] : memref<16x50x32xf32, #tpu.memory_space<vmem>> -> memref<1x50x32xf32, #tpu.memory_space<vmem>>
        %dma_wait3A_706 = tpu.memref_squeeze %dma_wait3A_705 : memref<1x50x32xf32, #tpu.memory_space<vmem>> -> memref<50x32xf32, #tpu.memory_space<vmem>>
        tpu.wait_dma2 semaphore(%run_scoped3A_674 : memref<!tpu.dma_semaphore, #tpu.memory_space<semaphore_mem>>) src(%dma_wait3A_706 : memref<50x32xf32, #tpu.memory_space<vmem>>) dst(%dma_wait3A_702 : memref<50x32xf32, #tpu.memory_space<hbm>>)
        tpu.yield
      }) : () -> ()
      %add3A_586 = arith.constant 16 : i32
      %add3A_587 = arith.addi %add3A_569, %add3A_586 : i32
      %lt3A_588 = arith.constant 512 : i32
      %lt3A_589 = arith.cmpi slt, %add3A_587, %lt3A_588 : i32
      %convert_element_type3A_590 = arith.extui %lt3A_589 : i1 to i32
      %cond3A_591 = arith.constant 0 : i32
      %cond3A_592 = arith.cmpi ne, %convert_element_type3A_590, %cond3A_591 : i32
      scf.if %cond3A_592 {
        %dma_start3A_674 = arith.constant 12 : i32
        %dma_start3A_675 = arith.constant 12 : i32
        %dma_start3A_676 = arith.constant 0 : i32
        %dma_start3A_677 = arith.constant 0 : i32
        %dma_start3A_678 = tpu.memref_slice %arg6[%dma_start3A_674, %dma_start3A_676, %dma_start3A_677] : memref<16x50x32xf32, #tpu.memory_space<vmem>> -> memref<1x50x32xf32, #tpu.memory_space<vmem>>
        %dma_start3A_679 = tpu.memref_squeeze %dma_start3A_678 : memref<1x50x32xf32, #tpu.memory_space<vmem>> -> memref<50x32xf32, #tpu.memory_space<vmem>>
        %dma_start3A_680 = arith.constant 0 : i32
        %dma_start3A_681 = tpu.memref_slice %arg5[%add3A_587, %dma_start3A_680] : memref<512x50xi32, #tpu.memory_space<vmem>> -> memref<1x50xi32, #tpu.memory_space<vmem>>
        %dma_start3A_682 = tpu.memref_squeeze %dma_start3A_681 : memref<1x50xi32, #tpu.memory_space<vmem>> -> memref<50xi32, #tpu.memory_space<vmem>>
        %dma_start3A_683 = arith.constant 0 : i32
        %dma_start3A_684 = arith.constant 0 : i32
        %dma_start3A_685 = tpu.memref_slice %arg3[%dma_start3A_683, %dma_start3A_684] : memref<1000000x32xf32, #tpu.memory_space<hbm>> -> memref<1000000x32xf32, #tpu.memory_space<hbm>>
        %dma_start3A_686 = tpu.memref_slice %arg7[%dma_start3A_675] : memref<16x!tpu.dma_semaphore, #tpu.memory_space<semaphore_mem>> -> memref<1x!tpu.dma_semaphore, #tpu.memory_space<semaphore_mem>>
        %dma_start3A_687 = tpu.memref_squeeze %dma_start3A_686 : memref<1x!tpu.dma_semaphore, #tpu.memory_space<semaphore_mem>> -> memref<!tpu.dma_semaphore, #tpu.memory_space<semaphore_mem>>
        tpu.enqueue_indirect_dma source(%dma_start3A_685 : memref<1000000x32xf32, #tpu.memory_space<hbm>>) target(%dma_start3A_679 : memref<50x32xf32, #tpu.memory_space<vmem>>) offsets(%dma_start3A_682 : memref<50xi32, #tpu.memory_space<vmem>>) semaphore(%dma_start3A_687 : memref<!tpu.dma_semaphore, #tpu.memory_space<semaphore_mem>>)
      } else {
      }
      %mul3A_593 = arith.constant 16 : i32
      %mul3A_594 = arith.muli %scan3A_246, %mul3A_593 : i32
      %add3A_595 = arith.constant 13 : i32
      %add3A_596 = arith.addi %mul3A_594, %add3A_595 : i32
      %dma_wait3A_597 = arith.constant 13 : i32
      %dma_wait3A_598 = arith.constant 13 : i32
      %dma_wait3A_599 = arith.constant 0 : i32
      %dma_wait3A_600 = arith.constant 0 : i32
      %dma_wait3A_601 = tpu.memref_slice %arg6[%dma_wait3A_597, %dma_wait3A_599, %dma_wait3A_600] : memref<16x50x32xf32, #tpu.memory_space<vmem>> -> memref<1x50x32xf32, #tpu.memory_space<vmem>>
      %dma_wait3A_602 = tpu.memref_squeeze %dma_wait3A_601 : memref<1x50x32xf32, #tpu.memory_space<vmem>> -> memref<50x32xf32, #tpu.memory_space<vmem>>
      %dma_wait3A_603 = arith.constant 0 : i32
      %dma_wait3A_604 = tpu.memref_slice %arg5[%add3A_596, %dma_wait3A_603] : memref<512x50xi32, #tpu.memory_space<vmem>> -> memref<1x50xi32, #tpu.memory_space<vmem>>
      %dma_wait3A_605 = tpu.memref_squeeze %dma_wait3A_604 : memref<1x50xi32, #tpu.memory_space<vmem>> -> memref<50xi32, #tpu.memory_space<vmem>>
      %dma_wait3A_606 = arith.constant 0 : i32
      %dma_wait3A_607 = arith.constant 0 : i32
      %dma_wait3A_608 = tpu.memref_slice %arg3[%dma_wait3A_606, %dma_wait3A_607] : memref<1000000x32xf32, #tpu.memory_space<hbm>> -> memref<1000000x32xf32, #tpu.memory_space<hbm>>
      %dma_wait3A_609 = tpu.memref_slice %arg7[%dma_wait3A_598] : memref<16x!tpu.dma_semaphore, #tpu.memory_space<semaphore_mem>> -> memref<1x!tpu.dma_semaphore, #tpu.memory_space<semaphore_mem>>
      %dma_wait3A_610 = tpu.memref_squeeze %dma_wait3A_609 : memref<1x!tpu.dma_semaphore, #tpu.memory_space<semaphore_mem>> -> memref<!tpu.dma_semaphore, #tpu.memory_space<semaphore_mem>>
      tpu.wait_indirect_dma semaphore(%dma_wait3A_610 : memref<!tpu.dma_semaphore, #tpu.memory_space<semaphore_mem>>) src(%dma_wait3A_608 : memref<1000000x32xf32, #tpu.memory_space<hbm>>) dst(%dma_wait3A_602 : memref<50x32xf32, #tpu.memory_space<vmem>>)
      %add3A_611 = arith.addi %mul3A_2, %add3A_596 : i32
      %run_scoped3A_612 = arith.constant 13 : i32
      "tpu.region"() ({
        %run_scoped3A_674 = tpu.sem_alloc : memref<!tpu.dma_semaphore, #tpu.memory_space<semaphore_mem>>
        %dma_start3A_675 = arith.constant 0 : i32
        %dma_start3A_676 = arith.constant 0 : i32
        %dma_start3A_677 = tpu.memref_slice %arg6[%run_scoped3A_612, %dma_start3A_675, %dma_start3A_676] : memref<16x50x32xf32, #tpu.memory_space<vmem>> -> memref<1x50x32xf32, #tpu.memory_space<vmem>>
        %dma_start3A_678 = tpu.memref_squeeze %dma_start3A_677 : memref<1x50x32xf32, #tpu.memory_space<vmem>> -> memref<50x32xf32, #tpu.memory_space<vmem>>
        %dma_start3A_679 = arith.constant 0 : i32
        %dma_start3A_680 = arith.constant 0 : i32
        %dma_start3A_681 = tpu.memref_slice %arg4[%add3A_611, %dma_start3A_679, %dma_start3A_680] : memref<16384x50x32xf32, #tpu.memory_space<hbm>> -> memref<1x50x32xf32, #tpu.memory_space<hbm>>
        %dma_start3A_682 = tpu.memref_squeeze %dma_start3A_681 : memref<1x50x32xf32, #tpu.memory_space<hbm>> -> memref<50x32xf32, #tpu.memory_space<hbm>>
        %dma_start3A_683 = arith.constant 0 : i32
        %dma_start3A_684 = arith.constant 0 : i32
        %dma_start3A_685 = tpu.memref_slice %arg4[%add3A_611, %dma_start3A_683, %dma_start3A_684] : memref<16384x50x32xf32, #tpu.memory_space<hbm>> -> memref<1x50x32xf32, #tpu.memory_space<hbm>>
        %dma_start3A_686 = tpu.memref_squeeze %dma_start3A_685 : memref<1x50x32xf32, #tpu.memory_space<hbm>> -> memref<50x32xf32, #tpu.memory_space<hbm>>
        %dma_start3A_687 = arith.constant 0 : i32
        %dma_start3A_688 = arith.constant 0 : i32
        %dma_start3A_689 = tpu.memref_slice %arg6[%run_scoped3A_612, %dma_start3A_687, %dma_start3A_688] : memref<16x50x32xf32, #tpu.memory_space<vmem>> -> memref<1x50x32xf32, #tpu.memory_space<vmem>>
        %dma_start3A_690 = tpu.memref_squeeze %dma_start3A_689 : memref<1x50x32xf32, #tpu.memory_space<vmem>> -> memref<50x32xf32, #tpu.memory_space<vmem>>
        tpu.enqueue_dma source(%dma_start3A_690 : memref<50x32xf32, #tpu.memory_space<vmem>>) target(%dma_start3A_686 : memref<50x32xf32, #tpu.memory_space<hbm>>) target_semaphore(%run_scoped3A_674 : memref<!tpu.dma_semaphore, #tpu.memory_space<semaphore_mem>>)
        %dma_wait3A_691 = arith.constant 0 : i32
        %dma_wait3A_692 = arith.constant 0 : i32
        %dma_wait3A_693 = tpu.memref_slice %arg6[%run_scoped3A_612, %dma_wait3A_691, %dma_wait3A_692] : memref<16x50x32xf32, #tpu.memory_space<vmem>> -> memref<1x50x32xf32, #tpu.memory_space<vmem>>
        %dma_wait3A_694 = tpu.memref_squeeze %dma_wait3A_693 : memref<1x50x32xf32, #tpu.memory_space<vmem>> -> memref<50x32xf32, #tpu.memory_space<vmem>>
        %dma_wait3A_695 = arith.constant 0 : i32
        %dma_wait3A_696 = arith.constant 0 : i32
        %dma_wait3A_697 = tpu.memref_slice %arg4[%add3A_611, %dma_wait3A_695, %dma_wait3A_696] : memref<16384x50x32xf32, #tpu.memory_space<hbm>> -> memref<1x50x32xf32, #tpu.memory_space<hbm>>
        %dma_wait3A_698 = tpu.memref_squeeze %dma_wait3A_697 : memref<1x50x32xf32, #tpu.memory_space<hbm>> -> memref<50x32xf32, #tpu.memory_space<hbm>>
        %dma_wait3A_699 = arith.constant 0 : i32
        %dma_wait3A_700 = arith.constant 0 : i32
        %dma_wait3A_701 = tpu.memref_slice %arg4[%add3A_611, %dma_wait3A_699, %dma_wait3A_700] : memref<16384x50x32xf32, #tpu.memory_space<hbm>> -> memref<1x50x32xf32, #tpu.memory_space<hbm>>
        %dma_wait3A_702 = tpu.memref_squeeze %dma_wait3A_701 : memref<1x50x32xf32, #tpu.memory_space<hbm>> -> memref<50x32xf32, #tpu.memory_space<hbm>>
        %dma_wait3A_703 = arith.constant 0 : i32
        %dma_wait3A_704 = arith.constant 0 : i32
        %dma_wait3A_705 = tpu.memref_slice %arg6[%run_scoped3A_612, %dma_wait3A_703, %dma_wait3A_704] : memref<16x50x32xf32, #tpu.memory_space<vmem>> -> memref<1x50x32xf32, #tpu.memory_space<vmem>>
        %dma_wait3A_706 = tpu.memref_squeeze %dma_wait3A_705 : memref<1x50x32xf32, #tpu.memory_space<vmem>> -> memref<50x32xf32, #tpu.memory_space<vmem>>
        tpu.wait_dma2 semaphore(%run_scoped3A_674 : memref<!tpu.dma_semaphore, #tpu.memory_space<semaphore_mem>>) src(%dma_wait3A_706 : memref<50x32xf32, #tpu.memory_space<vmem>>) dst(%dma_wait3A_702 : memref<50x32xf32, #tpu.memory_space<hbm>>)
        tpu.yield
      }) : () -> ()
      %add3A_613 = arith.constant 16 : i32
      %add3A_614 = arith.addi %add3A_596, %add3A_613 : i32
      %lt3A_615 = arith.constant 512 : i32
      %lt3A_616 = arith.cmpi slt, %add3A_614, %lt3A_615 : i32
      %convert_element_type3A_617 = arith.extui %lt3A_616 : i1 to i32
      %cond3A_618 = arith.constant 0 : i32
      %cond3A_619 = arith.cmpi ne, %convert_element_type3A_617, %cond3A_618 : i32
      scf.if %cond3A_619 {
        %dma_start3A_674 = arith.constant 13 : i32
        %dma_start3A_675 = arith.constant 13 : i32
        %dma_start3A_676 = arith.constant 0 : i32
        %dma_start3A_677 = arith.constant 0 : i32
        %dma_start3A_678 = tpu.memref_slice %arg6[%dma_start3A_674, %dma_start3A_676, %dma_start3A_677] : memref<16x50x32xf32, #tpu.memory_space<vmem>> -> memref<1x50x32xf32, #tpu.memory_space<vmem>>
        %dma_start3A_679 = tpu.memref_squeeze %dma_start3A_678 : memref<1x50x32xf32, #tpu.memory_space<vmem>> -> memref<50x32xf32, #tpu.memory_space<vmem>>
        %dma_start3A_680 = arith.constant 0 : i32
        %dma_start3A_681 = tpu.memref_slice %arg5[%add3A_614, %dma_start3A_680] : memref<512x50xi32, #tpu.memory_space<vmem>> -> memref<1x50xi32, #tpu.memory_space<vmem>>
        %dma_start3A_682 = tpu.memref_squeeze %dma_start3A_681 : memref<1x50xi32, #tpu.memory_space<vmem>> -> memref<50xi32, #tpu.memory_space<vmem>>
        %dma_start3A_683 = arith.constant 0 : i32
        %dma_start3A_684 = arith.constant 0 : i32
        %dma_start3A_685 = tpu.memref_slice %arg3[%dma_start3A_683, %dma_start3A_684] : memref<1000000x32xf32, #tpu.memory_space<hbm>> -> memref<1000000x32xf32, #tpu.memory_space<hbm>>
        %dma_start3A_686 = tpu.memref_slice %arg7[%dma_start3A_675] : memref<16x!tpu.dma_semaphore, #tpu.memory_space<semaphore_mem>> -> memref<1x!tpu.dma_semaphore, #tpu.memory_space<semaphore_mem>>
        %dma_start3A_687 = tpu.memref_squeeze %dma_start3A_686 : memref<1x!tpu.dma_semaphore, #tpu.memory_space<semaphore_mem>> -> memref<!tpu.dma_semaphore, #tpu.memory_space<semaphore_mem>>
        tpu.enqueue_indirect_dma source(%dma_start3A_685 : memref<1000000x32xf32, #tpu.memory_space<hbm>>) target(%dma_start3A_679 : memref<50x32xf32, #tpu.memory_space<vmem>>) offsets(%dma_start3A_682 : memref<50xi32, #tpu.memory_space<vmem>>) semaphore(%dma_start3A_687 : memref<!tpu.dma_semaphore, #tpu.memory_space<semaphore_mem>>)
      } else {
      }
      %mul3A_620 = arith.constant 16 : i32
      %mul3A_621 = arith.muli %scan3A_246, %mul3A_620 : i32
      %add3A_622 = arith.constant 14 : i32
      %add3A_623 = arith.addi %mul3A_621, %add3A_622 : i32
      %dma_wait3A_624 = arith.constant 14 : i32
      %dma_wait3A_625 = arith.constant 14 : i32
      %dma_wait3A_626 = arith.constant 0 : i32
      %dma_wait3A_627 = arith.constant 0 : i32
      %dma_wait3A_628 = tpu.memref_slice %arg6[%dma_wait3A_624, %dma_wait3A_626, %dma_wait3A_627] : memref<16x50x32xf32, #tpu.memory_space<vmem>> -> memref<1x50x32xf32, #tpu.memory_space<vmem>>
      %dma_wait3A_629 = tpu.memref_squeeze %dma_wait3A_628 : memref<1x50x32xf32, #tpu.memory_space<vmem>> -> memref<50x32xf32, #tpu.memory_space<vmem>>
      %dma_wait3A_630 = arith.constant 0 : i32
      %dma_wait3A_631 = tpu.memref_slice %arg5[%add3A_623, %dma_wait3A_630] : memref<512x50xi32, #tpu.memory_space<vmem>> -> memref<1x50xi32, #tpu.memory_space<vmem>>
      %dma_wait3A_632 = tpu.memref_squeeze %dma_wait3A_631 : memref<1x50xi32, #tpu.memory_space<vmem>> -> memref<50xi32, #tpu.memory_space<vmem>>
      %dma_wait3A_633 = arith.constant 0 : i32
      %dma_wait3A_634 = arith.constant 0 : i32
      %dma_wait3A_635 = tpu.memref_slice %arg3[%dma_wait3A_633, %dma_wait3A_634] : memref<1000000x32xf32, #tpu.memory_space<hbm>> -> memref<1000000x32xf32, #tpu.memory_space<hbm>>
      %dma_wait3A_636 = tpu.memref_slice %arg7[%dma_wait3A_625] : memref<16x!tpu.dma_semaphore, #tpu.memory_space<semaphore_mem>> -> memref<1x!tpu.dma_semaphore, #tpu.memory_space<semaphore_mem>>
      %dma_wait3A_637 = tpu.memref_squeeze %dma_wait3A_636 : memref<1x!tpu.dma_semaphore, #tpu.memory_space<semaphore_mem>> -> memref<!tpu.dma_semaphore, #tpu.memory_space<semaphore_mem>>
      tpu.wait_indirect_dma semaphore(%dma_wait3A_637 : memref<!tpu.dma_semaphore, #tpu.memory_space<semaphore_mem>>) src(%dma_wait3A_635 : memref<1000000x32xf32, #tpu.memory_space<hbm>>) dst(%dma_wait3A_629 : memref<50x32xf32, #tpu.memory_space<vmem>>)
      %add3A_638 = arith.addi %mul3A_2, %add3A_623 : i32
      %run_scoped3A_639 = arith.constant 14 : i32
      "tpu.region"() ({
        %run_scoped3A_674 = tpu.sem_alloc : memref<!tpu.dma_semaphore, #tpu.memory_space<semaphore_mem>>
        %dma_start3A_675 = arith.constant 0 : i32
        %dma_start3A_676 = arith.constant 0 : i32
        %dma_start3A_677 = tpu.memref_slice %arg6[%run_scoped3A_639, %dma_start3A_675, %dma_start3A_676] : memref<16x50x32xf32, #tpu.memory_space<vmem>> -> memref<1x50x32xf32, #tpu.memory_space<vmem>>
        %dma_start3A_678 = tpu.memref_squeeze %dma_start3A_677 : memref<1x50x32xf32, #tpu.memory_space<vmem>> -> memref<50x32xf32, #tpu.memory_space<vmem>>
        %dma_start3A_679 = arith.constant 0 : i32
        %dma_start3A_680 = arith.constant 0 : i32
        %dma_start3A_681 = tpu.memref_slice %arg4[%add3A_638, %dma_start3A_679, %dma_start3A_680] : memref<16384x50x32xf32, #tpu.memory_space<hbm>> -> memref<1x50x32xf32, #tpu.memory_space<hbm>>
        %dma_start3A_682 = tpu.memref_squeeze %dma_start3A_681 : memref<1x50x32xf32, #tpu.memory_space<hbm>> -> memref<50x32xf32, #tpu.memory_space<hbm>>
        %dma_start3A_683 = arith.constant 0 : i32
        %dma_start3A_684 = arith.constant 0 : i32
        %dma_start3A_685 = tpu.memref_slice %arg4[%add3A_638, %dma_start3A_683, %dma_start3A_684] : memref<16384x50x32xf32, #tpu.memory_space<hbm>> -> memref<1x50x32xf32, #tpu.memory_space<hbm>>
        %dma_start3A_686 = tpu.memref_squeeze %dma_start3A_685 : memref<1x50x32xf32, #tpu.memory_space<hbm>> -> memref<50x32xf32, #tpu.memory_space<hbm>>
        %dma_start3A_687 = arith.constant 0 : i32
        %dma_start3A_688 = arith.constant 0 : i32
        %dma_start3A_689 = tpu.memref_slice %arg6[%run_scoped3A_639, %dma_start3A_687, %dma_start3A_688] : memref<16x50x32xf32, #tpu.memory_space<vmem>> -> memref<1x50x32xf32, #tpu.memory_space<vmem>>
        %dma_start3A_690 = tpu.memref_squeeze %dma_start3A_689 : memref<1x50x32xf32, #tpu.memory_space<vmem>> -> memref<50x32xf32, #tpu.memory_space<vmem>>
        tpu.enqueue_dma source(%dma_start3A_690 : memref<50x32xf32, #tpu.memory_space<vmem>>) target(%dma_start3A_686 : memref<50x32xf32, #tpu.memory_space<hbm>>) target_semaphore(%run_scoped3A_674 : memref<!tpu.dma_semaphore, #tpu.memory_space<semaphore_mem>>)
        %dma_wait3A_691 = arith.constant 0 : i32
        %dma_wait3A_692 = arith.constant 0 : i32
        %dma_wait3A_693 = tpu.memref_slice %arg6[%run_scoped3A_639, %dma_wait3A_691, %dma_wait3A_692] : memref<16x50x32xf32, #tpu.memory_space<vmem>> -> memref<1x50x32xf32, #tpu.memory_space<vmem>>
        %dma_wait3A_694 = tpu.memref_squeeze %dma_wait3A_693 : memref<1x50x32xf32, #tpu.memory_space<vmem>> -> memref<50x32xf32, #tpu.memory_space<vmem>>
        %dma_wait3A_695 = arith.constant 0 : i32
        %dma_wait3A_696 = arith.constant 0 : i32
        %dma_wait3A_697 = tpu.memref_slice %arg4[%add3A_638, %dma_wait3A_695, %dma_wait3A_696] : memref<16384x50x32xf32, #tpu.memory_space<hbm>> -> memref<1x50x32xf32, #tpu.memory_space<hbm>>
        %dma_wait3A_698 = tpu.memref_squeeze %dma_wait3A_697 : memref<1x50x32xf32, #tpu.memory_space<hbm>> -> memref<50x32xf32, #tpu.memory_space<hbm>>
        %dma_wait3A_699 = arith.constant 0 : i32
        %dma_wait3A_700 = arith.constant 0 : i32
        %dma_wait3A_701 = tpu.memref_slice %arg4[%add3A_638, %dma_wait3A_699, %dma_wait3A_700] : memref<16384x50x32xf32, #tpu.memory_space<hbm>> -> memref<1x50x32xf32, #tpu.memory_space<hbm>>
        %dma_wait3A_702 = tpu.memref_squeeze %dma_wait3A_701 : memref<1x50x32xf32, #tpu.memory_space<hbm>> -> memref<50x32xf32, #tpu.memory_space<hbm>>
        %dma_wait3A_703 = arith.constant 0 : i32
        %dma_wait3A_704 = arith.constant 0 : i32
        %dma_wait3A_705 = tpu.memref_slice %arg6[%run_scoped3A_639, %dma_wait3A_703, %dma_wait3A_704] : memref<16x50x32xf32, #tpu.memory_space<vmem>> -> memref<1x50x32xf32, #tpu.memory_space<vmem>>
        %dma_wait3A_706 = tpu.memref_squeeze %dma_wait3A_705 : memref<1x50x32xf32, #tpu.memory_space<vmem>> -> memref<50x32xf32, #tpu.memory_space<vmem>>
        tpu.wait_dma2 semaphore(%run_scoped3A_674 : memref<!tpu.dma_semaphore, #tpu.memory_space<semaphore_mem>>) src(%dma_wait3A_706 : memref<50x32xf32, #tpu.memory_space<vmem>>) dst(%dma_wait3A_702 : memref<50x32xf32, #tpu.memory_space<hbm>>)
        tpu.yield
      }) : () -> ()
      %add3A_640 = arith.constant 16 : i32
      %add3A_641 = arith.addi %add3A_623, %add3A_640 : i32
      %lt3A_642 = arith.constant 512 : i32
      %lt3A_643 = arith.cmpi slt, %add3A_641, %lt3A_642 : i32
      %convert_element_type3A_644 = arith.extui %lt3A_643 : i1 to i32
      %cond3A_645 = arith.constant 0 : i32
      %cond3A_646 = arith.cmpi ne, %convert_element_type3A_644, %cond3A_645 : i32
      scf.if %cond3A_646 {
        %dma_start3A_674 = arith.constant 14 : i32
        %dma_start3A_675 = arith.constant 14 : i32
        %dma_start3A_676 = arith.constant 0 : i32
        %dma_start3A_677 = arith.constant 0 : i32
        %dma_start3A_678 = tpu.memref_slice %arg6[%dma_start3A_674, %dma_start3A_676, %dma_start3A_677] : memref<16x50x32xf32, #tpu.memory_space<vmem>> -> memref<1x50x32xf32, #tpu.memory_space<vmem>>
        %dma_start3A_679 = tpu.memref_squeeze %dma_start3A_678 : memref<1x50x32xf32, #tpu.memory_space<vmem>> -> memref<50x32xf32, #tpu.memory_space<vmem>>
        %dma_start3A_680 = arith.constant 0 : i32
        %dma_start3A_681 = tpu.memref_slice %arg5[%add3A_641, %dma_start3A_680] : memref<512x50xi32, #tpu.memory_space<vmem>> -> memref<1x50xi32, #tpu.memory_space<vmem>>
        %dma_start3A_682 = tpu.memref_squeeze %dma_start3A_681 : memref<1x50xi32, #tpu.memory_space<vmem>> -> memref<50xi32, #tpu.memory_space<vmem>>
        %dma_start3A_683 = arith.constant 0 : i32
        %dma_start3A_684 = arith.constant 0 : i32
        %dma_start3A_685 = tpu.memref_slice %arg3[%dma_start3A_683, %dma_start3A_684] : memref<1000000x32xf32, #tpu.memory_space<hbm>> -> memref<1000000x32xf32, #tpu.memory_space<hbm>>
        %dma_start3A_686 = tpu.memref_slice %arg7[%dma_start3A_675] : memref<16x!tpu.dma_semaphore, #tpu.memory_space<semaphore_mem>> -> memref<1x!tpu.dma_semaphore, #tpu.memory_space<semaphore_mem>>
        %dma_start3A_687 = tpu.memref_squeeze %dma_start3A_686 : memref<1x!tpu.dma_semaphore, #tpu.memory_space<semaphore_mem>> -> memref<!tpu.dma_semaphore, #tpu.memory_space<semaphore_mem>>
        tpu.enqueue_indirect_dma source(%dma_start3A_685 : memref<1000000x32xf32, #tpu.memory_space<hbm>>) target(%dma_start3A_679 : memref<50x32xf32, #tpu.memory_space<vmem>>) offsets(%dma_start3A_682 : memref<50xi32, #tpu.memory_space<vmem>>) semaphore(%dma_start3A_687 : memref<!tpu.dma_semaphore, #tpu.memory_space<semaphore_mem>>)
      } else {
      }
      %mul3A_647 = arith.constant 16 : i32
      %mul3A_648 = arith.muli %scan3A_246, %mul3A_647 : i32
      %add3A_649 = arith.constant 15 : i32
      %add3A_650 = arith.addi %mul3A_648, %add3A_649 : i32
      %dma_wait3A_651 = arith.constant 15 : i32
      %dma_wait3A_652 = arith.constant 15 : i32
      %dma_wait3A_653 = arith.constant 0 : i32
      %dma_wait3A_654 = arith.constant 0 : i32
      %dma_wait3A_655 = tpu.memref_slice %arg6[%dma_wait3A_651, %dma_wait3A_653, %dma_wait3A_654] : memref<16x50x32xf32, #tpu.memory_space<vmem>> -> memref<1x50x32xf32, #tpu.memory_space<vmem>>
      %dma_wait3A_656 = tpu.memref_squeeze %dma_wait3A_655 : memref<1x50x32xf32, #tpu.memory_space<vmem>> -> memref<50x32xf32, #tpu.memory_space<vmem>>
      %dma_wait3A_657 = arith.constant 0 : i32
      %dma_wait3A_658 = tpu.memref_slice %arg5[%add3A_650, %dma_wait3A_657] : memref<512x50xi32, #tpu.memory_space<vmem>> -> memref<1x50xi32, #tpu.memory_space<vmem>>
      %dma_wait3A_659 = tpu.memref_squeeze %dma_wait3A_658 : memref<1x50xi32, #tpu.memory_space<vmem>> -> memref<50xi32, #tpu.memory_space<vmem>>
      %dma_wait3A_660 = arith.constant 0 : i32
      %dma_wait3A_661 = arith.constant 0 : i32
      %dma_wait3A_662 = tpu.memref_slice %arg3[%dma_wait3A_660, %dma_wait3A_661] : memref<1000000x32xf32, #tpu.memory_space<hbm>> -> memref<1000000x32xf32, #tpu.memory_space<hbm>>
      %dma_wait3A_663 = tpu.memref_slice %arg7[%dma_wait3A_652] : memref<16x!tpu.dma_semaphore, #tpu.memory_space<semaphore_mem>> -> memref<1x!tpu.dma_semaphore, #tpu.memory_space<semaphore_mem>>
      %dma_wait3A_664 = tpu.memref_squeeze %dma_wait3A_663 : memref<1x!tpu.dma_semaphore, #tpu.memory_space<semaphore_mem>> -> memref<!tpu.dma_semaphore, #tpu.memory_space<semaphore_mem>>
      tpu.wait_indirect_dma semaphore(%dma_wait3A_664 : memref<!tpu.dma_semaphore, #tpu.memory_space<semaphore_mem>>) src(%dma_wait3A_662 : memref<1000000x32xf32, #tpu.memory_space<hbm>>) dst(%dma_wait3A_656 : memref<50x32xf32, #tpu.memory_space<vmem>>)
      %add3A_665 = arith.addi %mul3A_2, %add3A_650 : i32
      %run_scoped3A_666 = arith.constant 15 : i32
      "tpu.region"() ({
        %run_scoped3A_674 = tpu.sem_alloc : memref<!tpu.dma_semaphore, #tpu.memory_space<semaphore_mem>>
        %dma_start3A_675 = arith.constant 0 : i32
        %dma_start3A_676 = arith.constant 0 : i32
        %dma_start3A_677 = tpu.memref_slice %arg6[%run_scoped3A_666, %dma_start3A_675, %dma_start3A_676] : memref<16x50x32xf32, #tpu.memory_space<vmem>> -> memref<1x50x32xf32, #tpu.memory_space<vmem>>
        %dma_start3A_678 = tpu.memref_squeeze %dma_start3A_677 : memref<1x50x32xf32, #tpu.memory_space<vmem>> -> memref<50x32xf32, #tpu.memory_space<vmem>>
        %dma_start3A_679 = arith.constant 0 : i32
        %dma_start3A_680 = arith.constant 0 : i32
        %dma_start3A_681 = tpu.memref_slice %arg4[%add3A_665, %dma_start3A_679, %dma_start3A_680] : memref<16384x50x32xf32, #tpu.memory_space<hbm>> -> memref<1x50x32xf32, #tpu.memory_space<hbm>>
        %dma_start3A_682 = tpu.memref_squeeze %dma_start3A_681 : memref<1x50x32xf32, #tpu.memory_space<hbm>> -> memref<50x32xf32, #tpu.memory_space<hbm>>
        %dma_start3A_683 = arith.constant 0 : i32
        %dma_start3A_684 = arith.constant 0 : i32
        %dma_start3A_685 = tpu.memref_slice %arg4[%add3A_665, %dma_start3A_683, %dma_start3A_684] : memref<16384x50x32xf32, #tpu.memory_space<hbm>> -> memref<1x50x32xf32, #tpu.memory_space<hbm>>
        %dma_start3A_686 = tpu.memref_squeeze %dma_start3A_685 : memref<1x50x32xf32, #tpu.memory_space<hbm>> -> memref<50x32xf32, #tpu.memory_space<hbm>>
        %dma_start3A_687 = arith.constant 0 : i32
        %dma_start3A_688 = arith.constant 0 : i32
        %dma_start3A_689 = tpu.memref_slice %arg6[%run_scoped3A_666, %dma_start3A_687, %dma_start3A_688] : memref<16x50x32xf32, #tpu.memory_space<vmem>> -> memref<1x50x32xf32, #tpu.memory_space<vmem>>
        %dma_start3A_690 = tpu.memref_squeeze %dma_start3A_689 : memref<1x50x32xf32, #tpu.memory_space<vmem>> -> memref<50x32xf32, #tpu.memory_space<vmem>>
        tpu.enqueue_dma source(%dma_start3A_690 : memref<50x32xf32, #tpu.memory_space<vmem>>) target(%dma_start3A_686 : memref<50x32xf32, #tpu.memory_space<hbm>>) target_semaphore(%run_scoped3A_674 : memref<!tpu.dma_semaphore, #tpu.memory_space<semaphore_mem>>)
        %dma_wait3A_691 = arith.constant 0 : i32
        %dma_wait3A_692 = arith.constant 0 : i32
        %dma_wait3A_693 = tpu.memref_slice %arg6[%run_scoped3A_666, %dma_wait3A_691, %dma_wait3A_692] : memref<16x50x32xf32, #tpu.memory_space<vmem>> -> memref<1x50x32xf32, #tpu.memory_space<vmem>>
        %dma_wait3A_694 = tpu.memref_squeeze %dma_wait3A_693 : memref<1x50x32xf32, #tpu.memory_space<vmem>> -> memref<50x32xf32, #tpu.memory_space<vmem>>
        %dma_wait3A_695 = arith.constant 0 : i32
        %dma_wait3A_696 = arith.constant 0 : i32
        %dma_wait3A_697 = tpu.memref_slice %arg4[%add3A_665, %dma_wait3A_695, %dma_wait3A_696] : memref<16384x50x32xf32, #tpu.memory_space<hbm>> -> memref<1x50x32xf32, #tpu.memory_space<hbm>>
        %dma_wait3A_698 = tpu.memref_squeeze %dma_wait3A_697 : memref<1x50x32xf32, #tpu.memory_space<hbm>> -> memref<50x32xf32, #tpu.memory_space<hbm>>
        %dma_wait3A_699 = arith.constant 0 : i32
        %dma_wait3A_700 = arith.constant 0 : i32
        %dma_wait3A_701 = tpu.memref_slice %arg4[%add3A_665, %dma_wait3A_699, %dma_wait3A_700] : memref<16384x50x32xf32, #tpu.memory_space<hbm>> -> memref<1x50x32xf32, #tpu.memory_space<hbm>>
        %dma_wait3A_702 = tpu.memref_squeeze %dma_wait3A_701 : memref<1x50x32xf32, #tpu.memory_space<hbm>> -> memref<50x32xf32, #tpu.memory_space<hbm>>
        %dma_wait3A_703 = arith.constant 0 : i32
        %dma_wait3A_704 = arith.constant 0 : i32
        %dma_wait3A_705 = tpu.memref_slice %arg6[%run_scoped3A_666, %dma_wait3A_703, %dma_wait3A_704] : memref<16x50x32xf32, #tpu.memory_space<vmem>> -> memref<1x50x32xf32, #tpu.memory_space<vmem>>
        %dma_wait3A_706 = tpu.memref_squeeze %dma_wait3A_705 : memref<1x50x32xf32, #tpu.memory_space<vmem>> -> memref<50x32xf32, #tpu.memory_space<vmem>>
        tpu.wait_dma2 semaphore(%run_scoped3A_674 : memref<!tpu.dma_semaphore, #tpu.memory_space<semaphore_mem>>) src(%dma_wait3A_706 : memref<50x32xf32, #tpu.memory_space<vmem>>) dst(%dma_wait3A_702 : memref<50x32xf32, #tpu.memory_space<hbm>>)
        tpu.yield
      }) : () -> ()
      %add3A_667 = arith.constant 16 : i32
      %add3A_668 = arith.addi %add3A_650, %add3A_667 : i32
      %lt3A_669 = arith.constant 512 : i32
      %lt3A_670 = arith.cmpi slt, %add3A_668, %lt3A_669 : i32
      %convert_element_type3A_671 = arith.extui %lt3A_670 : i1 to i32
      %cond3A_672 = arith.constant 0 : i32
      %cond3A_673 = arith.cmpi ne, %convert_element_type3A_671, %cond3A_672 : i32
      scf.if %cond3A_673 {
        %dma_start3A_674 = arith.constant 15 : i32
        %dma_start3A_675 = arith.constant 15 : i32
        %dma_start3A_676 = arith.constant 0 : i32
        %dma_start3A_677 = arith.constant 0 : i32
        %dma_start3A_678 = tpu.memref_slice %arg6[%dma_start3A_674, %dma_start3A_676, %dma_start3A_677] : memref<16x50x32xf32, #tpu.memory_space<vmem>> -> memref<1x50x32xf32, #tpu.memory_space<vmem>>
        %dma_start3A_679 = tpu.memref_squeeze %dma_start3A_678 : memref<1x50x32xf32, #tpu.memory_space<vmem>> -> memref<50x32xf32, #tpu.memory_space<vmem>>
        %dma_start3A_680 = arith.constant 0 : i32
        %dma_start3A_681 = tpu.memref_slice %arg5[%add3A_668, %dma_start3A_680] : memref<512x50xi32, #tpu.memory_space<vmem>> -> memref<1x50xi32, #tpu.memory_space<vmem>>
        %dma_start3A_682 = tpu.memref_squeeze %dma_start3A_681 : memref<1x50xi32, #tpu.memory_space<vmem>> -> memref<50xi32, #tpu.memory_space<vmem>>
        %dma_start3A_683 = arith.constant 0 : i32
        %dma_start3A_684 = arith.constant 0 : i32
        %dma_start3A_685 = tpu.memref_slice %arg3[%dma_start3A_683, %dma_start3A_684] : memref<1000000x32xf32, #tpu.memory_space<hbm>> -> memref<1000000x32xf32, #tpu.memory_space<hbm>>
        %dma_start3A_686 = tpu.memref_slice %arg7[%dma_start3A_675] : memref<16x!tpu.dma_semaphore, #tpu.memory_space<semaphore_mem>> -> memref<1x!tpu.dma_semaphore, #tpu.memory_space<semaphore_mem>>
        %dma_start3A_687 = tpu.memref_squeeze %dma_start3A_686 : memref<1x!tpu.dma_semaphore, #tpu.memory_space<semaphore_mem>> -> memref<!tpu.dma_semaphore, #tpu.memory_space<semaphore_mem>>
        tpu.enqueue_indirect_dma source(%dma_start3A_685 : memref<1000000x32xf32, #tpu.memory_space<hbm>>) target(%dma_start3A_679 : memref<50x32xf32, #tpu.memory_space<vmem>>) offsets(%dma_start3A_682 : memref<50xi32, #tpu.memory_space<vmem>>) semaphore(%dma_start3A_687 : memref<!tpu.dma_semaphore, #tpu.memory_space<semaphore_mem>>)
      } else {
      }
    }
    %scan3A_245 = arith.constant 32 : i32
    return
  }
}

</mosaic_0001>

<sc_bundles>
// kernel: kernel.3.cloned.1.call-start
scs
__scs_entry_jumppad:
0x0: {  	(pc) =	sbr.rel $0x88, $3  }
0x1: {  	(tag) =	ssettag $0x0;
	lr =	simm.s32 $0x1  }
0x2: {  	[smem:$0x3F9F] =	sst lr;
	_ =	strace $0xD0000000  }
0x3: {  	_ = 	snop  }
0x4: {  	_ = 	snop  }
0x5: {  	_ = 	snop  }
0x6: {  	_ = 	snop  }
0x7: {  	_ = 	snop  }
__scs_overlays_trampoline_lowered:
0x8: {  	[smem:$0x3FAE] =	sst s0  }
0x9: {  	[smem:$0x3FAF] =	sst s1  }
0xa: {  	[smem:$0x3FB0] =	sst s2  }
0xb: {  	[smem:$0x3FB1] =	sst s3  }
0xc: {  	[smem:$0x3FB2] =	sst s4  }
0xd: {  	[smem:$0x3FB3] =	sst s5  }
0xe: {  	[smem:$0x3FB4] =	sst s6  }
0xf: {  	[smem:$0x3FB5] =	sst s7  }
0x10: {  	[smem:$0x3FB6] =	sst s8  }
0x11: {  	[smem:$0x3FB7] =	sst s9;
	s0 =	simm.s32 @!p0 $0x0  }
0x12: {  	s1 =	sld [smem:$0x3F9D];
	s0 =	simm.s32 @p0 $0x1  }
0x13: {  	[smem:$0x3FB8] =	sst s0;
	s0 =	simm.s32 @!p1 $0x0  }
0x14: {  	s2 =	sld [smem:$0x3F9C];
	s0 =	simm.s32 @p1 $0x1  }
0x15: {  	[smem:$0x3FB9] =	sst s0;
	s0 =	simm.s32 @!p2 $0x0  }
0x16: {  	s3 =	sld [smem:$0x3FDB];
	s0 =	simm.s32 @p2 $0x1  }
0x17: {  	s4 =	simm.s32 $0x1BF5;
	[smem:$0x3FBB] =	sst s0  }
0x18: {  	s0 =	sld [smem:$0x3F9E];
	_ =	swait.ge [sflag:s4], $0x0  }
0x19: {  	s7 =	sld [smem:$0x3F9F]  }
0x1a: {  	s8 =	sadd.s32 $0xFFFFE003, lr  }
0x1b: {  	s9 =	sadd.s32 $0xFFFFFEF7, lr;
	s5 =	simm.s32 $0xFFFFFFFF;
	p2 =	slt.u32 s8, $0xFFFFF086  }
0x1c: {  	p1 =	slt.u32 s9, $0xF7A;
	s5 =	simm.s32 @!p2 $0x0  }
0x1d: {  	s5 =	simm.s32 @p1 $0x1;
	p0 =	seq.s32 s7, s2  }
0x1e: {  	s7 =	smul.u32 @!p0 $0xF7A, s2;
	p2 =	seq.s32 @!p0 s5, $0x0  }
0x1f: {  	s9 =	smul.u32 $0xF7A, s1;
	s8 =	simm.s32 @!p0 $0x1BF5;
	p2 =	por !p2, p0  }
0x20: {  	[sflag:s8] =	ssyncset.s32 @!p0 $0xFFFFF086;
	s6 =	sadd.s32 @!p0 s3, s7;
	s7 =	simm.s32 @!p0 $0x108  }
0x21: {  	s3 =	sadd.s32 s3, s9;
	s6 =	sadd.s32 @!p0 $0x88, s6;
	s7 =	simm.s32 @p2 $0x1082  }
0x22: {  	[simem:s7], [sflag:s8] =	dma.local @!p0 [hbm:s6], $0xF7A  }
0x23: {  	s9 =	sor.u32 $0xD0000000, s2;
	s6 =	simm.s32 $0x108;
	_ =	swait.ge @!p0 [sflag:s8], $0x0  }
0x24: {  	s3 =	sadd.s32 $0x88, s3;
	s6 =	simm.s32 @!p1 $0x1082;
	[sflag:s4] =	ssyncset.s32 $0xFFFFF086  }
0x25: {  	[simem:s6], [sflag:s4] =	dma.local [hbm:s3], $0xF7A  }
0x26: {  	[smem:$0x3F9F] =	sst s1;
	(tag) =	ssettag s2;
	_ =	strace s9  }
0x27: {  	s1 =	sld [smem:$0x3FAF]  }
0x28: {  	s2 =	sld [smem:$0x3FB0]  }
0x29: {  	s4 =	sld [smem:$0x3FB2]  }
0x2a: {  	p0 =	seq.s32 s5, $0x0;
	s5 =	sld [smem:$0x3FB3]  }
0x2b: {  	s6 =	sld [smem:$0x3FB4]  }
0x2c: {  	s7 =	sld [smem:$0x3FB5]  }
0x2d: {  	s3 =	simm.s32 $0x108;
	s8 =	sld [smem:$0x3FB6]  }
0x2e: {  	s3 =	simm.s32 @!p0 $0x1082;
	s9 =	sld [smem:$0x3FB7]  }
0x2f: {  	lr =	sadd.s32 s0, s3;
	s0 =	sld [smem:$0x3FAE]  }
0x30: {  	s3 =	sld [smem:$0x3FB1]  }
0x31: {  	[smem:$0x3FBA] =	sst s10  }
0x32: {  	s10 =	sld [smem:$0x3FB8];
	_ =	sdelay $0x3  }
0x33: {  	p0 =	seq.s32 s10, $0x1;
	s10 =	sld [smem:$0x3FBA];
	_ =	sdelay $0x3  }
0x34: {  	[smem:$0x3FBA] =	sst s10  }
0x35: {  	s10 =	sld [smem:$0x3FB9];
	_ =	sdelay $0x3  }
0x36: {  	p1 =	seq.s32 s10, $0x1;
	s10 =	sld [smem:$0x3FBA];
	_ =	sdelay $0x3  }
0x37: {  	[smem:$0x3FBA] =	sst s10  }
0x38: {  	s10 =	sld [smem:$0x3FBB]  }
0x39: {  	_ = 	snop;
	(pc) =	sbr.ind lr, $3  }
0x3a: {  	_ = 	snop  }
0x3b: {  	_ = 	snop  }
0x3c: {  	p2 =	seq.s32 s10, $0x1;
	s10 =	sld [smem:$0x3FBA]  }
0x3d: {  	_ =	shalt  }
0x3e: {  	_ =	shalt  }
0x3f: {  	_ =	shalt  }
0x40: {  	_ =	shalt  }
0x41: {  	_ =	shalt  }
0x42: {  	_ =	shalt  }
0x43: {  	_ =	shalt  }
0x44: {  	_ =	shalt  }
0x45: {  	_ =	shalt  }
0x46: {  	_ =	shalt  }
0x47: {  	_ =	shalt  }
0x48: {  	_ =	shalt  }
0x49: {  	_ =	shalt  }
0x4a: {  	_ =	shalt  }
0x4b: {  	_ =	shalt  }
0x4c: {  	_ =	shalt  }
0x4d: {  	_ =	shalt  }
0x4e: {  	_ =	shalt  }
0x4f: {  	_ =	shalt  }
0x50: {  	_ =	shalt  }
0x51: {  	_ =	shalt  }
0x52: {  	_ =	shalt  }
0x53: {  	_ =	shalt  }
0x54: {  	_ =	shalt  }
0x55: {  	_ =	shalt  }
0x56: {  	_ =	shalt  }
0x57: {  	_ =	shalt  }
0x58: {  	_ =	shalt  }
0x59: {  	_ =	shalt  }
0x5a: {  	_ =	shalt  }
0x5b: {  	_ =	shalt  }
0x5c: {  	_ =	shalt  }
0x5d: {  	_ =	shalt  }
0x5e: {  	_ =	shalt  }
0x5f: {  	_ =	shalt  }
0x60: {  	_ =	shalt  }
0x61: {  	_ =	shalt  }
0x62: {  	_ =	shalt  }
0x63: {  	_ =	shalt  }
0x64: {  	_ =	shalt  }
0x65: {  	_ =	shalt  }
0x66: {  	_ =	shalt  }
0x67: {  	_ =	shalt  }
0x68: {  	_ =	shalt  }
0x69: {  	_ =	shalt  }
0x6a: {  	_ =	shalt  }
0x6b: {  	_ =	shalt  }
0x6c: {  	_ =	shalt  }
0x6d: {  	_ =	shalt  }
0x6e: {  	_ =	shalt  }
0x6f: {  	_ =	shalt  }
0x70: {  	_ =	shalt  }
0x71: {  	_ =	shalt  }
0x72: {  	_ =	shalt  }
0x73: {  	_ =	shalt  }
0x74: {  	_ =	shalt  }
0x75: {  	_ =	shalt  }
0x76: {  	_ =	shalt  }
0x77: {  	_ =	shalt  }
0x78: {  	_ =	shalt  }
0x79: {  	_ =	shalt  }
0x7a: {  	_ =	shalt  }
0x7b: {  	_ =	shalt  }
0x7c: {  	_ =	shalt  }
0x7d: {  	_ =	shalt  }
0x7e: {  	_ =	shalt  }
0x7f: {  	_ =	shalt  }
0x80: {  	_ =	shalt  }
0x81: {  	_ =	shalt  }
0x82: {  	_ =	shalt  }
0x83: {  	_ =	shalt  }
0x84: {  	_ =	shalt  }
0x85: {  	_ =	shalt  }
0x86: {  	_ =	shalt  }
0x87: {  	_ =	shalt  }
.Lfunc_end0:
.L_simem_size_0:
called_computation.1_lowered:
.L_overlay_start_0:
0x88: {  	s2 =	sld [smem:$0x3FD9]  }
0x89: {  	s3 =	sld [smem:$0x3FFE];
	_ =	sdelay $0x1  }
0x8a: {  	s1 =	srdreg.scid  }
0x8b: {  	s0 =	sand.u32 $0x1, s1  }
0x8c: {  	s17 =	sshll.u32 s0, $0xA;
	s2 =	sadd.s32 s3, s2  }
0x8d: {  	s2 =	sadd.s32 s2, s17  }
0x8e: {  	[smem:$0x3FC6] =	sst s2  }
0x8f: {  	_ = 	snop  }
0x90: {  	s2 =	sld [smem:$0x3FD0];
	(tm) =	ssettm $0x1  }
0x91: {  	s18 =	sld [smem:$0x3FFB];
	_ =	sdelay $0x3  }
0x92: {  	_ =	strace s18  }
0x93: {  	s3 =	sld [smem:$0x3FFC];
	_ =	sdelay $0x3  }
0x94: {  	_ =	strace s3  }
0x95: {  	s3 =	sld [smem:$0x3FFD];
	_ =	sdelay $0x3  }
0x96: {  	_ =	strace s3  }
0x97: {  	_ =	strace $0x8FFFFFFF  }
0x98: {  	s19 =	sld [smem:$0x3FDB];
	_ =	sdelay $0x1  }
0x99: {  	s4 =	simm.s32 $_scs_section_size  }
0x9a: {  	s5 =	simm.s32 $_size__tile_overlayer_lowered;
	s6 =	simm.s32 $_tile_overlayer_lowered  }
0x9b: {  	s22 =	simm.s32 $0x1BFF;
	s21 =	sshll.u32 s6, $0x1;
	s3 =	sadd.s32 s4, s19  }
0x9c: {  	s7 =	simm.s32 $0x0;
	s20 =	sshll.u32 s5, $0x1;
	s5 =	sadd.s32 s21, s3  }
0x9d: {  	[timem:s7], [sflag:s22] =	dma.local [hbm:s5], s20  }
0x9e: {  	_ =	swait.ge [sflag:s22], s20  }
0x9f: {  	s4 =	ssub.s32 $0x0, s20;
	[sflag:s22] =	ssyncset.done $0x0  }
0xa0: {  	[sflag:s22] =	ssyncadd.s32 s4;
	_ =	sdelay $0x1  }
0xa1: {  	s23 =	simm.s32 $0x1B8B  }
0xa2: {  	_ =	swait.ge [sflag:s23], $0x1  }
0xa3: {  	[sflag:s23] =	ssyncset.done $0x0  }
0xa4: {  	s25 =	simm.s32 $0x1B8E;
	s24 =	sld [smem:$0x3FFE];
	[sflag:s23] =	ssyncadd.s32 $0xFFFFFFFF  }
0xa5: {  	s26 =	simm.s32 $execute0_lowered;
	[smem:$0x3FD2] =	sst s25  }
0xa6: {  	s5 =	sshll.u32 s26, $0x1;
	_ =	strace $0x80000046;
	[dreg:$0x1] =	wrdreg $0xFFFFFFFF  }
0xa7: {  	s28 =	simm.s32 $_size_execute0_lowered;
	s3 =	sadd.s32 s3, s5;
	[dreg:$0x0] =	wrdreg $0x0  }
0xa8: {  	s5 =	sshll.u32 s28, $0x1;
	[dreg:$0x2] =	wrdreg s3  }
0xa9: {  	[dreg:$0x3] =	wrdreg s5  }
0xaa: {  	[dreg:$0x4] =	wrdreg $0xC0  }
0xab: {  	_ =	task [dreg:s7], $0x5FFFF  }
0xac: {  	[dreg:$0x1] =	wrdreg $0xFFFFFFFF  }
0xad: {  	[dreg:$0x0] =	wrdreg $0x60  }
0xae: {  	[dreg:$0x2] =	wrdreg s24  }
0xaf: {  	[dreg:$0x3] =	wrdreg s2  }
0xb0: {  	[dreg:$0x4] =	wrdreg $0x9  }
0xb1: {  	_ =	task.clear_ibuf [dreg:s7], $0x5FFFF;
	_ =	strace $0x90000046  }
0xb2: {  	s29 =	simm.s32 $0x9;
	_ =	strace $0x80000048  }
0xb3: {  	_ =	swait.ge [sflag:s29], $0x1  }
0xb4: {  	[sflag:s29] =	ssyncadd.s32 $0xFFFFFFFF  }
0xb5: {  	_ =	strace $0x90000048  }
0xb6: {  	_ =	sfence  }
0xb7: {  	s30 =	sld [smem:$0x0];
	_ =	sdelay $0x2  }
0xb8: {  	s31 =	sshll.u32 s1, $0xD;
	s1 =	sshrl.u32 s1, $0x2  }
0xb9: {  	s3 =	sand.u32 $0x4000, s31;
	s1 =	sadd.s32 s1, s30  }
0xba: {  	s0 =	sor.u32 s3, s0;
	s1 =	sshll.u32 s1, $0x11  }
0xbb: {  	s0 =	sor.u32 s1, s0  }
0xbc: {  	s0 =	sadd.s32 $0x8F2B, s0  }
0xbd: {  	[sflag:s0] =	ssyncadd.remote.s32 $0x1  }
0xbe: {  	_ =	sfence.sel $0xFFFF  }
0xbf: {  	[dreg:$0x0] =	wrdreg $0xFFFFFFFF;
	(pc) =	sbr.abs _section_cstart, $3  }
0xc0: {  	[dreg:$0x1] =	wrdreg $0xFFFFFFFF  }
0xc1: {  	_ =	task.clear_ibuf [dreg:s7], $0x2FFFF;
	_ =	strace $0x9FFFFFFF  }
0xc2: {  	(tm) =	ssettm $0x7FFFFFFF  }
0xc3: {  	_ =	shalt  }
tec
execute0_lowered:
.L_overlay_start_1:
0x0: {  	(tag) =	ssettag $0x1  }
0x1: {  	s0 =	srdreg.scid  }
0x2: {  	s1 =	rddreg [dreg:$0x0];
	s8 =	stileid.u32  }
0x3: {  	s4 =	rddreg [dreg:$0x1];
	s2 =	simm.s32 $0x0;
	s10 =	simm.s32 $0xBB00  }
0x4: {  	s14 =	simm.s32 $0xC140;
	s18 =	simm.s32 $0xC780;
	s22 =	simm.s32 $0xCDC0  }
0x5: {  	s24 =	simm.s32 $0x1;
	s29 =	simm.s32 $0x3;
	s31 =	simm.s32 $0x4  }
0x6: {  	s12 =	simm.s32 $0x6;
	s16 =	simm.s32 $0x7;
	s20 =	simm.s32 $0x8  }
0x7: {  	s9 =	simm.s32 $0xC;
	s11 =	simm.s32 $0xD;
	s13 =	simm.s32 $0xE  }
0x8: {  	s15 =	simm.s32 $0xF;
	s17 =	simm.s32 $0x10;
	s21 =	simm.s32 $0x0  }
0x9: {  	s0 =	sand.u32 $0x1, s0;
	s3 =	sshll.u32 s8, $0xA;
	[smem:$0x7FF] =	sst s2  }
0xa: {  	s8 =	smul.u32 $0x32000, s8;
	s5 =	sshll.u32 s0, $0x9;
	_ =	strace $0x80000047  }
0xb: {  	s25 =	ssub.s32 $0x2, s0;
	s0 =	smul.u32 $0x19000, s0;
	s3 =	sor.u32 s5, s3  }
0xc: {  	s7 =	sshrl.u32 s25, $0x1;
	s30 =	sadd.s32 s8, s4;
	s8 =	simm.s32 $0x32  }
0xd: {  	s4 =	simm.s32 $0x9;
	s5 =	simm.s32 $0xA;
	s3 =	smul.u32 $0x7, s3  }
.Ltmp0:
0xe: {  	s26 =	ssub.s32 s25, s7;
	s0 =	sadd.s32 s0, s30;
	(pc) =	sbr.rel .LBB2_1-.Ltmp0, $4  }
0xf: {  	s7 =	simm.s32 $0x11;
	[dreg:$0x5] =	wrdreg s0;
	s0 =	simm.s32 $0x5  }
0x10: {  	s6 =	sadd.s32 s3, s1;
	s3 =	sadd.s32 $0xF42E00, s1;
	s1 =	smax.u32 s26, $0x1  }
0x11: {  	s26 =	simm.s32 $0x2;
	s28 =	sadd.s32 $0xA00, s6;
	[dreg:$0x4] =	wrdreg s1  }
0x12: {  	s1 =	simm.s32 $0xB4C0;
	s6 =	simm.s32 $0xB;
	[dreg:$0x3] =	wrdreg s28  }
.LBB2_4:
0x13: {  	s21 =	rddreg [dreg:$0x6]  }
0x14: {  	s19 =	rddreg [dreg:$0x4];
	s21 =	sadd.s32 $0x1, s21  }
0x15: {  	p0 =	sne.s32 s21, s19  }
.Ltmp1:
0x16: {  	_ = 	snop;
	(pc) =	sbr.rel @!p0 .LBB2_5-.Ltmp1, $1  }
0x17: {  	_ =	sdelay $0x3  }
.LBB2_1:
0x18: {  	[dreg:$0x6] =	wrdreg s21  }
0x19: {  	s19 =	rddreg [dreg:$0x3]  }
0x1a: {  	[tilespmem:s2], [sflag:$0x11] =	stream.linear.gather [hbm4b:s19+s2], $0x7000, $0x38;
	[tilespmem:$0xD400] =	vst v63  }
0x1b: {  	_ =	swait.ge [sflag:s7], $0x7000  }
0x1c: {  	[sflag:s7] =	ssyncset.done $0x0  }
0x1d: {  	s21 =	simm.s32 $0x7000;
	[sflag:s7] =	ssyncadd.s32 $0xFFFF9000  }
0x1e: {  	[tilespmem:s21], [sflag:$0x1] =	stream.indirect.gather [hbm4b:s3+s8], $0x20, s2, s8, $0xb8;
	[tilespmem:$0xD400] =	vst v63  }
0x1f: {  	s23 =	simm.s32 $0x38;
	s25 =	simm.s32 $0x7640  }
0x20: {  	[tilespmem:s25], [sflag:$0x2] =	stream.indirect.gather [hbm4b:s3+s8], $0x20, s23, s8, $0xb8;
	[tilespmem:$0xD400] =	vst v63  }
0x21: {  	s28 =	simm.s32 $0x70;
	s30 =	simm.s32 $0x7C80  }
0x22: {  	[tilespmem:s30], [sflag:$0x3] =	stream.indirect.gather [hbm4b:s3+s8], $0x20, s28, s8, $0xb8;
	[tilespmem:$0xD400] =	vst v63  }
0x23: {  	s23 =	simm.s32 $0xA8;
	s25 =	simm.s32 $0x82C0  }
0x24: {  	[tilespmem:s25], [sflag:$0x4] =	stream.indirect.gather [hbm4b:s3+s8], $0x20, s23, s8, $0xb8;
	[tilespmem:$0xD400] =	vst v63  }
0x25: {  	s28 =	simm.s32 $0xE0;
	s30 =	simm.s32 $0x8900  }
0x26: {  	[tilespmem:s30], [sflag:$0x5] =	stream.indirect.gather [hbm4b:s3+s8], $0x20, s28, s8, $0xb8;
	[tilespmem:$0xD400] =	vst v63  }
0x27: {  	s23 =	simm.s32 $0x118;
	s25 =	simm.s32 $0x8F40  }
0x28: {  	[tilespmem:s25], [sflag:$0x6] =	stream.indirect.gather [hbm4b:s3+s8], $0x20, s23, s8, $0xb8;
	[tilespmem:$0xD400] =	vst v63  }
0x29: {  	s28 =	simm.s32 $0x150;
	s30 =	simm.s32 $0x9580  }
0x2a: {  	[tilespmem:s30], [sflag:$0x7] =	stream.indirect.gather [hbm4b:s3+s8], $0x20, s28, s8, $0xb8;
	[tilespmem:$0xD400] =	vst v63  }
0x2b: {  	s23 =	simm.s32 $0x188;
	s25 =	simm.s32 $0x9BC0  }
0x2c: {  	[tilespmem:s25], [sflag:$0x8] =	stream.indirect.gather [hbm4b:s3+s8], $0x20, s23, s8, $0xb8;
	[tilespmem:$0xD400] =	vst v63  }
0x2d: {  	s28 =	simm.s32 $0x1C0;
	s30 =	simm.s32 $0xA200  }
0x2e: {  	[tilespmem:s30], [sflag:$0x9] =	stream.indirect.gather [hbm4b:s3+s8], $0x20, s28, s8, $0xb8;
	[tilespmem:$0xD400] =	vst v63  }
0x2f: {  	s23 =	simm.s32 $0x1F8;
	s25 =	simm.s32 $0xA840  }
0x30: {  	[tilespmem:s25], [sflag:$0xA] =	stream.indirect.gather [hbm4b:s3+s8], $0x20, s23, s8, $0xb8;
	[tilespmem:$0xD400] =	vst v63  }
0x31: {  	s28 =	simm.s32 $0x230;
	s30 =	simm.s32 $0xAE80  }
0x32: {  	[tilespmem:s30], [sflag:$0xB] =	stream.indirect.gather [hbm4b:s3+s8], $0x20, s28, s8, $0xb8;
	[tilespmem:$0xD400] =	vst v63  }
0x33: {  	s21 =	simm.s32 $0x268  }
0x34: {  	[tilespmem:s1], [sflag:$0xC] =	stream.indirect.gather [hbm4b:s3+s8], $0x20, s21, s8, $0xb8;
	[tilespmem:$0xD400] =	vst v63  }
0x35: {  	s23 =	simm.s32 $0x2A0  }
0x36: {  	[tilespmem:s10], [sflag:$0xD] =	stream.indirect.gather [hbm4b:s3+s8], $0x20, s23, s8, $0xb8;
	[tilespmem:$0xD400] =	vst v63  }
0x37: {  	s25 =	simm.s32 $0x2D8  }
0x38: {  	[tilespmem:s14], [sflag:$0xE] =	stream.indirect.gather [hbm4b:s3+s8], $0x20, s25, s8, $0xb8;
	[tilespmem:$0xD400] =	vst v63  }
0x39: {  	s28 =	simm.s32 $0x310  }
0x3a: {  	[tilespmem:s18], [sflag:$0xF] =	stream.indirect.gather [hbm4b:s3+s8], $0x20, s28, s8, $0xb8;
	[tilespmem:$0xD400] =	vst v63  }
0x3b: {  	s19 =	rddreg [dreg:$0x5];
	s30 =	simm.s32 $0x348;
	s21 =	simm.s32 $0x0  }
0x3c: {  	[tilespmem:s22], [sflag:$0x10] =	stream.indirect.gather [hbm4b:s3+s8], $0x20, s30, s8, $0xb8;
	[tilespmem:$0xD400] =	vst v63  }
.LBB2_2:
0x3d: {  	_ =	swait.ge [sflag:s24], $0x640  }
0x3e: {  	[sflag:s24] =	ssyncset.done $0x0  }
0x3f: {  	s23 =	simm.s32 $0x7000;
	[sflag:s24] =	ssyncadd.s32 $0xFFFFF9C0  }
0x40: {  	[hbm4b:s19+s2] =	stream.linear.scatter [tilespmem:s23], [sflag:$0x11], $0x640, $0x38;
	[tilespmem:$0xD400] =	vst v63  }
0x41: {  	p0 =	seq.s32 s21, $0x1B200;
	_ =	swait.ge [sflag:s7], $0x640  }
0x42: {  	s25 =	simm.s32 @!p0 $0x32;
	s23 =	sshra.s32 @!p0 s21, $0x2;
	[sflag:s7] =	ssyncset.done $0x0  }
0x43: {  	s30 =	simm.s32 @!p0 $0x7000;
	s28 =	sadd.s32 @!p0 $0x380, s23;
	[sflag:s7] =	ssyncadd.s32 $0xFFFFF9C0  }
0x44: {  	[tilespmem:s30], [sflag:$0x1] =	stream.indirect.gather @!p0 [hbm4b:s3+s25], $0x20, s28, s25, $0xb8;
	[tilespmem:$0xD400] =	vst v63  }
0x45: {  	_ =	swait.ge [sflag:s26], $0x640  }
0x46: {  	[sflag:s26] =	ssyncset.done $0x0  }
0x47: {  	s28 =	sadd.s32 $0xC8, s19;
	s30 =	simm.s32 $0x7640;
	[sflag:s26] =	ssyncadd.s32 $0xFFFFF9C0  }
0x48: {  	[hbm4b:s28+s2] =	stream.linear.scatter [tilespmem:s30], [sflag:$0x11], $0x640, $0x38;
	[tilespmem:$0xD400] =	vst v63  }
0x49: {  	_ =	swait.ge [sflag:s7], $0x640  }
0x4a: {  	[sflag:s7] =	ssyncset.done $0x0  }
0x4b: {  	s28 =	sadd.s32 @!p0 $0x3B8, s23;
	s30 =	simm.s32 @!p0 $0x7640;
	[sflag:s7] =	ssyncadd.s32 $0xFFFFF9C0  }
0x4c: {  	[tilespmem:s30], [sflag:$0x2] =	stream.indirect.gather @!p0 [hbm4b:s3+s25], $0x20, s28, s25, $0xb8;
	[tilespmem:$0xD400] =	vst v63  }
0x4d: {  	_ =	swait.ge [sflag:s29], $0x640  }
0x4e: {  	[sflag:s29] =	ssyncset.done $0x0  }
0x4f: {  	s28 =	sadd.s32 $0x190, s19;
	s30 =	simm.s32 $0x7C80;
	[sflag:s29] =	ssyncadd.s32 $0xFFFFF9C0  }
0x50: {  	[hbm4b:s28+s2] =	stream.linear.scatter [tilespmem:s30], [sflag:$0x11], $0x640, $0x38;
	[tilespmem:$0xD400] =	vst v63  }
0x51: {  	_ =	swait.ge [sflag:s7], $0x640  }
0x52: {  	[sflag:s7] =	ssyncset.done $0x0  }
0x53: {  	s28 =	sadd.s32 @!p0 $0x3F0, s23;
	s30 =	simm.s32 @!p0 $0x7C80;
	[sflag:s7] =	ssyncadd.s32 $0xFFFFF9C0  }
0x54: {  	[tilespmem:s30], [sflag:$0x3] =	stream.indirect.gather @!p0 [hbm4b:s3+s25], $0x20, s28, s25, $0xb8;
	[tilespmem:$0xD400] =	vst v63  }
0x55: {  	_ =	swait.ge [sflag:s31], $0x640  }
0x56: {  	[sflag:s31] =	ssyncset.done $0x0  }
0x57: {  	s28 =	sadd.s32 $0x258, s19;
	s30 =	simm.s32 $0x82C0;
	[sflag:s31] =	ssyncadd.s32 $0xFFFFF9C0  }
0x58: {  	[hbm4b:s28+s2] =	stream.linear.scatter [tilespmem:s30], [sflag:$0x11], $0x640, $0x38;
	[tilespmem:$0xD400] =	vst v63  }
0x59: {  	_ =	swait.ge [sflag:s7], $0x640  }
0x5a: {  	[sflag:s7] =	ssyncset.done $0x0  }
0x5b: {  	s28 =	sadd.s32 @!p0 $0x428, s23;
	s30 =	simm.s32 @!p0 $0x82C0;
	[sflag:s7] =	ssyncadd.s32 $0xFFFFF9C0  }
0x5c: {  	[tilespmem:s30], [sflag:$0x4] =	stream.indirect.gather @!p0 [hbm4b:s3+s25], $0x20, s28, s25, $0xb8;
	[tilespmem:$0xD400] =	vst v63  }
0x5d: {  	_ =	swait.ge [sflag:s0], $0x640  }
0x5e: {  	[sflag:s0] =	ssyncset.done $0x0  }
0x5f: {  	s28 =	sadd.s32 $0x320, s19;
	s30 =	simm.s32 $0x8900;
	[sflag:s0] =	ssyncadd.s32 $0xFFFFF9C0  }
0x60: {  	[hbm4b:s28+s2] =	stream.linear.scatter [tilespmem:s30], [sflag:$0x11], $0x640, $0x38;
	[tilespmem:$0xD400] =	vst v63  }
0x61: {  	_ =	swait.ge [sflag:s7], $0x640  }
0x62: {  	[sflag:s7] =	ssyncset.done $0x0  }
0x63: {  	s28 =	sadd.s32 @!p0 $0x460, s23;
	s30 =	simm.s32 @!p0 $0x8900;
	[sflag:s7] =	ssyncadd.s32 $0xFFFFF9C0  }
0x64: {  	[tilespmem:s30], [sflag:$0x5] =	stream.indirect.gather @!p0 [hbm4b:s3+s25], $0x20, s28, s25, $0xb8;
	[tilespmem:$0xD400] =	vst v63  }
0x65: {  	_ =	swait.ge [sflag:s12], $0x640  }
0x66: {  	[sflag:s12] =	ssyncset.done $0x0  }
0x67: {  	s28 =	sadd.s32 $0x3E8, s19;
	s30 =	simm.s32 $0x8F40;
	[sflag:s12] =	ssyncadd.s32 $0xFFFFF9C0  }
0x68: {  	[hbm4b:s28+s2] =	stream.linear.scatter [tilespmem:s30], [sflag:$0x11], $0x640, $0x38;
	[tilespmem:$0xD400] =	vst v63  }
0x69: {  	_ =	swait.ge [sflag:s7], $0x640  }
0x6a: {  	[sflag:s7] =	ssyncset.done $0x0  }
0x6b: {  	s28 =	sadd.s32 @!p0 $0x498, s23;
	s30 =	simm.s32 @!p0 $0x8F40;
	[sflag:s7] =	ssyncadd.s32 $0xFFFFF9C0  }
0x6c: {  	[tilespmem:s30], [sflag:$0x6] =	stream.indirect.gather @!p0 [hbm4b:s3+s25], $0x20, s28, s25, $0xb8;
	[tilespmem:$0xD400] =	vst v63  }
0x6d: {  	_ =	swait.ge [sflag:s16], $0x640  }
0x6e: {  	[sflag:s16] =	ssyncset.done $0x0  }
0x6f: {  	s28 =	sadd.s32 $0x4B0, s19;
	s30 =	simm.s32 $0x9580;
	[sflag:s16] =	ssyncadd.s32 $0xFFFFF9C0  }
0x70: {  	[hbm4b:s28+s2] =	stream.linear.scatter [tilespmem:s30], [sflag:$0x11], $0x640, $0x38;
	[tilespmem:$0xD400] =	vst v63  }
0x71: {  	_ =	swait.ge [sflag:s7], $0x640  }
0x72: {  	[sflag:s7] =	ssyncset.done $0x0  }
0x73: {  	s28 =	sadd.s32 @!p0 $0x4D0, s23;
	s30 =	simm.s32 @!p0 $0x9580;
	[sflag:s7] =	ssyncadd.s32 $0xFFFFF9C0  }
0x74: {  	[tilespmem:s30], [sflag:$0x7] =	stream.indirect.gather @!p0 [hbm4b:s3+s25], $0x20, s28, s25, $0xb8;
	[tilespmem:$0xD400] =	vst v63  }
0x75: {  	_ =	swait.ge [sflag:s20], $0x640  }
0x76: {  	[sflag:s20] =	ssyncset.done $0x0  }
0x77: {  	s28 =	sadd.s32 $0x578, s19;
	s30 =	simm.s32 $0x9BC0;
	[sflag:s20] =	ssyncadd.s32 $0xFFFFF9C0  }
0x78: {  	[hbm4b:s28+s2] =	stream.linear.scatter [tilespmem:s30], [sflag:$0x11], $0x640, $0x38;
	[tilespmem:$0xD400] =	vst v63  }
0x79: {  	_ =	swait.ge [sflag:s7], $0x640  }
0x7a: {  	[sflag:s7] =	ssyncset.done $0x0  }
0x7b: {  	s28 =	sadd.s32 @!p0 $0x508, s23;
	s30 =	simm.s32 @!p0 $0x9BC0;
	[sflag:s7] =	ssyncadd.s32 $0xFFFFF9C0  }
0x7c: {  	[tilespmem:s30], [sflag:$0x8] =	stream.indirect.gather @!p0 [hbm4b:s3+s25], $0x20, s28, s25, $0xb8;
	[tilespmem:$0xD400] =	vst v63  }
0x7d: {  	_ =	swait.ge [sflag:s4], $0x640  }
0x7e: {  	[sflag:s4] =	ssyncset.done $0x0  }
0x7f: {  	s28 =	sadd.s32 $0x640, s19;
	s30 =	simm.s32 $0xA200;
	[sflag:s4] =	ssyncadd.s32 $0xFFFFF9C0  }
0x80: {  	[hbm4b:s28+s2] =	stream.linear.scatter [tilespmem:s30], [sflag:$0x11], $0x640, $0x38;
	[tilespmem:$0xD400] =	vst v63  }
0x81: {  	_ =	swait.ge [sflag:s7], $0x640  }
0x82: {  	[sflag:s7] =	ssyncset.done $0x0  }
0x83: {  	s28 =	sadd.s32 @!p0 $0x540, s23;
	s30 =	simm.s32 @!p0 $0xA200;
	[sflag:s7] =	ssyncadd.s32 $0xFFFFF9C0  }
0x84: {  	[tilespmem:s30], [sflag:$0x9] =	stream.indirect.gather @!p0 [hbm4b:s3+s25], $0x20, s28, s25, $0xb8;
	[tilespmem:$0xD400] =	vst v63  }
0x85: {  	_ =	swait.ge [sflag:s5], $0x640  }
0x86: {  	[sflag:s5] =	ssyncset.done $0x0  }
0x87: {  	s28 =	sadd.s32 $0x708, s19;
	s30 =	simm.s32 $0xA840;
	[sflag:s5] =	ssyncadd.s32 $0xFFFFF9C0  }
0x88: {  	[hbm4b:s28+s2] =	stream.linear.scatter [tilespmem:s30], [sflag:$0x11], $0x640, $0x38;
	[tilespmem:$0xD400] =	vst v63  }
0x89: {  	_ =	swait.ge [sflag:s7], $0x640  }
0x8a: {  	[sflag:s7] =	ssyncset.done $0x0  }
0x8b: {  	s28 =	sadd.s32 @!p0 $0x578, s23;
	s30 =	simm.s32 @!p0 $0xA840;
	[sflag:s7] =	ssyncadd.s32 $0xFFFFF9C0  }
0x8c: {  	[tilespmem:s30], [sflag:$0xA] =	stream.indirect.gather @!p0 [hbm4b:s3+s25], $0x20, s28, s25, $0xb8;
	[tilespmem:$0xD400] =	vst v63  }
0x8d: {  	_ =	swait.ge [sflag:s6], $0x640  }
0x8e: {  	[sflag:s6] =	ssyncset.done $0x0  }
0x8f: {  	s28 =	sadd.s32 $0x7D0, s19;
	s30 =	simm.s32 $0xAE80;
	[sflag:s6] =	ssyncadd.s32 $0xFFFFF9C0  }
0x90: {  	[hbm4b:s28+s2] =	stream.linear.scatter [tilespmem:s30], [sflag:$0x11], $0x640, $0x38;
	[tilespmem:$0xD400] =	vst v63  }
0x91: {  	_ =	swait.ge [sflag:s7], $0x640  }
0x92: {  	[sflag:s7] =	ssyncset.done $0x0  }
0x93: {  	s28 =	sadd.s32 @!p0 $0x5B0, s23;
	s30 =	simm.s32 @!p0 $0xAE80;
	[sflag:s7] =	ssyncadd.s32 $0xFFFFF9C0  }
0x94: {  	[tilespmem:s30], [sflag:$0xB] =	stream.indirect.gather @!p0 [hbm4b:s3+s25], $0x20, s28, s25, $0xb8;
	[tilespmem:$0xD400] =	vst v63  }
0x95: {  	_ =	swait.ge [sflag:s9], $0x640  }
0x96: {  	[sflag:s9] =	ssyncset.done $0x0  }
0x97: {  	s30 =	sadd.s32 $0x898, s19;
	[sflag:s9] =	ssyncadd.s32 $0xFFFFF9C0  }
0x98: {  	[hbm4b:s30+s2] =	stream.linear.scatter [tilespmem:s1], [sflag:$0x11], $0x640, $0x38;
	[tilespmem:$0xD400] =	vst v63  }
0x99: {  	_ =	swait.ge [sflag:s7], $0x640  }
0x9a: {  	[sflag:s7] =	ssyncset.done $0x0  }
0x9b: {  	s28 =	sadd.s32 @!p0 $0x5E8, s23;
	s30 =	simm.s32 @!p0 $0xB4C0;
	[sflag:s7] =	ssyncadd.s32 $0xFFFFF9C0  }
0x9c: {  	[tilespmem:s30], [sflag:$0xC] =	stream.indirect.gather @!p0 [hbm4b:s3+s25], $0x20, s28, s25, $0xb8;
	[tilespmem:$0xD400] =	vst v63  }
0x9d: {  	_ =	swait.ge [sflag:s11], $0x640  }
0x9e: {  	[sflag:s11] =	ssyncset.done $0x0  }
0x9f: {  	s30 =	sadd.s32 $0x960, s19;
	[sflag:s11] =	ssyncadd.s32 $0xFFFFF9C0  }
0xa0: {  	[hbm4b:s30+s2] =	stream.linear.scatter [tilespmem:s10], [sflag:$0x11], $0x640, $0x38;
	[tilespmem:$0xD400] =	vst v63  }
0xa1: {  	_ =	swait.ge [sflag:s7], $0x640  }
0xa2: {  	[sflag:s7] =	ssyncset.done $0x0  }
0xa3: {  	s28 =	sadd.s32 @!p0 $0x620, s23;
	s30 =	simm.s32 @!p0 $0xBB00;
	[sflag:s7] =	ssyncadd.s32 $0xFFFFF9C0  }
0xa4: {  	[tilespmem:s30], [sflag:$0xD] =	stream.indirect.gather @!p0 [hbm4b:s3+s25], $0x20, s28, s25, $0xb8;
	[tilespmem:$0xD400] =	vst v63  }
0xa5: {  	_ =	swait.ge [sflag:s13], $0x640  }
0xa6: {  	[sflag:s13] =	ssyncset.done $0x0  }
0xa7: {  	s30 =	sadd.s32 $0xA28, s19;
	[sflag:s13] =	ssyncadd.s32 $0xFFFFF9C0  }
0xa8: {  	[hbm4b:s30+s2] =	stream.linear.scatter [tilespmem:s14], [sflag:$0x11], $0x640, $0x38;
	[tilespmem:$0xD400] =	vst v63  }
0xa9: {  	_ =	swait.ge [sflag:s7], $0x640  }
0xaa: {  	[sflag:s7] =	ssyncset.done $0x0  }
0xab: {  	s28 =	sadd.s32 @!p0 $0x658, s23;
	s30 =	simm.s32 @!p0 $0xC140;
	[sflag:s7] =	ssyncadd.s32 $0xFFFFF9C0  }
0xac: {  	[tilespmem:s30], [sflag:$0xE] =	stream.indirect.gather @!p0 [hbm4b:s3+s25], $0x20, s28, s25, $0xb8;
	[tilespmem:$0xD400] =	vst v63  }
0xad: {  	_ =	swait.ge [sflag:s15], $0x640  }
0xae: {  	[sflag:s15] =	ssyncset.done $0x0  }
0xaf: {  	s30 =	sadd.s32 $0xAF0, s19;
	[sflag:s15] =	ssyncadd.s32 $0xFFFFF9C0  }
0xb0: {  	[hbm4b:s30+s2] =	stream.linear.scatter [tilespmem:s18], [sflag:$0x11], $0x640, $0x38;
	[tilespmem:$0xD400] =	vst v63  }
0xb1: {  	_ =	swait.ge [sflag:s7], $0x640  }
0xb2: {  	[sflag:s7] =	ssyncset.done $0x0  }
0xb3: {  	s23 =	sadd.s32 @!p0 $0x690, s23;
	s28 =	simm.s32 @!p0 $0xC780;
	[sflag:s7] =	ssyncadd.s32 $0xFFFFF9C0  }
0xb4: {  	[tilespmem:s28], [sflag:$0xF] =	stream.indirect.gather @!p0 [hbm4b:s3+s25], $0x20, s23, s25, $0xb8;
	[tilespmem:$0xD400] =	vst v63  }
0xb5: {  	_ =	swait.ge [sflag:s17], $0x640  }
0xb6: {  	[sflag:s17] =	ssyncset.done $0x0  }
.Ltmp2:
0xb7: {  	s30 =	sadd.s32 $0xBB8, s19;
	[sflag:s17] =	ssyncadd.s32 $0xFFFFF9C0;
	(pc) =	sbr.rel @p0 .LBB2_4-.Ltmp2, $4  }
0xb8: {  	[hbm4b:s30+s2] =	stream.linear.scatter [tilespmem:s22], [sflag:$0x11], $0x640, $0x38;
	[tilespmem:$0xD400] =	vst v63  }
0xb9: {  	_ =	swait.ge [sflag:s7], $0x640  }
0xba: {  	[sflag:s7] =	ssyncset.done $0x0  }
0xbb: {  	[sflag:s7] =	ssyncadd.s32 $0xFFFFF9C0  }
.Ltmp3:
0xbc: {  	(pc) =	sbr.rel .LBB2_2-.Ltmp3, $4  }
0xbd: {  	_ = 	snop  }
0xbe: {  	s23 =	sshra.s32 s21, $0x2  }
0xbf: {  	s21 =	sadd.s32 $0xE00, s21;
	s19 =	sadd.s32 $0xC80, s19;
	s23 =	sadd.s32 $0x6C8, s23  }
0xc0: {  	[tilespmem:s22], [sflag:$0x10] =	stream.indirect.gather [hbm4b:s3+s8], $0x20, s23, s8, $0xb8;
	[tilespmem:$0xD400] =	vst v63  }
.LBB2_5:
0xc1: {  	_ =	sfence.sel $0x180000  }
0xc2: {  	[bflag:$0x0] =	sbarrier.arrive $0xFFFF  }
0xc3: {  	_ =	strace $0x90000047  }
0xc4: {  	s0 =	stileid.u32;
	[bflag:$0x2] =	sbarrier.arrive $0xFFFF  }
0xc5: {  	p0 =	sne.s32 s0, $0x0;
	s0 =	rddreg [dreg:$0x2]  }
0xc6: {  	s0 =	sadd.s32 @!p0 $0x100000, s0  }
0xc7: {  	[sflag:s0] =	ssyncadd.tile.s32 @!p0 $0x1;
	_ =	shalt  }
.Lfunc_end2:
_tile_overlayer_lowered:
.L_overlay_start_2:
0xc8: {  	(tag) =	ssettag $0x2  }
0xc9: {  	s0 =	rddreg [dreg:$0x0];
	s2 =	stileid.u32  }
0xca: {  	s1 =	rddreg [dreg:$0x1];
	p0 =	sne.s32 s2, $0x0  }
0xcb: {  	s3 =	rddreg [dreg:$0x2];
	[bflag:$0x3] =	sbarrier.arrive $0xFFFF;
	s2 =	simm.s32 @!p0 $0x1C11  }
0xcc: {  	[timem:s3], [sflag:s2] =	dma.local @!p0 [hbm:s0], s1  }
0xcd: {  	s0 =	simm.s32 @!p0 $0x11  }
0xce: {  	_ =	swait.ge @!p0 [sflag:s0], s1  }
0xcf: {  	s1 =	ssub.s32 @!p0 $0x0, s1;
	[sflag:s0] =	ssyncset.done @!p0 $0x0  }
0xd0: {  	[sflag:s0] =	ssyncadd.s32 @!p0 s1  }
0xd1: {  	[bflag:$0x3] =	sbarrier.arrive $0xFFFF  }
0xd2: {  	_ =	shalt  }

// kernel: sparse-core-data-format-call.cloned.1.call-start
scs
called_computation_lowered:
.L_overlay_start_0:
0x0: {  	s2 =	sld [smem:$0x3FD9]  }
0x1: {  	s3 =	sld [smem:$0x3FFE];
	_ =	sdelay $0x1  }
0x2: {  	s1 =	srdreg.scid  }
0x3: {  	s0 =	sand.u32 $0x1, s1  }
0x4: {  	s18 =	sshll.u32 s0, $0xA;
	s2 =	sadd.s32 s3, s2  }
0x5: {  	s2 =	sadd.s32 s2, s18  }
0x6: {  	[smem:$0x3FC6] =	sst s2  }
0x7: {  	_ = 	snop  }
0x8: {  	s2 =	sld [smem:$0x3FD0];
	(tm) =	ssettm $0x1  }
0x9: {  	s19 =	sld [smem:$0x3FFB];
	_ =	sdelay $0x3  }
0xa: {  	_ =	strace s19  }
0xb: {  	s3 =	sld [smem:$0x3FFC];
	_ =	sdelay $0x3  }
0xc: {  	_ =	strace s3  }
0xd: {  	s3 =	sld [smem:$0x3FFD];
	_ =	sdelay $0x3  }
0xe: {  	_ =	strace s3  }
0xf: {  	_ =	strace $0x8FFFFFFF  }
0x10: {  	s20 =	sld [smem:$0x3FDB];
	_ =	sdelay $0x1  }
0x11: {  	s4 =	simm.s32 $_scs_section_size  }
0x12: {  	s5 =	simm.s32 $_size__tile_overlayer_lowered;
	s6 =	simm.s32 $_tile_overlayer_lowered  }
0x13: {  	s23 =	simm.s32 $0x1BFF;
	s22 =	sshll.u32 s6, $0x1;
	s3 =	sadd.s32 s4, s20  }
0x14: {  	s7 =	simm.s32 $0x0;
	s21 =	sshll.u32 s5, $0x1;
	s5 =	sadd.s32 s22, s3  }
0x15: {  	[timem:s7], [sflag:s23] =	dma.local [hbm:s5], s21  }
0x16: {  	_ =	swait.ge [sflag:s23], s21  }
0x17: {  	s4 =	ssub.s32 $0x0, s21;
	[sflag:s23] =	ssyncset.done $0x0  }
0x18: {  	[sflag:s23] =	ssyncadd.s32 s4;
	_ =	sdelay $0x1  }
0x19: {  	s24 =	simm.s32 $0x1B8B  }
0x1a: {  	_ =	swait.ge [sflag:s24], $0x1  }
0x1b: {  	[sflag:s24] =	ssyncset.done $0x0  }
0x1c: {  	s26 =	simm.s32 $0x1B8E;
	s25 =	sld [smem:$0x3FFE];
	[sflag:s24] =	ssyncadd.s32 $0xFFFFFFFF  }
0x1d: {  	s27 =	simm.s32 $execute0_lowered;
	[smem:$0x3FD2] =	sst s26  }
0x1e: {  	s5 =	sshll.u32 s27, $0x1;
	_ =	strace $0x80000049;
	[dreg:$0x1] =	wrdreg $0xFFFFFFFF  }
0x1f: {  	s28 =	simm.s32 $_size_execute0_lowered;
	s3 =	sadd.s32 s3, s5;
	[dreg:$0x0] =	wrdreg $0x0  }
0x20: {  	s5 =	sshll.u32 s28, $0x1;
	[dreg:$0x2] =	wrdreg s3  }
0x21: {  	[dreg:$0x3] =	wrdreg s5  }
0x22: {  	[dreg:$0x4] =	wrdreg $0xC0  }
0x23: {  	_ =	task [dreg:s7], $0x5FFFF  }
0x24: {  	[dreg:$0x1] =	wrdreg $0xFFFFFFFF  }
0x25: {  	[dreg:$0x0] =	wrdreg $0x60  }
0x26: {  	[dreg:$0x2] =	wrdreg s25  }
0x27: {  	[dreg:$0x3] =	wrdreg s2  }
0x28: {  	[dreg:$0x4] =	wrdreg $0x9  }
0x29: {  	_ =	task.clear_ibuf [dreg:s7], $0x5FFFF;
	_ =	strace $0x90000049  }
0x2a: {  	s29 =	simm.s32 $0x9;
	_ =	strace $0x8000004B  }
0x2b: {  	_ =	swait.ge [sflag:s29], $0x1  }
0x2c: {  	[sflag:s29] =	ssyncadd.s32 $0xFFFFFFFF  }
0x2d: {  	_ =	strace $0x9000004B  }
0x2e: {  	_ =	sfence  }
0x2f: {  	s30 =	sld [smem:$0x0];
	_ =	sdelay $0x2  }
0x30: {  	s31 =	sshll.u32 s1, $0xD;
	s1 =	sshrl.u32 s1, $0x2  }
0x31: {  	s3 =	sand.u32 $0x4000, s31;
	s1 =	sadd.s32 s1, s30  }
0x32: {  	s0 =	sor.u32 s3, s0;
	s1 =	sshll.u32 s1, $0x11  }
0x33: {  	s0 =	sor.u32 s1, s0  }
0x34: {  	s0 =	sadd.s32 $0x8F2B, s0  }
0x35: {  	[sflag:s0] =	ssyncadd.remote.s32 $0x1  }
0x36: {  	_ =	sfence.sel $0xFFFF  }
0x37: {  	[dreg:$0x0] =	wrdreg $0xFFFFFFFF;
	(pc) =	sbr.abs _section_cstart, $3  }
0x38: {  	[dreg:$0x1] =	wrdreg $0xFFFFFFFF  }
0x39: {  	_ =	task.clear_ibuf [dreg:s7], $0x2FFFF;
	_ =	strace $0x9FFFFFFF  }
0x3a: {  	(tm) =	ssettm $0x7FFFFFFF  }
0x3b: {  	_ =	shalt  }
tec
execute0_lowered:
.L_overlay_start_1:
0x0: {  	(tag) =	ssettag $0x1  }
0x1: {  	s0 =	srdreg.scid  }
0x2: {  	s1 =	sshll.u32 s0, $0x4  }
0x3: {  	s0 =	stileid.u32;
	s1 =	sand.u32 $0x10, s1  }
0x4: {  	s1 =	sor.u32 s0, s1  }
0x5: {  	s6 =	rddreg [dreg:$0x0];
	s4 =	simm.s32 $0x1;
	s2 =	sshll.u32 s1, $0x7  }
0x6: {  	s7 =	simm.s32 $0x2;
	s12 =	simm.s32 $0x0;
	s1 =	ssub.s32 $0x4000, s2  }
0x7: {  	s8 =	simm.s32 $0x20000;
	s13 =	simm.s32 $0x0;
	s3 =	sand.u32 $0xF80, s1  }
0x8: {  	s9 =	simm.s32 $0x0;
	s5 =	sshrl.u32 s1, $0xC;
	p0 =	sne.s32 s3, $0x0  }
.Ltmp0:
0x9: {  	s1 =	rddreg [dreg:$0x2];
	s4 =	simm.s32 @!p0 $0x0;
	(pc) =	sbr.rel .LBB1_1-.Ltmp0, $4  }
0xa: {  	s11 =	simm.s32 $0x0;
	s3 =	rddreg [dreg:$0x1];
	s5 =	sadd.s32 s4, s5  }
0xb: {  	_ =	strace $0x8000004A;
	s4 =	simm.s32 $0x1;
	s5 =	smul.u32 $0x32, s5  }
0xc: {  	s6 =	sadd.s32 $0xA00, s6;
	s10 =	smov.u32 s2;
	[sflag:s4] =	ssyncpa.u1 $0x0  }
0xd: {  	p0 =	por $0x0, $0x0;
	[sflag:s7] =	ssyncpa.u1 $0x0;
	s7 =	sor.u32 $0x1, s5  }
.LBB1_4:
0xe: {  	s16 =	sshll.u32 s13, $0x3;
	s17 =	sand.u32 $0x78, s13  }
0xf: {  	s30 =	sand.u32 $0xF800, s13;
	s12 =	sshll.u32 s12, $0x10;
	s16 =	sand.u32 $0x3C00, s16  }
0x10: {  	s31 =	sand.u32 $0x7, s13;
	s16 =	sor.u32 s17, s16;
	s17 =	sadd.s32 s3, s30  }
0x11: {  	s13 =	sshll.u32 s31, $0x12;
	s16 =	sshrl.u32 s16, $0x3;
	s12 =	sadd.s32 s12, s17  }
0x12: {  	[tilespmem:s15+$0x0 ss:$0x81] =	vst.msk $0xffff, v0;
	s13 =	sor.u32 $0x400, s13;
	s12 =	sadd.s32 s16, s12  }
0x13: {  	[hbm4b:s12+s13] =	stream.strided.scatter [tilespmem:s14], [sflag:$0x2], $0x1000, s8, s13, $0x20;
	[tilespmem:$0x4040] =	vst v63  }
.LBB1_5:
0x14: {  	s14 =	sadd.s32 $0x1, s9  }
0x15: {  	s12 =	sadd.s32 $0x1000, s10;
	s16 =	smov.u32 s10;
	p2 =	sgt.s32 s14, $0x31  }
0x16: {  	s16 =	smov.u32 @p2 s12  }
0x17: {  	s14 =	simm.s32 @p2 $0x0;
	p2 =	sgt.s32 s16, $0x3FFF  }
0x18: {  	s16 =	smov.u32 @p2 s2;
	p2 =	sne.s32 s11, s7  }
.Ltmp1:
0x19: {  	p1 =	slt.u32 s11, $0x2;
	(pc) =	sbr.rel @!p2 .LBB1_6-.Ltmp1, $4  }
0x1a: {  	s15 =	simm.s32 @!p1 $0x2  }
0x1b: {  	s13 =	smov.u32 s10;
	p0 =	por !p0, !p0;
	_ =	swait.ge @!p1 [sflag:s15], $0x1000  }
0x1c: {  	s12 =	smov.u32 s9;
	[sflag:s15] =	ssyncset.done @!p1 $0x0;
	s9 =	smov.u32 s14  }
0x1d: {  	s11 =	sadd.s32 $0x1, s11;
	[sflag:s15] =	ssyncadd.s32 @!p1 $0xFFFFF000;
	s10 =	smov.u32 s16  }
.LBB1_1:
0x1e: {  	p1 =	sge.u32 s11, s5  }
0x1f: {  	s14 =	sand.u32 @!p1 $0x1FFFFFF, s9  }
0x20: {  	s15 =	smulhi.u32 @!p1 $0x4924925, s14;
	_ =	sdelay $0x1  }
0x21: {  	s15 =	smul.u32 @!p1 $0x38, s15  }
0x22: {  	s16 =	sxor.u32 @!p1 $0xFFFFFFFF, s11;
	s17 =	smul.u32 @!p1 $0x380, s10  }
0x23: {  	s31 =	sadd.s32 $0xFFFFFFFF, s11;
	s16 =	sshll.u32 @!p1 s16, $0xC;
	s14 =	ssub.s32 @!p1 s14, s15  }
0x24: {  	s15 =	sand.u32 @!p1 $0x1000, s16;
	s16 =	sadd.s32 @!p1 s6, s17;
	s14 =	sshll.u32 @!p1 s14, $0x4  }
0x25: {  	s17 =	simm.s32 @!p1 $0x1C00;
	s14 =	sadd.s32 @!p1 s14, s16;
	s16 =	simm.s32 @!p1 $0x20  }
0x26: {  	[tilespmem:s15], [sflag:$0x1] =	stream.strided.gather @!p1 [hbm4b:s14+s16], $0x1000, s17, s16, $0x38;
	[tilespmem:$0x4040] =	vst v63  }
0x27: {  	p1 =	sge.u32 s31, s5  }
.Ltmp2:
0x28: {  	_ = 	snop;
	(pc) =	sbr.rel @p1 .LBB1_5-.Ltmp2, $1  }
0x29: {  	_ =	sdelay $0x3  }
0x2a: {  	s14 =	simm.s32 $0x1  }
0x2b: {  	_ =	swait.ge [sflag:s4], $0x1000;
	s14 =	simm.s32 @!p0 $0x0  }
0x2c: {  	[sflag:s4] =	ssyncset.done $0x0;
	s15 =	sshll.u32 s14, $0xC  }
0x2d: {  	[sflag:s4] =	ssyncadd.s32 $0xFFFFF000;
	s18 =	sor.u32 $0x10, s15  }
0x2e: {  	s14 =	smul.u32 $0x4080, s14;
	v1 =	vld [tilespmem:s18+$0x0]  }
0x2f: {  	s30 =	sand.u32 $0x1, s11;
	v0 =	vld [tilespmem:s18+$0xFFFFFFF0]  }
0x30: {  	s15 =	smul.u32 $0x4080, s30;
	s14 =	sshrl.u32 s14, $0x2  }
0x31: {  	s16 =	sor.u32 $0x2000, s14  }
0x32: {  	s31 =	sshrl.u32 s15, $0x2;
	s15 =	sadd.s32 $0x0, s16  }
0x33: {  	s17 =	simm.s32 $0x4;
	s18 =	sadd.s32 $0x20, s18;
	s14 =	sor.u32 $0x2000, s31;
	[tilespmem:s15+$0x810 ss:$0x81] =	vst.msk $0xffff, v1  }
.LBB1_3:
0x34: {  	v1 =	vld [tilespmem:s18+$0x0];
	p1 =	sne.s32 s17, $0x1FC;
	[tilespmem:s15+$0x0 ss:$0x81] =	vst.msk $0xffff, v0;
	s15 =	smov.u32 s17;
	s17 =	sadd.s32 $0x4, s17  }
.Ltmp3:
0x35: {  	v0 =	vld [tilespmem:s18+$0xFFFFFFF0];
	(pc) =	sbr.rel @p1 .LBB1_3-.Ltmp3, $4  }
0x36: {  	_ = 	snop  }
0x37: {  	s15 =	sshra.s32 s15, $0x2  }
0x38: {  	s15 =	sadd.s32 s15, s16  }
0x39: {  	s18 =	sadd.s32 $0x20, s18;
	[tilespmem:s15+$0x810 ss:$0x81] =	vst.msk $0xffff, v1  }
.Ltmp4:
0x3a: {  	_ = 	snop;
	(pc) =	sbr.rel .LBB1_4-.Ltmp4, $1  }
0x3b: {  	_ =	sdelay $0x3  }
.LBB1_6:
0x3c: {  	_ =	sfence.sel $0x180000  }
0x3d: {  	s2 =	simm.s32 $0x1;
	[bflag:$0x0] =	sbarrier.arrive $0xFFFF  }
0x3e: {  	s31 =	simm.s32 $0x2;
	[sflag:s2] =	ssyncpa.u1 $0x1  }
0x3f: {  	[sflag:s31] =	ssyncpa.u1 $0x1  }
0x40: {  	p0 =	sne.s32 s0, $0x0;
	_ =	strace $0x9000004A  }
0x41: {  	s0 =	sadd.s32 @!p0 $0x100000, s1;
	[bflag:$0x2] =	sbarrier.arrive $0xFFFF  }
0x42: {  	[sflag:s0] =	ssyncadd.tile.s32 @!p0 $0x1;
	_ =	shalt  }
.Lfunc_end1:
_tile_overlayer_lowered:
.L_overlay_start_2:
0x43: {  	(tag) =	ssettag $0x2  }
0x44: {  	s0 =	rddreg [dreg:$0x0];
	s2 =	stileid.u32  }
0x45: {  	s1 =	rddreg [dreg:$0x1];
	p0 =	sne.s32 s2, $0x0  }
0x46: {  	s3 =	rddreg [dreg:$0x2];
	[bflag:$0x3] =	sbarrier.arrive $0xFFFF;
	s2 =	simm.s32 @!p0 $0x1C01  }
0x47: {  	[timem:s3], [sflag:s2] =	dma.local @!p0 [hbm:s0], s1  }
0x48: {  	s0 =	simm.s32 @!p0 $0x1  }
0x49: {  	_ =	swait.ge @!p0 [sflag:s0], s1  }
0x4a: {  	s1 =	ssub.s32 @!p0 $0x0, s1;
	[sflag:s0] =	ssyncset.done @!p0 $0x0  }
0x4b: {  	[sflag:s0] =	ssyncadd.s32 @!p0 s1  }
0x4c: {  	[bflag:$0x3] =	sbarrier.arrive $0xFFFF  }
0x4d: {  	_ =	shalt  }

</sc_bundles>
